<compile_context>
chip_gen: v7x
topology: tpu7x:2x2x1
jax: 0.10.2.dev20260603
libtpu: 0.0.44.dev20260713+nightly
codegen_flags: <defaults>
</compile_context>

<pallas_src>
import functools

import jax
import jax.numpy as jnp
from jax import lax
from jax.experimental import pallas as pl
from jax.experimental.pallas import tpu as pltpu
from jax.experimental.pallas import tpu_sc as plsc

N = 100000
NP = 102400
NPL = NP // 8
E = 6400000
NC, NS = 2, 16
NW = NC * NS
K = 4000
WINDOWS = 50
W2 = WINDOWS // 2
EPW = K * WINDOWS
NPT = NP // NS

_mesh = plsc.VectorSubcoreMesh(core_axis_name="c", subcore_axis_name="s")


@functools.partial(
    pl.kernel,
    out_type=jax.ShapeDtypeStruct((NC * NP,), jnp.float32),
    mesh=_mesh,
    scratch_types=(
        [pltpu.VMEM_SHARED((NP,), jnp.float32)]
        + [pltpu.VMEM((K,), jnp.int32)] * 2
        + [
            pltpu.VMEM((K,), jnp.float32),
            pltpu.VMEM((NPT,), jnp.float32),
        ]
        + [pltpu.SemaphoreType.DMA] * 2
    ),
)
def _deg_sc(dst_hbm, ones_hbm, zeros_hbm, out_hbm, deg_sh,
            dst_v0, dst_v1, ones_v, stage_v, isem0, isem1):
    cid = lax.axis_index("c")
    sid = lax.axis_index("s")
    wid = sid * NC + cid
    pltpu.sync_copy(zeros_hbm.at[pl.ds(sid * NPT, NPT)], stage_v)
    pltpu.sync_copy(stage_v, deg_sh.at[pl.ds(sid * NPT, NPT)])
    pltpu.sync_copy(ones_hbm, ones_v)
    plsc.subcore_barrier()
    e0 = wid * EPW
    dsts = (dst_v0, dst_v1)
    isems = (isem0, isem1)
    pltpu.async_copy(dst_hbm.at[pl.ds(e0, K)], dst_v0, isem0)

    def half(i, cur, w):
        nxt = 1 - cur
        if cur == 1:
            @pl.when(i < W2 - 1)
            def _():
                pltpu.async_copy(dst_hbm.at[pl.ds(e0 + (w + 1) * K, K)],
                                 dsts[nxt], isems[nxt])
        else:
            pltpu.async_copy(dst_hbm.at[pl.ds(e0 + (w + 1) * K, K)],
                             dsts[nxt], isems[nxt])
        pltpu.make_async_copy(dst_hbm.at[pl.ds(e0, K)], dsts[cur],
                              isems[cur]).wait()
        pltpu.sync_copy(ones_v, deg_sh.at[dsts[cur]], add=True)

    def body(i, carry):
        half(i, 0, 2 * i)
        half(i, 1, 2 * i + 1)
        return carry

    lax.fori_loop(0, W2, body, 0)
    plsc.subcore_barrier()
    pltpu.sync_copy(deg_sh.at[pl.ds(sid * NPT, NPT)], stage_v)
    pltpu.sync_copy(stage_v, out_hbm.at[pl.ds(cid * NP + sid * NPT, NPT)])


def _make_prop(nf):
    scratch = (
        [pltpu.VMEM_SHARED((NP,), jnp.float32)] * nf
        + [pltpu.VMEM_SHARED((NP,), jnp.float32)] * nf
        + [pltpu.VMEM((K,), jnp.int32)] * 4
        + [pltpu.VMEM((K,), jnp.float32)] * (2 * nf)
        + [pltpu.VMEM((NPT,), jnp.float32)]
        + [pltpu.SemaphoreType.DMA] * 4
    )

    @functools.partial(
        pl.kernel,
        out_type=[jax.ShapeDtypeStruct((NC * NP,), jnp.float32)] * nf,
        mesh=_mesh,
        scratch_types=scratch,
    )
    def _prop(*args):
        u_hbm = args[:nf]
        src_hbm, dst_hbm, zeros_hbm = args[nf:nf + 3]
        o_hbm = args[nf + 3:2 * nf + 3]
        rest = args[2 * nf + 3:]
        u_shs = rest[:nf]
        a_shs = rest[nf:2 * nf]
        src_vs = rest[2 * nf:2 * nf + 2]
        dst_vs = rest[2 * nf + 2:2 * nf + 4]
        msgs = (rest[2 * nf + 4:3 * nf + 4], rest[3 * nf + 4:4 * nf + 4])
        stage_v = rest[4 * nf + 4]
        isems = rest[4 * nf + 5:4 * nf + 7]
        gsems = rest[4 * nf + 7:4 * nf + 9]

        cid = lax.axis_index("c")
        sid = lax.axis_index("s")
        wid = sid * NC + cid
        ns = pl.ds(sid * NPT, NPT)
        pltpu.sync_copy(zeros_hbm.at[ns], stage_v)
        for a_sh in a_shs:
            pltpu.sync_copy(stage_v, a_sh.at[ns])
        for u_h, u_sh in zip(u_hbm, u_shs):
            pltpu.sync_copy(u_h.at[ns], stage_v)
            pltpu.sync_copy(stage_v, u_sh.at[ns])
        plsc.subcore_barrier()
        e0 = wid * EPW
        pltpu.async_copy(src_hbm.at[pl.ds(e0, K)], src_vs[0], isems[0])
        pltpu.async_copy(dst_hbm.at[pl.ds(e0, K)], dst_vs[0], isems[0])

        def half(i, cur, w):
            nxt = 1 - cur

            def prefetch():
                pltpu.async_copy(src_hbm.at[pl.ds(e0 + (w + 1) * K, K)],
                                 src_vs[nxt], isems[nxt])
                pltpu.async_copy(dst_hbm.at[pl.ds(e0 + (w + 1) * K, K)],
                                 dst_vs[nxt], isems[nxt])

            if cur == 1:
                @pl.when(i < W2 - 1)
                def _():
                    prefetch()
            else:
                prefetch()
            pltpu.make_async_copy(src_hbm.at[pl.ds(e0, K)], src_vs[cur],
                                  isems[cur]).wait()
            pltpu.make_async_copy(dst_hbm.at[pl.ds(e0, K)], dst_vs[cur],
                                  isems[cur]).wait()
            gs = [pltpu.async_copy(u_sh.at[src_vs[cur]], m_v, gsems[cur])
                  for u_sh, m_v in zip(u_shs, msgs[cur])]
            for g in gs:
                g.wait()
            ss = [pltpu.async_copy(m_v, a_sh.at[dst_vs[cur]], gsems[cur],
                                   add=True)
                  for a_sh, m_v in zip(a_shs, msgs[cur])]
            for sc in ss:
                sc.wait()

        def body(i, carry):
            half(i, 0, 2 * i)
            half(i, 1, 2 * i + 1)
            return carry

        lax.fori_loop(0, W2, body, 0)
        plsc.subcore_barrier()
        for a_sh, o_h in zip(a_shs, o_hbm):
            pltpu.sync_copy(a_sh.at[ns], stage_v)
            pltpu.sync_copy(stage_v, o_h.at[pl.ds(cid * NP + sid * NPT, NPT)])

    return _prop


_prop1_sc = _make_prop(1)
_prop3_sc = _make_prop(3)


def _prep_body(degp_ref, xt_ref, dinv_ref, u1_ref):
    deg = degp_ref[0] + degp_ref[1] + 1.0
    r = lax.rsqrt(deg)
    r = r * (1.5 - 0.5 * deg * r * r)
    r = r * (1.5 - 0.5 * deg * r * r)
    dinv = r
    dinv_ref[...] = dinv
    u1_ref[...] = xt_ref[...] * dinv


_prep_tc = pl.pallas_call(
    _prep_body,
    out_shape=[
        jax.ShapeDtypeStruct((8, NPL), jnp.float32),
        jax.ShapeDtypeStruct((8, NPL), jnp.float32),
    ],
)


def _bf16(v):
    bits = jax.lax.bitcast_convert_type(v, jnp.int32)
    rounded = bits + jnp.int32(0x7FFF) + ((bits >> 16) & jnp.int32(1))
    masked = rounded & jnp.int32(-65536)
    return jax.lax.bitcast_convert_type(masked, jnp.float32)


def _epi_m2_body(p_ref, u_ref, dinv_ref, w1_ref, b1_ref, w2b_ref, u2_ref):
    dinv = dinv_ref[...]
    y = (p_ref[0] + p_ref[1] + u_ref[...]) * dinv
    bh1 = [_bf16(jnp.maximum(w1_ref[0, j] * y + b1_ref[j], 0.0))
           for j in range(3)]
    for m in range(3):
        m2 = bh1[0] * w2b_ref[0, m]
        for j in (1, 2):
            m2 = m2 + bh1[j] * w2b_ref[j, m]
        u2_ref[m] = m2 * dinv


_epi_m2 = pl.pallas_call(
    _epi_m2_body,
    in_specs=[
        pl.BlockSpec(memory_space=pltpu.VMEM),
        pl.BlockSpec(memory_space=pltpu.VMEM),
        pl.BlockSpec(memory_space=pltpu.VMEM),
        pl.BlockSpec(memory_space=pltpu.SMEM),
        pl.BlockSpec(memory_space=pltpu.SMEM),
        pl.BlockSpec(memory_space=pltpu.SMEM),
    ],
    out_shape=jax.ShapeDtypeStruct((3, 8, NPL), jnp.float32),
)


def _epi_m3_body(p_ref, u_ref, dinv_ref, b2_ref, w3b_ref, u3_ref):
    dinv = dinv_ref[...]
    bh2 = [_bf16(jnp.maximum(
        (p_ref[0, m] + p_ref[1, m] + u_ref[m]) * dinv + b2_ref[m], 0.0))
        for m in range(3)]
    for j in range(3):
        m3 = bh2[0] * w3b_ref[0, j]
        for m in (1, 2):
            m3 = m3 + bh2[m] * w3b_ref[m, j]
        u3_ref[j] = m3 * dinv


_epi_m3 = pl.pallas_call(
    _epi_m3_body,
    in_specs=[
        pl.BlockSpec(memory_space=pltpu.VMEM),
        pl.BlockSpec(memory_space=pltpu.VMEM),
        pl.BlockSpec(memory_space=pltpu.VMEM),
        pl.BlockSpec(memory_space=pltpu.SMEM),
        pl.BlockSpec(memory_space=pltpu.SMEM),
    ],
    out_shape=jax.ShapeDtypeStruct((3, 8, NPL), jnp.float32),
)


def _epi_out_body(p_ref, u_ref, dinv_ref, b3_ref, h_ref):
    dinv = dinv_ref[...]
    for j in range(3):
        h_ref[j] = jnp.maximum(
            (p_ref[0, j] + p_ref[1, j] + u_ref[j]) * dinv + b3_ref[j], 0.0)


_epi_out = pl.pallas_call(
    _epi_out_body,
    in_specs=[
        pl.BlockSpec(memory_space=pltpu.VMEM),
        pl.BlockSpec(memory_space=pltpu.VMEM),
        pl.BlockSpec(memory_space=pltpu.VMEM),
        pl.BlockSpec(memory_space=pltpu.SMEM),
    ],
    out_shape=jax.ShapeDtypeStruct((3, 8, NPL), jnp.float32),
)


def kernel(x, edge_index, W1, b1, W2, b2, W3, b3):
    srcp = edge_index[0].astype(jnp.int32)
    dstp = edge_index[1].astype(jnp.int32)
    zeros1 = jnp.zeros((NP,), jnp.float32)
    ones = jnp.ones((K,), jnp.float32)
    xt = jnp.pad(x[:, 0], (0, NP - N)).reshape(8, NPL)

    degp = _deg_sc(dstp, ones, zeros1)
    dinvt, u1t = _prep_tc(degp.reshape(NC, 8, NPL), xt)

    w2b = W2.astype(jnp.bfloat16).astype(jnp.float32)
    w3b = W3.astype(jnp.bfloat16).astype(jnp.float32)

    (p1,) = _prop1_sc(u1t.reshape(NP), srcp, dstp, zeros1)
    u2t = _epi_m2(p1.reshape(NC, 8, NPL), u1t, dinvt, W1, b1, w2b)

    u2c = u2t.reshape(3, NP)
    p2 = _prop3_sc(u2c[0], u2c[1], u2c[2], srcp, dstp, zeros1)
    p2s = jnp.stack([c.reshape(NC, 8, NPL) for c in p2], axis=1)
    u3t = _epi_m3(p2s, u2t, dinvt, b2, w3b)

    u3c = u3t.reshape(3, NP)
    p3 = _prop3_sc(u3c[0], u3c[1], u3c[2], srcp, dstp, zeros1)
    p3s = jnp.stack([c.reshape(NC, 8, NPL) for c in p3], axis=1)
    h3t = _epi_out(p3s, u3t, dinvt, b3)

    return h3t.reshape(3, NP).T[:N]

# --- scband reference (transcript-rebuilt; emitter-appended) ---
"""Pipeline reference for scband-model-89902255440605 (READ-ONLY COPY).

The authoritative reference and input builder live on the scoring server;
editing this copy changes nothing except your own understanding.
"""

import jax, jax.numpy as jnp
import numpy as np

N_NODES = 100000
N_EDGES = 6400000

def gcn_conv(x, edge_index, W, b):
    N = x.shape[0]
    src = edge_index[0]
    dst = edge_index[1]
    loop = jnp.arange(N, dtype=src.dtype)
    src = jnp.concatenate([src, loop])
    dst = jnp.concatenate([dst, loop])
    h = x @ W
    deg = jax.ops.segment_sum(jnp.ones(src.shape[0], dtype=h.dtype), dst, num_segments=N)
    dinv = jnp.where(deg > 0, 1.0 / jnp.sqrt(deg), 0.0)
    norm = dinv[src] * dinv[dst]
    msg = h[src] * norm[:, None]
    out = jax.ops.segment_sum(msg, dst, num_segments=N)
    return out + b

def setup_inputs(seed: int = 0) -> dict:
    key = jax.random.key(seed)
    k1, k2, k3, k4, k5 = jax.random.split(key, 5)
    x = jax.random.normal(k1, (N_NODES, 1), dtype=jnp.float32)
    edge_index = jax.random.randint(k2, (2, N_EDGES), 0, N_NODES, dtype=jnp.int64)
    W1 = jax.random.normal(k3, (1, 3), dtype=jnp.float32) * 0.5
    b1 = jnp.zeros((3,), dtype=jnp.float32)
    W2 = jax.random.normal(k4, (3, 3), dtype=jnp.float32) * 0.5
    b2 = jnp.zeros((3,), dtype=jnp.float32)
    W3 = jax.random.normal(k5, (3, 3), dtype=jnp.float32) * 0.5
    b3 = jnp.zeros((3,), dtype=jnp.float32)
    return {"x": x, "edge_index": edge_index, "W1": W1, "b1": b1, "W2": W2, "b2": b2, "W3": W3, "b3": b3}

def reference(x, edge_index, W1, b1, W2, b2, W3, b3):
    h = jax.nn.relu(gcn_conv(x, edge_index, W1, b1))
    h = jax.nn.relu(gcn_conv(h, edge_index, W2, b2))
    h = jax.nn.relu(gcn_conv(h, edge_index, W3, b3))
    return h

if __name__ == "__main__":
    import jax
    _d = setup_inputs()
    print(jax.jit(kernel)(*tuple(_d.values())))

</pallas_src>

<mosaic_0001>
#map = affine_map<(d0, d1) -> (0)>
module attributes {stable_mosaic.version = 14 : i64} {
  func.func @_prop(%arg0: i32, %arg1: i32, %arg2: memref<102400xf32, #tpu.memory_space<hbm>>, %arg3: memref<6400000xi32, #tpu.memory_space<hbm>>, %arg4: memref<6400000xi32, #tpu.memory_space<hbm>>, %arg5: memref<102400xf32, #tpu.memory_space<hbm>>, %arg6: memref<204800xf32, #tpu.memory_space<hbm>>, %arg7: memref<102400xf32, #tpu.memory_space<vmem_shared>>, %arg8: memref<102400xf32, #tpu.memory_space<vmem_shared>>, %arg9: memref<4000xi32, #tpu.memory_space<vmem>>, %arg10: memref<4000xi32, #tpu.memory_space<vmem>>, %arg11: memref<4000xi32, #tpu.memory_space<vmem>>, %arg12: memref<4000xi32, #tpu.memory_space<vmem>>, %arg13: memref<4000xf32, #tpu.memory_space<vmem>>, %arg14: memref<4000xf32, #tpu.memory_space<vmem>>, %arg15: memref<6400xf32, #tpu.memory_space<vmem>>, %arg16: memref<!tpu.dma_semaphore, #tpu.memory_space<semaphore_mem>>, %arg17: memref<!tpu.dma_semaphore, #tpu.memory_space<semaphore_mem>>, %arg18: memref<!tpu.dma_semaphore, #tpu.memory_space<semaphore_mem>>, %arg19: memref<!tpu.dma_semaphore, #tpu.memory_space<semaphore_mem>>) attributes {dimension_semantics = [#tpu.dimension_semantics<core_parallel>, #tpu.dimension_semantics<subcore_parallel>], iteration_bounds = array<i64: 2, 16>, scalar_prefetch = 0 : i64, scratch_operands = 13 : i64, tpu.core_type = #tpu.core_type<sc_vector_subcore>, window_params = [{transform_indices = #map}, {transform_indices = #map}, {transform_indices = #map}, {transform_indices = #map}, {transform_indices = #map}]} {
    %mul3A = arith.constant 2 : i32
    %mul3A_0 = arith.muli %arg1, %mul3A : i32
    %add3A = arith.addi %mul3A_0, %arg0 : i32
    %mul3A_1 = arith.constant 6400 : i32
    %mul3A_2 = arith.muli %arg1, %mul3A_1 : i32
    "tpu.region"() ({
      %run_scoped3A = tpu.sem_alloc : memref<!tpu.dma_semaphore, #tpu.memory_space<semaphore_mem>>
      %dma_start3A_19 = tpu.memref_slice %arg5[%mul3A_2] : memref<102400xf32, #tpu.memory_space<hbm>> -> memref<6400xf32, #tpu.memory_space<hbm>>
      %dma_start3A_20 = tpu.memref_slice %arg5[%mul3A_2] : memref<102400xf32, #tpu.memory_space<hbm>> -> memref<6400xf32, #tpu.memory_space<hbm>>
      tpu.enqueue_dma source(%dma_start3A_20 : memref<6400xf32, #tpu.memory_space<hbm>>) target(%arg15 : memref<6400xf32, #tpu.memory_space<vmem>>) target_semaphore(%run_scoped3A : memref<!tpu.dma_semaphore, #tpu.memory_space<semaphore_mem>>)
      %dma_wait3A = tpu.memref_slice %arg5[%mul3A_2] : memref<102400xf32, #tpu.memory_space<hbm>> -> memref<6400xf32, #tpu.memory_space<hbm>>
      %dma_wait3A_21 = tpu.memref_slice %arg5[%mul3A_2] : memref<102400xf32, #tpu.memory_space<hbm>> -> memref<6400xf32, #tpu.memory_space<hbm>>
      tpu.wait_dma2 semaphore(%run_scoped3A : memref<!tpu.dma_semaphore, #tpu.memory_space<semaphore_mem>>) src(%dma_wait3A_21 : memref<6400xf32, #tpu.memory_space<hbm>>) dst(%arg15 : memref<6400xf32, #tpu.memory_space<vmem>>)
      tpu.yield
    }) : () -> ()
    "tpu.region"() ({
      %run_scoped3A = tpu.sem_alloc : memref<!tpu.dma_semaphore, #tpu.memory_space<semaphore_mem>>
      %dma_start3A_19 = tpu.memref_slice %arg8[%mul3A_2] : memref<102400xf32, #tpu.memory_space<vmem_shared>> -> memref<6400xf32, #tpu.memory_space<vmem_shared>>
      %dma_start3A_20 = tpu.memref_slice %arg8[%mul3A_2] : memref<102400xf32, #tpu.memory_space<vmem_shared>> -> memref<6400xf32, #tpu.memory_space<vmem_shared>>
      tpu.enqueue_dma source(%arg15 : memref<6400xf32, #tpu.memory_space<vmem>>) target(%dma_start3A_20 : memref<6400xf32, #tpu.memory_space<vmem_shared>>) target_semaphore(%run_scoped3A : memref<!tpu.dma_semaphore, #tpu.memory_space<semaphore_mem>>)
      %dma_wait3A = tpu.memref_slice %arg8[%mul3A_2] : memref<102400xf32, #tpu.memory_space<vmem_shared>> -> memref<6400xf32, #tpu.memory_space<vmem_shared>>
      %dma_wait3A_21 = tpu.memref_slice %arg8[%mul3A_2] : memref<102400xf32, #tpu.memory_space<vmem_shared>> -> memref<6400xf32, #tpu.memory_space<vmem_shared>>
      tpu.wait_dma2 semaphore(%run_scoped3A : memref<!tpu.dma_semaphore, #tpu.memory_space<semaphore_mem>>) src(%arg15 : memref<6400xf32, #tpu.memory_space<vmem>>) dst(%dma_wait3A_21 : memref<6400xf32, #tpu.memory_space<vmem_shared>>)
      tpu.yield
    }) : () -> ()
    "tpu.region"() ({
      %run_scoped3A = tpu.sem_alloc : memref<!tpu.dma_semaphore, #tpu.memory_space<semaphore_mem>>
      %dma_start3A_19 = tpu.memref_slice %arg2[%mul3A_2] : memref<102400xf32, #tpu.memory_space<hbm>> -> memref<6400xf32, #tpu.memory_space<hbm>>
      %dma_start3A_20 = tpu.memref_slice %arg2[%mul3A_2] : memref<102400xf32, #tpu.memory_space<hbm>> -> memref<6400xf32, #tpu.memory_space<hbm>>
      tpu.enqueue_dma source(%dma_start3A_20 : memref<6400xf32, #tpu.memory_space<hbm>>) target(%arg15 : memref<6400xf32, #tpu.memory_space<vmem>>) target_semaphore(%run_scoped3A : memref<!tpu.dma_semaphore, #tpu.memory_space<semaphore_mem>>)
      %dma_wait3A = tpu.memref_slice %arg2[%mul3A_2] : memref<102400xf32, #tpu.memory_space<hbm>> -> memref<6400xf32, #tpu.memory_space<hbm>>
      %dma_wait3A_21 = tpu.memref_slice %arg2[%mul3A_2] : memref<102400xf32, #tpu.memory_space<hbm>> -> memref<6400xf32, #tpu.memory_space<hbm>>
      tpu.wait_dma2 semaphore(%run_scoped3A : memref<!tpu.dma_semaphore, #tpu.memory_space<semaphore_mem>>) src(%dma_wait3A_21 : memref<6400xf32, #tpu.memory_space<hbm>>) dst(%arg15 : memref<6400xf32, #tpu.memory_space<vmem>>)
      tpu.yield
    }) : () -> ()
    "tpu.region"() ({
      %run_scoped3A = tpu.sem_alloc : memref<!tpu.dma_semaphore, #tpu.memory_space<semaphore_mem>>
      %dma_start3A_19 = tpu.memref_slice %arg7[%mul3A_2] : memref<102400xf32, #tpu.memory_space<vmem_shared>> -> memref<6400xf32, #tpu.memory_space<vmem_shared>>
      %dma_start3A_20 = tpu.memref_slice %arg7[%mul3A_2] : memref<102400xf32, #tpu.memory_space<vmem_shared>> -> memref<6400xf32, #tpu.memory_space<vmem_shared>>
      tpu.enqueue_dma source(%arg15 : memref<6400xf32, #tpu.memory_space<vmem>>) target(%dma_start3A_20 : memref<6400xf32, #tpu.memory_space<vmem_shared>>) target_semaphore(%run_scoped3A : memref<!tpu.dma_semaphore, #tpu.memory_space<semaphore_mem>>)
      %dma_wait3A = tpu.memref_slice %arg7[%mul3A_2] : memref<102400xf32, #tpu.memory_space<vmem_shared>> -> memref<6400xf32, #tpu.memory_space<vmem_shared>>
      %dma_wait3A_21 = tpu.memref_slice %arg7[%mul3A_2] : memref<102400xf32, #tpu.memory_space<vmem_shared>> -> memref<6400xf32, #tpu.memory_space<vmem_shared>>
      tpu.wait_dma2 semaphore(%run_scoped3A : memref<!tpu.dma_semaphore, #tpu.memory_space<semaphore_mem>>) src(%arg15 : memref<6400xf32, #tpu.memory_space<vmem>>) dst(%dma_wait3A_21 : memref<6400xf32, #tpu.memory_space<vmem_shared>>)
      tpu.yield
    }) : () -> ()
    %barrier3A = arith.constant 0 : index
    tpu.barrier barrier_id(%barrier3A)
    %mul3A_3 = arith.constant 200000 : i32
    %mul3A_4 = arith.muli %add3A, %mul3A_3 : i32
    %dma_start3A = tpu.memref_slice %arg3[%mul3A_4] : memref<6400000xi32, #tpu.memory_space<hbm>> -> memref<4000xi32, #tpu.memory_space<hbm>>
    %dma_start3A_5 = tpu.memref_slice %arg3[%mul3A_4] : memref<6400000xi32, #tpu.memory_space<hbm>> -> memref<4000xi32, #tpu.memory_space<hbm>>
    tpu.enqueue_dma source(%dma_start3A_5 : memref<4000xi32, #tpu.memory_space<hbm>>) target(%arg9 : memref<4000xi32, #tpu.memory_space<vmem>>) target_semaphore(%arg16 : memref<!tpu.dma_semaphore, #tpu.memory_space<semaphore_mem>>)
    %dma_start3A_6 = tpu.memref_slice %arg4[%mul3A_4] : memref<6400000xi32, #tpu.memory_space<hbm>> -> memref<4000xi32, #tpu.memory_space<hbm>>
    %dma_start3A_7 = tpu.memref_slice %arg4[%mul3A_4] : memref<6400000xi32, #tpu.memory_space<hbm>> -> memref<4000xi32, #tpu.memory_space<hbm>>
    tpu.enqueue_dma source(%dma_start3A_7 : memref<4000xi32, #tpu.memory_space<hbm>>) target(%arg11 : memref<4000xi32, #tpu.memory_space<vmem>>) target_semaphore(%arg16 : memref<!tpu.dma_semaphore, #tpu.memory_space<semaphore_mem>>)
    %scan3A = arith.constant 0 : i32
    %scan3A_8 = arith.constant 0 : i32
    %scan3A_9 = arith.constant 25 : i32
    %scan3A_10 = arith.addi %scan3A_8, %scan3A_9 : i32
    %scan3A_11 = arith.constant 1 : i32
    scf.for %scan3A_19 = %scan3A_8 to %scan3A_10 step %scan3A_11  : i32 {
      %mul3A_20 = arith.constant 2 : i32
      %mul3A_21 = arith.muli %mul3A_20, %scan3A_19 : i32
      %add3A_22 = arith.constant 1 : i32
      %add3A_23 = arith.addi %mul3A_21, %add3A_22 : i32
      %mul3A_24 = arith.constant 4000 : i32
      %mul3A_25 = arith.muli %add3A_23, %mul3A_24 : i32
      %add3A_26 = arith.addi %mul3A_4, %mul3A_25 : i32
      %dma_start3A_27 = tpu.memref_slice %arg3[%add3A_26] : memref<6400000xi32, #tpu.memory_space<hbm>> -> memref<4000xi32, #tpu.memory_space<hbm>>
      %dma_start3A_28 = tpu.memref_slice %arg3[%add3A_26] : memref<6400000xi32, #tpu.memory_space<hbm>> -> memref<4000xi32, #tpu.memory_space<hbm>>
      tpu.enqueue_dma source(%dma_start3A_28 : memref<4000xi32, #tpu.memory_space<hbm>>) target(%arg10 : memref<4000xi32, #tpu.memory_space<vmem>>) target_semaphore(%arg17 : memref<!tpu.dma_semaphore, #tpu.memory_space<semaphore_mem>>)
      %add3A_29 = arith.constant 1 : i32
      %add3A_30 = arith.addi %mul3A_21, %add3A_29 : i32
      %mul3A_31 = arith.constant 4000 : i32
      %mul3A_32 = arith.muli %add3A_30, %mul3A_31 : i32
      %add3A_33 = arith.addi %mul3A_4, %mul3A_32 : i32
      %dma_start3A_34 = tpu.memref_slice %arg4[%add3A_33] : memref<6400000xi32, #tpu.memory_space<hbm>> -> memref<4000xi32, #tpu.memory_space<hbm>>
      %dma_start3A_35 = tpu.memref_slice %arg4[%add3A_33] : memref<6400000xi32, #tpu.memory_space<hbm>> -> memref<4000xi32, #tpu.memory_space<hbm>>
      tpu.enqueue_dma source(%dma_start3A_35 : memref<4000xi32, #tpu.memory_space<hbm>>) target(%arg12 : memref<4000xi32, #tpu.memory_space<vmem>>) target_semaphore(%arg17 : memref<!tpu.dma_semaphore, #tpu.memory_space<semaphore_mem>>)
      %dma_wait3A = tpu.memref_slice %arg3[%mul3A_4] : memref<6400000xi32, #tpu.memory_space<hbm>> -> memref<4000xi32, #tpu.memory_space<hbm>>
      %dma_wait3A_36 = tpu.memref_slice %arg3[%mul3A_4] : memref<6400000xi32, #tpu.memory_space<hbm>> -> memref<4000xi32, #tpu.memory_space<hbm>>
      tpu.wait_dma2 semaphore(%arg16 : memref<!tpu.dma_semaphore, #tpu.memory_space<semaphore_mem>>) src(%dma_wait3A_36 : memref<4000xi32, #tpu.memory_space<hbm>>) dst(%arg9 : memref<4000xi32, #tpu.memory_space<vmem>>)
      %dma_wait3A_37 = tpu.memref_slice %arg4[%mul3A_4] : memref<6400000xi32, #tpu.memory_space<hbm>> -> memref<4000xi32, #tpu.memory_space<hbm>>
      %dma_wait3A_38 = tpu.memref_slice %arg4[%mul3A_4] : memref<6400000xi32, #tpu.memory_space<hbm>> -> memref<4000xi32, #tpu.memory_space<hbm>>
      tpu.wait_dma2 semaphore(%arg16 : memref<!tpu.dma_semaphore, #tpu.memory_space<semaphore_mem>>) src(%dma_wait3A_38 : memref<4000xi32, #tpu.memory_space<hbm>>) dst(%arg11 : memref<4000xi32, #tpu.memory_space<vmem>>)
      %dma_start3A_39 = arith.constant 0 : i32
      %dma_start3A_40 = tpu.memref_slice %arg7[%dma_start3A_39] : memref<102400xf32, #tpu.memory_space<vmem_shared>> -> memref<102400xf32, #tpu.memory_space<vmem_shared>>
      tpu.enqueue_indirect_dma source(%dma_start3A_40 : memref<102400xf32, #tpu.memory_space<vmem_shared>>) target(%arg13 : memref<4000xf32, #tpu.memory_space<vmem>>) offsets(%arg9 : memref<4000xi32, #tpu.memory_space<vmem>>) semaphore(%arg18 : memref<!tpu.dma_semaphore, #tpu.memory_space<semaphore_mem>>)
      %dma_wait3A_41 = arith.constant 0 : i32
      %dma_wait3A_42 = tpu.memref_slice %arg7[%dma_wait3A_41] : memref<102400xf32, #tpu.memory_space<vmem_shared>> -> memref<102400xf32, #tpu.memory_space<vmem_shared>>
      tpu.wait_indirect_dma semaphore(%arg18 : memref<!tpu.dma_semaphore, #tpu.memory_space<semaphore_mem>>) src(%dma_wait3A_42 : memref<102400xf32, #tpu.memory_space<vmem_shared>>) dst(%arg13 : memref<4000xf32, #tpu.memory_space<vmem>>)
      %dma_start3A_43 = arith.constant 0 : i32
      %dma_start3A_44 = tpu.memref_slice %arg8[%dma_start3A_43] : memref<102400xf32, #tpu.memory_space<vmem_shared>> -> memref<102400xf32, #tpu.memory_space<vmem_shared>>
      tpu.enqueue_indirect_dma source(%arg13 : memref<4000xf32, #tpu.memory_space<vmem>>) target(%dma_start3A_44 : memref<102400xf32, #tpu.memory_space<vmem_shared>>) offsets(%arg11 : memref<4000xi32, #tpu.memory_space<vmem>>) semaphore(%arg18 : memref<!tpu.dma_semaphore, #tpu.memory_space<semaphore_mem>>) {add = true}
      %dma_wait3A_45 = arith.constant 0 : i32
      %dma_wait3A_46 = tpu.memref_slice %arg8[%dma_wait3A_45] : memref<102400xf32, #tpu.memory_space<vmem_shared>> -> memref<102400xf32, #tpu.memory_space<vmem_shared>>
      tpu.wait_indirect_dma semaphore(%arg18 : memref<!tpu.dma_semaphore, #tpu.memory_space<semaphore_mem>>) src(%arg13 : memref<4000xf32, #tpu.memory_space<vmem>>) dst(%dma_wait3A_46 : memref<102400xf32, #tpu.memory_space<vmem_shared>>)
      %mul3A_47 = arith.constant 2 : i32
      %mul3A_48 = arith.muli %mul3A_47, %scan3A_19 : i32
      %add3A_49 = arith.constant 1 : i32
      %add3A_50 = arith.addi %mul3A_48, %add3A_49 : i32
      %lt3A = arith.constant 24 : i32
      %lt3A_51 = arith.cmpi slt, %scan3A_19, %lt3A : i32
      %convert_element_type3A = arith.extui %lt3A_51 : i1 to i32
      %cond3A = arith.constant 0 : i32
      %cond3A_52 = arith.cmpi ne, %convert_element_type3A, %cond3A : i32
      scf.if %cond3A_52 {
        %add3A_65 = arith.constant 1 : i32
        %add3A_66 = arith.addi %add3A_50, %add3A_65 : i32
        %mul3A_67 = arith.constant 4000 : i32
        %mul3A_68 = arith.muli %add3A_66, %mul3A_67 : i32
        %add3A_69 = arith.addi %mul3A_4, %mul3A_68 : i32
        %dma_start3A_70 = tpu.memref_slice %arg3[%add3A_69] : memref<6400000xi32, #tpu.memory_space<hbm>> -> memref<4000xi32, #tpu.memory_space<hbm>>
        %dma_start3A_71 = tpu.memref_slice %arg3[%add3A_69] : memref<6400000xi32, #tpu.memory_space<hbm>> -> memref<4000xi32, #tpu.memory_space<hbm>>
        tpu.enqueue_dma source(%dma_start3A_71 : memref<4000xi32, #tpu.memory_space<hbm>>) target(%arg9 : memref<4000xi32, #tpu.memory_space<vmem>>) target_semaphore(%arg16 : memref<!tpu.dma_semaphore, #tpu.memory_space<semaphore_mem>>)
        %add3A_72 = arith.constant 1 : i32
        %add3A_73 = arith.addi %add3A_50, %add3A_72 : i32
        %mul3A_74 = arith.constant 4000 : i32
        %mul3A_75 = arith.muli %add3A_73, %mul3A_74 : i32
        %add3A_76 = arith.addi %mul3A_4, %mul3A_75 : i32
        %dma_start3A_77 = tpu.memref_slice %arg4[%add3A_76] : memref<6400000xi32, #tpu.memory_space<hbm>> -> memref<4000xi32, #tpu.memory_space<hbm>>
        %dma_start3A_78 = tpu.memref_slice %arg4[%add3A_76] : memref<6400000xi32, #tpu.memory_space<hbm>> -> memref<4000xi32, #tpu.memory_space<hbm>>
        tpu.enqueue_dma source(%dma_start3A_78 : memref<4000xi32, #tpu.memory_space<hbm>>) target(%arg11 : memref<4000xi32, #tpu.memory_space<vmem>>) target_semaphore(%arg16 : memref<!tpu.dma_semaphore, #tpu.memory_space<semaphore_mem>>)
      } else {
      }
      %dma_wait3A_53 = tpu.memref_slice %arg3[%mul3A_4] : memref<6400000xi32, #tpu.memory_space<hbm>> -> memref<4000xi32, #tpu.memory_space<hbm>>
      %dma_wait3A_54 = tpu.memref_slice %arg3[%mul3A_4] : memref<6400000xi32, #tpu.memory_space<hbm>> -> memref<4000xi32, #tpu.memory_space<hbm>>
      tpu.wait_dma2 semaphore(%arg17 : memref<!tpu.dma_semaphore, #tpu.memory_space<semaphore_mem>>) src(%dma_wait3A_54 : memref<4000xi32, #tpu.memory_space<hbm>>) dst(%arg10 : memref<4000xi32, #tpu.memory_space<vmem>>)
      %dma_wait3A_55 = tpu.memref_slice %arg4[%mul3A_4] : memref<6400000xi32, #tpu.memory_space<hbm>> -> memref<4000xi32, #tpu.memory_space<hbm>>
      %dma_wait3A_56 = tpu.memref_slice %arg4[%mul3A_4] : memref<6400000xi32, #tpu.memory_space<hbm>> -> memref<4000xi32, #tpu.memory_space<hbm>>
      tpu.wait_dma2 semaphore(%arg17 : memref<!tpu.dma_semaphore, #tpu.memory_space<semaphore_mem>>) src(%dma_wait3A_56 : memref<4000xi32, #tpu.memory_space<hbm>>) dst(%arg12 : memref<4000xi32, #tpu.memory_space<vmem>>)
      %dma_start3A_57 = arith.constant 0 : i32
      %dma_start3A_58 = tpu.memref_slice %arg7[%dma_start3A_57] : memref<102400xf32, #tpu.memory_space<vmem_shared>> -> memref<102400xf32, #tpu.memory_space<vmem_shared>>
      tpu.enqueue_indirect_dma source(%dma_start3A_58 : memref<102400xf32, #tpu.memory_space<vmem_shared>>) target(%arg14 : memref<4000xf32, #tpu.memory_space<vmem>>) offsets(%arg10 : memref<4000xi32, #tpu.memory_space<vmem>>) semaphore(%arg19 : memref<!tpu.dma_semaphore, #tpu.memory_space<semaphore_mem>>)
      %dma_wait3A_59 = arith.constant 0 : i32
      %dma_wait3A_60 = tpu.memref_slice %arg7[%dma_wait3A_59] : memref<102400xf32, #tpu.memory_space<vmem_shared>> -> memref<102400xf32, #tpu.memory_space<vmem_shared>>
      tpu.wait_indirect_dma semaphore(%arg19 : memref<!tpu.dma_semaphore, #tpu.memory_space<semaphore_mem>>) src(%dma_wait3A_60 : memref<102400xf32, #tpu.memory_space<vmem_shared>>) dst(%arg14 : memref<4000xf32, #tpu.memory_space<vmem>>)
      %dma_start3A_61 = arith.constant 0 : i32
      %dma_start3A_62 = tpu.memref_slice %arg8[%dma_start3A_61] : memref<102400xf32, #tpu.memory_space<vmem_shared>> -> memref<102400xf32, #tpu.memory_space<vmem_shared>>
      tpu.enqueue_indirect_dma source(%arg14 : memref<4000xf32, #tpu.memory_space<vmem>>) target(%dma_start3A_62 : memref<102400xf32, #tpu.memory_space<vmem_shared>>) offsets(%arg12 : memref<4000xi32, #tpu.memory_space<vmem>>) semaphore(%arg19 : memref<!tpu.dma_semaphore, #tpu.memory_space<semaphore_mem>>) {add = true}
      %dma_wait3A_63 = arith.constant 0 : i32
      %dma_wait3A_64 = tpu.memref_slice %arg8[%dma_wait3A_63] : memref<102400xf32, #tpu.memory_space<vmem_shared>> -> memref<102400xf32, #tpu.memory_space<vmem_shared>>
      tpu.wait_indirect_dma semaphore(%arg19 : memref<!tpu.dma_semaphore, #tpu.memory_space<semaphore_mem>>) src(%arg14 : memref<4000xf32, #tpu.memory_space<vmem>>) dst(%dma_wait3A_64 : memref<102400xf32, #tpu.memory_space<vmem_shared>>)
    }
    %scan3A_12 = arith.constant 25 : i32
    %barrier3A_13 = arith.constant 0 : index
    tpu.barrier barrier_id(%barrier3A_13)
    "tpu.region"() ({
      %run_scoped3A = tpu.sem_alloc : memref<!tpu.dma_semaphore, #tpu.memory_space<semaphore_mem>>
      %dma_start3A_19 = tpu.memref_slice %arg8[%mul3A_2] : memref<102400xf32, #tpu.memory_space<vmem_shared>> -> memref<6400xf32, #tpu.memory_space<vmem_shared>>
      %dma_start3A_20 = tpu.memref_slice %arg8[%mul3A_2] : memref<102400xf32, #tpu.memory_space<vmem_shared>> -> memref<6400xf32, #tpu.memory_space<vmem_shared>>
      tpu.enqueue_dma source(%dma_start3A_20 : memref<6400xf32, #tpu.memory_space<vmem_shared>>) target(%arg15 : memref<6400xf32, #tpu.memory_space<vmem>>) target_semaphore(%run_scoped3A : memref<!tpu.dma_semaphore, #tpu.memory_space<semaphore_mem>>)
      %dma_wait3A = tpu.memref_slice %arg8[%mul3A_2] : memref<102400xf32, #tpu.memory_space<vmem_shared>> -> memref<6400xf32, #tpu.memory_space<vmem_shared>>
      %dma_wait3A_21 = tpu.memref_slice %arg8[%mul3A_2] : memref<102400xf32, #tpu.memory_space<vmem_shared>> -> memref<6400xf32, #tpu.memory_space<vmem_shared>>
      tpu.wait_dma2 semaphore(%run_scoped3A : memref<!tpu.dma_semaphore, #tpu.memory_space<semaphore_mem>>) src(%dma_wait3A_21 : memref<6400xf32, #tpu.memory_space<vmem_shared>>) dst(%arg15 : memref<6400xf32, #tpu.memory_space<vmem>>)
      tpu.yield
    }) : () -> ()
    %mul3A_14 = arith.constant 102400 : i32
    %mul3A_15 = arith.muli %arg0, %mul3A_14 : i32
    %mul3A_16 = arith.constant 6400 : i32
    %mul3A_17 = arith.muli %arg1, %mul3A_16 : i32
    %add3A_18 = arith.addi %mul3A_15, %mul3A_17 : i32
    "tpu.region"() ({
      %run_scoped3A = tpu.sem_alloc : memref<!tpu.dma_semaphore, #tpu.memory_space<semaphore_mem>>
      %dma_start3A_19 = tpu.memref_slice %arg6[%add3A_18] : memref<204800xf32, #tpu.memory_space<hbm>> -> memref<6400xf32, #tpu.memory_space<hbm>>
      %dma_start3A_20 = tpu.memref_slice %arg6[%add3A_18] : memref<204800xf32, #tpu.memory_space<hbm>> -> memref<6400xf32, #tpu.memory_space<hbm>>
      tpu.enqueue_dma source(%arg15 : memref<6400xf32, #tpu.memory_space<vmem>>) target(%dma_start3A_20 : memref<6400xf32, #tpu.memory_space<hbm>>) target_semaphore(%run_scoped3A : memref<!tpu.dma_semaphore, #tpu.memory_space<semaphore_mem>>)
      %dma_wait3A = tpu.memref_slice %arg6[%add3A_18] : memref<204800xf32, #tpu.memory_space<hbm>> -> memref<6400xf32, #tpu.memory_space<hbm>>
      %dma_wait3A_21 = tpu.memref_slice %arg6[%add3A_18] : memref<204800xf32, #tpu.memory_space<hbm>> -> memref<6400xf32, #tpu.memory_space<hbm>>
      tpu.wait_dma2 semaphore(%run_scoped3A : memref<!tpu.dma_semaphore, #tpu.memory_space<semaphore_mem>>) src(%arg15 : memref<6400xf32, #tpu.memory_space<vmem>>) dst(%dma_wait3A_21 : memref<6400xf32, #tpu.memory_space<hbm>>)
      tpu.yield
    }) : () -> ()
    return
  }
}

#map = affine_map<(d0, d1) -> (0)>
module attributes {stable_mosaic.version = 14 : i64} {
  func.func @_deg_sc(%arg0: i32, %arg1: i32, %arg2: memref<6400000xi32, #tpu.memory_space<hbm>>, %arg3: memref<4000xf32, #tpu.memory_space<hbm>>, %arg4: memref<102400xf32, #tpu.memory_space<hbm>>, %arg5: memref<204800xf32, #tpu.memory_space<hbm>>, %arg6: memref<102400xf32, #tpu.memory_space<vmem_shared>>, %arg7: memref<4000xi32, #tpu.memory_space<vmem>>, %arg8: memref<4000xi32, #tpu.memory_space<vmem>>, %arg9: memref<4000xf32, #tpu.memory_space<vmem>>, %arg10: memref<6400xf32, #tpu.memory_space<vmem>>, %arg11: memref<!tpu.dma_semaphore, #tpu.memory_space<semaphore_mem>>, %arg12: memref<!tpu.dma_semaphore, #tpu.memory_space<semaphore_mem>>) attributes {dimension_semantics = [#tpu.dimension_semantics<core_parallel>, #tpu.dimension_semantics<subcore_parallel>], iteration_bounds = array<i64: 2, 16>, scalar_prefetch = 0 : i64, scratch_operands = 7 : i64, tpu.core_type = #tpu.core_type<sc_vector_subcore>, window_params = [{transform_indices = #map}, {transform_indices = #map}, {transform_indices = #map}, {transform_indices = #map}]} {
    %mul3A = arith.constant 2 : i32
    %mul3A_0 = arith.muli %arg1, %mul3A : i32
    %add3A = arith.addi %mul3A_0, %arg0 : i32
    %mul3A_1 = arith.constant 6400 : i32
    %mul3A_2 = arith.muli %arg1, %mul3A_1 : i32
    "tpu.region"() ({
      %run_scoped3A = tpu.sem_alloc : memref<!tpu.dma_semaphore, #tpu.memory_space<semaphore_mem>>
      %dma_start3A_21 = tpu.memref_slice %arg4[%mul3A_2] : memref<102400xf32, #tpu.memory_space<hbm>> -> memref<6400xf32, #tpu.memory_space<hbm>>
      %dma_start3A_22 = tpu.memref_slice %arg4[%mul3A_2] : memref<102400xf32, #tpu.memory_space<hbm>> -> memref<6400xf32, #tpu.memory_space<hbm>>
      tpu.enqueue_dma source(%dma_start3A_22 : memref<6400xf32, #tpu.memory_space<hbm>>) target(%arg10 : memref<6400xf32, #tpu.memory_space<vmem>>) target_semaphore(%run_scoped3A : memref<!tpu.dma_semaphore, #tpu.memory_space<semaphore_mem>>)
      %dma_wait3A = tpu.memref_slice %arg4[%mul3A_2] : memref<102400xf32, #tpu.memory_space<hbm>> -> memref<6400xf32, #tpu.memory_space<hbm>>
      %dma_wait3A_23 = tpu.memref_slice %arg4[%mul3A_2] : memref<102400xf32, #tpu.memory_space<hbm>> -> memref<6400xf32, #tpu.memory_space<hbm>>
      tpu.wait_dma2 semaphore(%run_scoped3A : memref<!tpu.dma_semaphore, #tpu.memory_space<semaphore_mem>>) src(%dma_wait3A_23 : memref<6400xf32, #tpu.memory_space<hbm>>) dst(%arg10 : memref<6400xf32, #tpu.memory_space<vmem>>)
      tpu.yield
    }) : () -> ()
    %mul3A_3 = arith.constant 6400 : i32
    %mul3A_4 = arith.muli %arg1, %mul3A_3 : i32
    "tpu.region"() ({
      %run_scoped3A = tpu.sem_alloc : memref<!tpu.dma_semaphore, #tpu.memory_space<semaphore_mem>>
      %dma_start3A_21 = tpu.memref_slice %arg6[%mul3A_4] : memref<102400xf32, #tpu.memory_space<vmem_shared>> -> memref<6400xf32, #tpu.memory_space<vmem_shared>>
      %dma_start3A_22 = tpu.memref_slice %arg6[%mul3A_4] : memref<102400xf32, #tpu.memory_space<vmem_shared>> -> memref<6400xf32, #tpu.memory_space<vmem_shared>>
      tpu.enqueue_dma source(%arg10 : memref<6400xf32, #tpu.memory_space<vmem>>) target(%dma_start3A_22 : memref<6400xf32, #tpu.memory_space<vmem_shared>>) target_semaphore(%run_scoped3A : memref<!tpu.dma_semaphore, #tpu.memory_space<semaphore_mem>>)
      %dma_wait3A = tpu.memref_slice %arg6[%mul3A_4] : memref<102400xf32, #tpu.memory_space<vmem_shared>> -> memref<6400xf32, #tpu.memory_space<vmem_shared>>
      %dma_wait3A_23 = tpu.memref_slice %arg6[%mul3A_4] : memref<102400xf32, #tpu.memory_space<vmem_shared>> -> memref<6400xf32, #tpu.memory_space<vmem_shared>>
      tpu.wait_dma2 semaphore(%run_scoped3A : memref<!tpu.dma_semaphore, #tpu.memory_space<semaphore_mem>>) src(%arg10 : memref<6400xf32, #tpu.memory_space<vmem>>) dst(%dma_wait3A_23 : memref<6400xf32, #tpu.memory_space<vmem_shared>>)
      tpu.yield
    }) : () -> ()
    "tpu.region"() ({
      %run_scoped3A = tpu.sem_alloc : memref<!tpu.dma_semaphore, #tpu.memory_space<semaphore_mem>>
      tpu.enqueue_dma source(%arg3 : memref<4000xf32, #tpu.memory_space<hbm>>) target(%arg9 : memref<4000xf32, #tpu.memory_space<vmem>>) target_semaphore(%run_scoped3A : memref<!tpu.dma_semaphore, #tpu.memory_space<semaphore_mem>>)
      tpu.wait_dma2 semaphore(%run_scoped3A : memref<!tpu.dma_semaphore, #tpu.memory_space<semaphore_mem>>) src(%arg3 : memref<4000xf32, #tpu.memory_space<hbm>>) dst(%arg9 : memref<4000xf32, #tpu.memory_space<vmem>>)
      tpu.yield
    }) : () -> ()
    %barrier3A = arith.constant 0 : index
    tpu.barrier barrier_id(%barrier3A)
    %mul3A_5 = arith.constant 200000 : i32
    %mul3A_6 = arith.muli %add3A, %mul3A_5 : i32
    %dma_start3A = tpu.memref_slice %arg2[%mul3A_6] : memref<6400000xi32, #tpu.memory_space<hbm>> -> memref<4000xi32, #tpu.memory_space<hbm>>
    %dma_start3A_7 = tpu.memref_slice %arg2[%mul3A_6] : memref<6400000xi32, #tpu.memory_space<hbm>> -> memref<4000xi32, #tpu.memory_space<hbm>>
    tpu.enqueue_dma source(%dma_start3A_7 : memref<4000xi32, #tpu.memory_space<hbm>>) target(%arg7 : memref<4000xi32, #tpu.memory_space<vmem>>) target_semaphore(%arg11 : memref<!tpu.dma_semaphore, #tpu.memory_space<semaphore_mem>>)
    %scan3A = arith.constant 0 : i32
    %scan3A_8 = arith.constant 0 : i32
    %scan3A_9 = arith.constant 25 : i32
    %scan3A_10 = arith.addi %scan3A_8, %scan3A_9 : i32
    %scan3A_11 = arith.constant 1 : i32
    scf.for %scan3A_21 = %scan3A_8 to %scan3A_10 step %scan3A_11  : i32 {
      %mul3A_22 = arith.constant 2 : i32
      %mul3A_23 = arith.muli %mul3A_22, %scan3A_21 : i32
      %add3A_24 = arith.constant 1 : i32
      %add3A_25 = arith.addi %mul3A_23, %add3A_24 : i32
      %mul3A_26 = arith.constant 4000 : i32
      %mul3A_27 = arith.muli %add3A_25, %mul3A_26 : i32
      %add3A_28 = arith.addi %mul3A_6, %mul3A_27 : i32
      %dma_start3A_29 = tpu.memref_slice %arg2[%add3A_28] : memref<6400000xi32, #tpu.memory_space<hbm>> -> memref<4000xi32, #tpu.memory_space<hbm>>
      %dma_start3A_30 = tpu.memref_slice %arg2[%add3A_28] : memref<6400000xi32, #tpu.memory_space<hbm>> -> memref<4000xi32, #tpu.memory_space<hbm>>
      tpu.enqueue_dma source(%dma_start3A_30 : memref<4000xi32, #tpu.memory_space<hbm>>) target(%arg8 : memref<4000xi32, #tpu.memory_space<vmem>>) target_semaphore(%arg12 : memref<!tpu.dma_semaphore, #tpu.memory_space<semaphore_mem>>)
      %dma_wait3A = tpu.memref_slice %arg2[%mul3A_6] : memref<6400000xi32, #tpu.memory_space<hbm>> -> memref<4000xi32, #tpu.memory_space<hbm>>
      %dma_wait3A_31 = tpu.memref_slice %arg2[%mul3A_6] : memref<6400000xi32, #tpu.memory_space<hbm>> -> memref<4000xi32, #tpu.memory_space<hbm>>
      tpu.wait_dma2 semaphore(%arg11 : memref<!tpu.dma_semaphore, #tpu.memory_space<semaphore_mem>>) src(%dma_wait3A_31 : memref<4000xi32, #tpu.memory_space<hbm>>) dst(%arg7 : memref<4000xi32, #tpu.memory_space<vmem>>)
      "tpu.region"() ({
        %run_scoped3A = tpu.sem_alloc : memref<!tpu.dma_semaphore, #tpu.memory_space<semaphore_mem>>
        %dma_start3A_40 = arith.constant 0 : i32
        %dma_start3A_41 = tpu.memref_slice %arg6[%dma_start3A_40] : memref<102400xf32, #tpu.memory_space<vmem_shared>> -> memref<102400xf32, #tpu.memory_space<vmem_shared>>
        tpu.enqueue_indirect_dma source(%arg9 : memref<4000xf32, #tpu.memory_space<vmem>>) target(%dma_start3A_41 : memref<102400xf32, #tpu.memory_space<vmem_shared>>) offsets(%arg7 : memref<4000xi32, #tpu.memory_space<vmem>>) semaphore(%run_scoped3A : memref<!tpu.dma_semaphore, #tpu.memory_space<semaphore_mem>>) {add = true}
        %dma_wait3A_42 = arith.constant 0 : i32
        %dma_wait3A_43 = tpu.memref_slice %arg6[%dma_wait3A_42] : memref<102400xf32, #tpu.memory_space<vmem_shared>> -> memref<102400xf32, #tpu.memory_space<vmem_shared>>
        tpu.wait_indirect_dma semaphore(%run_scoped3A : memref<!tpu.dma_semaphore, #tpu.memory_space<semaphore_mem>>) src(%arg9 : memref<4000xf32, #tpu.memory_space<vmem>>) dst(%dma_wait3A_43 : memref<102400xf32, #tpu.memory_space<vmem_shared>>)
        tpu.yield
      }) : () -> ()
      %mul3A_32 = arith.constant 2 : i32
      %mul3A_33 = arith.muli %mul3A_32, %scan3A_21 : i32
      %add3A_34 = arith.constant 1 : i32
      %add3A_35 = arith.addi %mul3A_33, %add3A_34 : i32
      %lt3A = arith.constant 24 : i32
      %lt3A_36 = arith.cmpi slt, %scan3A_21, %lt3A : i32
      %convert_element_type3A = arith.extui %lt3A_36 : i1 to i32
      %cond3A = arith.constant 0 : i32
      %cond3A_37 = arith.cmpi ne, %convert_element_type3A, %cond3A : i32
      scf.if %cond3A_37 {
        %add3A_40 = arith.constant 1 : i32
        %add3A_41 = arith.addi %add3A_35, %add3A_40 : i32
        %mul3A_42 = arith.constant 4000 : i32
        %mul3A_43 = arith.muli %add3A_41, %mul3A_42 : i32
        %add3A_44 = arith.addi %mul3A_6, %mul3A_43 : i32
        %dma_start3A_45 = tpu.memref_slice %arg2[%add3A_44] : memref<6400000xi32, #tpu.memory_space<hbm>> -> memref<4000xi32, #tpu.memory_space<hbm>>
        %dma_start3A_46 = tpu.memref_slice %arg2[%add3A_44] : memref<6400000xi32, #tpu.memory_space<hbm>> -> memref<4000xi32, #tpu.memory_space<hbm>>
        tpu.enqueue_dma source(%dma_start3A_46 : memref<4000xi32, #tpu.memory_space<hbm>>) target(%arg7 : memref<4000xi32, #tpu.memory_space<vmem>>) target_semaphore(%arg11 : memref<!tpu.dma_semaphore, #tpu.memory_space<semaphore_mem>>)
      } else {
      }
      %dma_wait3A_38 = tpu.memref_slice %arg2[%mul3A_6] : memref<6400000xi32, #tpu.memory_space<hbm>> -> memref<4000xi32, #tpu.memory_space<hbm>>
      %dma_wait3A_39 = tpu.memref_slice %arg2[%mul3A_6] : memref<6400000xi32, #tpu.memory_space<hbm>> -> memref<4000xi32, #tpu.memory_space<hbm>>
      tpu.wait_dma2 semaphore(%arg12 : memref<!tpu.dma_semaphore, #tpu.memory_space<semaphore_mem>>) src(%dma_wait3A_39 : memref<4000xi32, #tpu.memory_space<hbm>>) dst(%arg8 : memref<4000xi32, #tpu.memory_space<vmem>>)
      "tpu.region"() ({
        %run_scoped3A = tpu.sem_alloc : memref<!tpu.dma_semaphore, #tpu.memory_space<semaphore_mem>>
        %dma_start3A_40 = arith.constant 0 : i32
        %dma_start3A_41 = tpu.memref_slice %arg6[%dma_start3A_40] : memref<102400xf32, #tpu.memory_space<vmem_shared>> -> memref<102400xf32, #tpu.memory_space<vmem_shared>>
        tpu.enqueue_indirect_dma source(%arg9 : memref<4000xf32, #tpu.memory_space<vmem>>) target(%dma_start3A_41 : memref<102400xf32, #tpu.memory_space<vmem_shared>>) offsets(%arg8 : memref<4000xi32, #tpu.memory_space<vmem>>) semaphore(%run_scoped3A : memref<!tpu.dma_semaphore, #tpu.memory_space<semaphore_mem>>) {add = true}
        %dma_wait3A_42 = arith.constant 0 : i32
        %dma_wait3A_43 = tpu.memref_slice %arg6[%dma_wait3A_42] : memref<102400xf32, #tpu.memory_space<vmem_shared>> -> memref<102400xf32, #tpu.memory_space<vmem_shared>>
        tpu.wait_indirect_dma semaphore(%run_scoped3A : memref<!tpu.dma_semaphore, #tpu.memory_space<semaphore_mem>>) src(%arg9 : memref<4000xf32, #tpu.memory_space<vmem>>) dst(%dma_wait3A_43 : memref<102400xf32, #tpu.memory_space<vmem_shared>>)
        tpu.yield
      }) : () -> ()
    }
    %scan3A_12 = arith.constant 25 : i32
    %barrier3A_13 = arith.constant 0 : index
    tpu.barrier barrier_id(%barrier3A_13)
    %mul3A_14 = arith.constant 6400 : i32
    %mul3A_15 = arith.muli %arg1, %mul3A_14 : i32
    "tpu.region"() ({
      %run_scoped3A = tpu.sem_alloc : memref<!tpu.dma_semaphore, #tpu.memory_space<semaphore_mem>>
      %dma_start3A_21 = tpu.memref_slice %arg6[%mul3A_15] : memref<102400xf32, #tpu.memory_space<vmem_shared>> -> memref<6400xf32, #tpu.memory_space<vmem_shared>>
      %dma_start3A_22 = tpu.memref_slice %arg6[%mul3A_15] : memref<102400xf32, #tpu.memory_space<vmem_shared>> -> memref<6400xf32, #tpu.memory_space<vmem_shared>>
      tpu.enqueue_dma source(%dma_start3A_22 : memref<6400xf32, #tpu.memory_space<vmem_shared>>) target(%arg10 : memref<6400xf32, #tpu.memory_space<vmem>>) target_semaphore(%run_scoped3A : memref<!tpu.dma_semaphore, #tpu.memory_space<semaphore_mem>>)
      %dma_wait3A = tpu.memref_slice %arg6[%mul3A_15] : memref<102400xf32, #tpu.memory_space<vmem_shared>> -> memref<6400xf32, #tpu.memory_space<vmem_shared>>
      %dma_wait3A_23 = tpu.memref_slice %arg6[%mul3A_15] : memref<102400xf32, #tpu.memory_space<vmem_shared>> -> memref<6400xf32, #tpu.memory_space<vmem_shared>>
      tpu.wait_dma2 semaphore(%run_scoped3A : memref<!tpu.dma_semaphore, #tpu.memory_space<semaphore_mem>>) src(%dma_wait3A_23 : memref<6400xf32, #tpu.memory_space<vmem_shared>>) dst(%arg10 : memref<6400xf32, #tpu.memory_space<vmem>>)
      tpu.yield
    }) : () -> ()
    %mul3A_16 = arith.constant 102400 : i32
    %mul3A_17 = arith.muli %arg0, %mul3A_16 : i32
    %mul3A_18 = arith.constant 6400 : i32
    %mul3A_19 = arith.muli %arg1, %mul3A_18 : i32
    %add3A_20 = arith.addi %mul3A_17, %mul3A_19 : i32
    "tpu.region"() ({
      %run_scoped3A = tpu.sem_alloc : memref<!tpu.dma_semaphore, #tpu.memory_space<semaphore_mem>>
      %dma_start3A_21 = tpu.memref_slice %arg5[%add3A_20] : memref<204800xf32, #tpu.memory_space<hbm>> -> memref<6400xf32, #tpu.memory_space<hbm>>
      %dma_start3A_22 = tpu.memref_slice %arg5[%add3A_20] : memref<204800xf32, #tpu.memory_space<hbm>> -> memref<6400xf32, #tpu.memory_space<hbm>>
      tpu.enqueue_dma source(%arg10 : memref<6400xf32, #tpu.memory_space<vmem>>) target(%dma_start3A_22 : memref<6400xf32, #tpu.memory_space<hbm>>) target_semaphore(%run_scoped3A : memref<!tpu.dma_semaphore, #tpu.memory_space<semaphore_mem>>)
      %dma_wait3A = tpu.memref_slice %arg5[%add3A_20] : memref<204800xf32, #tpu.memory_space<hbm>> -> memref<6400xf32, #tpu.memory_space<hbm>>
      %dma_wait3A_23 = tpu.memref_slice %arg5[%add3A_20] : memref<204800xf32, #tpu.memory_space<hbm>> -> memref<6400xf32, #tpu.memory_space<hbm>>
      tpu.wait_dma2 semaphore(%run_scoped3A : memref<!tpu.dma_semaphore, #tpu.memory_space<semaphore_mem>>) src(%arg10 : memref<6400xf32, #tpu.memory_space<vmem>>) dst(%dma_wait3A_23 : memref<6400xf32, #tpu.memory_space<hbm>>)
      tpu.yield
    }) : () -> ()
    return
  }
}

#map = affine_map<(d0, d1) -> (0)>
module attributes {stable_mosaic.version = 14 : i64} {
  func.func @_prop(%arg0: i32, %arg1: i32, %arg2: memref<102400xf32, #tpu.memory_space<hbm>>, %arg3: memref<102400xf32, #tpu.memory_space<hbm>>, %arg4: memref<102400xf32, #tpu.memory_space<hbm>>, %arg5: memref<6400000xi32, #tpu.memory_space<hbm>>, %arg6: memref<6400000xi32, #tpu.memory_space<hbm>>, %arg7: memref<102400xf32, #tpu.memory_space<hbm>>, %arg8: memref<204800xf32, #tpu.memory_space<hbm>>, %arg9: memref<204800xf32, #tpu.memory_space<hbm>>, %arg10: memref<204800xf32, #tpu.memory_space<hbm>>, %arg11: memref<102400xf32, #tpu.memory_space<vmem_shared>>, %arg12: memref<102400xf32, #tpu.memory_space<vmem_shared>>, %arg13: memref<102400xf32, #tpu.memory_space<vmem_shared>>, %arg14: memref<102400xf32, #tpu.memory_space<vmem_shared>>, %arg15: memref<102400xf32, #tpu.memory_space<vmem_shared>>, %arg16: memref<102400xf32, #tpu.memory_space<vmem_shared>>, %arg17: memref<4000xi32, #tpu.memory_space<vmem>>, %arg18: memref<4000xi32, #tpu.memory_space<vmem>>, %arg19: memref<4000xi32, #tpu.memory_space<vmem>>, %arg20: memref<4000xi32, #tpu.memory_space<vmem>>, %arg21: memref<4000xf32, #tpu.memory_space<vmem>>, %arg22: memref<4000xf32, #tpu.memory_space<vmem>>, %arg23: memref<4000xf32, #tpu.memory_space<vmem>>, %arg24: memref<4000xf32, #tpu.memory_space<vmem>>, %arg25: memref<4000xf32, #tpu.memory_space<vmem>>, %arg26: memref<4000xf32, #tpu.memory_space<vmem>>, %arg27: memref<6400xf32, #tpu.memory_space<vmem>>, %arg28: memref<!tpu.dma_semaphore, #tpu.memory_space<semaphore_mem>>, %arg29: memref<!tpu.dma_semaphore, #tpu.memory_space<semaphore_mem>>, %arg30: memref<!tpu.dma_semaphore, #tpu.memory_space<semaphore_mem>>, %arg31: memref<!tpu.dma_semaphore, #tpu.memory_space<semaphore_mem>>) attributes {dimension_semantics = [#tpu.dimension_semantics<core_parallel>, #tpu.dimension_semantics<subcore_parallel>], iteration_bounds = array<i64: 2, 16>, scalar_prefetch = 0 : i64, scratch_operands = 21 : i64, tpu.core_type = #tpu.core_type<sc_vector_subcore>, window_params = [{transform_indices = #map}, {transform_indices = #map}, {transform_indices = #map}, {transform_indices = #map}, {transform_indices = #map}, {transform_indices = #map}, {transform_indices = #map}, {transform_indices = #map}, {transform_indices = #map}]} {
    %mul3A = arith.constant 2 : i32
    %mul3A_0 = arith.muli %arg1, %mul3A : i32
    %add3A = arith.addi %mul3A_0, %arg0 : i32
    %mul3A_1 = arith.constant 6400 : i32
    %mul3A_2 = arith.muli %arg1, %mul3A_1 : i32
    "tpu.region"() ({
      %run_scoped3A = tpu.sem_alloc : memref<!tpu.dma_semaphore, #tpu.memory_space<semaphore_mem>>
      %dma_start3A_29 = tpu.memref_slice %arg7[%mul3A_2] : memref<102400xf32, #tpu.memory_space<hbm>> -> memref<6400xf32, #tpu.memory_space<hbm>>
      %dma_start3A_30 = tpu.memref_slice %arg7[%mul3A_2] : memref<102400xf32, #tpu.memory_space<hbm>> -> memref<6400xf32, #tpu.memory_space<hbm>>
      tpu.enqueue_dma source(%dma_start3A_30 : memref<6400xf32, #tpu.memory_space<hbm>>) target(%arg27 : memref<6400xf32, #tpu.memory_space<vmem>>) target_semaphore(%run_scoped3A : memref<!tpu.dma_semaphore, #tpu.memory_space<semaphore_mem>>)
      %dma_wait3A = tpu.memref_slice %arg7[%mul3A_2] : memref<102400xf32, #tpu.memory_space<hbm>> -> memref<6400xf32, #tpu.memory_space<hbm>>
      %dma_wait3A_31 = tpu.memref_slice %arg7[%mul3A_2] : memref<102400xf32, #tpu.memory_space<hbm>> -> memref<6400xf32, #tpu.memory_space<hbm>>
      tpu.wait_dma2 semaphore(%run_scoped3A : memref<!tpu.dma_semaphore, #tpu.memory_space<semaphore_mem>>) src(%dma_wait3A_31 : memref<6400xf32, #tpu.memory_space<hbm>>) dst(%arg27 : memref<6400xf32, #tpu.memory_space<vmem>>)
      tpu.yield
    }) : () -> ()
    "tpu.region"() ({
      %run_scoped3A = tpu.sem_alloc : memref<!tpu.dma_semaphore, #tpu.memory_space<semaphore_mem>>
      %dma_start3A_29 = tpu.memref_slice %arg14[%mul3A_2] : memref<102400xf32, #tpu.memory_space<vmem_shared>> -> memref<6400xf32, #tpu.memory_space<vmem_shared>>
      %dma_start3A_30 = tpu.memref_slice %arg14[%mul3A_2] : memref<102400xf32, #tpu.memory_space<vmem_shared>> -> memref<6400xf32, #tpu.memory_space<vmem_shared>>
      tpu.enqueue_dma source(%arg27 : memref<6400xf32, #tpu.memory_space<vmem>>) target(%dma_start3A_30 : memref<6400xf32, #tpu.memory_space<vmem_shared>>) target_semaphore(%run_scoped3A : memref<!tpu.dma_semaphore, #tpu.memory_space<semaphore_mem>>)
      %dma_wait3A = tpu.memref_slice %arg14[%mul3A_2] : memref<102400xf32, #tpu.memory_space<vmem_shared>> -> memref<6400xf32, #tpu.memory_space<vmem_shared>>
      %dma_wait3A_31 = tpu.memref_slice %arg14[%mul3A_2] : memref<102400xf32, #tpu.memory_space<vmem_shared>> -> memref<6400xf32, #tpu.memory_space<vmem_shared>>
      tpu.wait_dma2 semaphore(%run_scoped3A : memref<!tpu.dma_semaphore, #tpu.memory_space<semaphore_mem>>) src(%arg27 : memref<6400xf32, #tpu.memory_space<vmem>>) dst(%dma_wait3A_31 : memref<6400xf32, #tpu.memory_space<vmem_shared>>)
      tpu.yield
    }) : () -> ()
    "tpu.region"() ({
      %run_scoped3A = tpu.sem_alloc : memref<!tpu.dma_semaphore, #tpu.memory_space<semaphore_mem>>
      %dma_start3A_29 = tpu.memref_slice %arg15[%mul3A_2] : memref<102400xf32, #tpu.memory_space<vmem_shared>> -> memref<6400xf32, #tpu.memory_space<vmem_shared>>
      %dma_start3A_30 = tpu.memref_slice %arg15[%mul3A_2] : memref<102400xf32, #tpu.memory_space<vmem_shared>> -> memref<6400xf32, #tpu.memory_space<vmem_shared>>
      tpu.enqueue_dma source(%arg27 : memref<6400xf32, #tpu.memory_space<vmem>>) target(%dma_start3A_30 : memref<6400xf32, #tpu.memory_space<vmem_shared>>) target_semaphore(%run_scoped3A : memref<!tpu.dma_semaphore, #tpu.memory_space<semaphore_mem>>)
      %dma_wait3A = tpu.memref_slice %arg15[%mul3A_2] : memref<102400xf32, #tpu.memory_space<vmem_shared>> -> memref<6400xf32, #tpu.memory_space<vmem_shared>>
      %dma_wait3A_31 = tpu.memref_slice %arg15[%mul3A_2] : memref<102400xf32, #tpu.memory_space<vmem_shared>> -> memref<6400xf32, #tpu.memory_space<vmem_shared>>
      tpu.wait_dma2 semaphore(%run_scoped3A : memref<!tpu.dma_semaphore, #tpu.memory_space<semaphore_mem>>) src(%arg27 : memref<6400xf32, #tpu.memory_space<vmem>>) dst(%dma_wait3A_31 : memref<6400xf32, #tpu.memory_space<vmem_shared>>)
      tpu.yield
    }) : () -> ()
    "tpu.region"() ({
      %run_scoped3A = tpu.sem_alloc : memref<!tpu.dma_semaphore, #tpu.memory_space<semaphore_mem>>
      %dma_start3A_29 = tpu.memref_slice %arg16[%mul3A_2] : memref<102400xf32, #tpu.memory_space<vmem_shared>> -> memref<6400xf32, #tpu.memory_space<vmem_shared>>
      %dma_start3A_30 = tpu.memref_slice %arg16[%mul3A_2] : memref<102400xf32, #tpu.memory_space<vmem_shared>> -> memref<6400xf32, #tpu.memory_space<vmem_shared>>
      tpu.enqueue_dma source(%arg27 : memref<6400xf32, #tpu.memory_space<vmem>>) target(%dma_start3A_30 : memref<6400xf32, #tpu.memory_space<vmem_shared>>) target_semaphore(%run_scoped3A : memref<!tpu.dma_semaphore, #tpu.memory_space<semaphore_mem>>)
      %dma_wait3A = tpu.memref_slice %arg16[%mul3A_2] : memref<102400xf32, #tpu.memory_space<vmem_shared>> -> memref<6400xf32, #tpu.memory_space<vmem_shared>>
      %dma_wait3A_31 = tpu.memref_slice %arg16[%mul3A_2] : memref<102400xf32, #tpu.memory_space<vmem_shared>> -> memref<6400xf32, #tpu.memory_space<vmem_shared>>
      tpu.wait_dma2 semaphore(%run_scoped3A : memref<!tpu.dma_semaphore, #tpu.memory_space<semaphore_mem>>) src(%arg27 : memref<6400xf32, #tpu.memory_space<vmem>>) dst(%dma_wait3A_31 : memref<6400xf32, #tpu.memory_space<vmem_shared>>)
      tpu.yield
    }) : () -> ()
    "tpu.region"() ({
      %run_scoped3A = tpu.sem_alloc : memref<!tpu.dma_semaphore, #tpu.memory_space<semaphore_mem>>
      %dma_start3A_29 = tpu.memref_slice %arg2[%mul3A_2] : memref<102400xf32, #tpu.memory_space<hbm>> -> memref<6400xf32, #tpu.memory_space<hbm>>
      %dma_start3A_30 = tpu.memref_slice %arg2[%mul3A_2] : memref<102400xf32, #tpu.memory_space<hbm>> -> memref<6400xf32, #tpu.memory_space<hbm>>
      tpu.enqueue_dma source(%dma_start3A_30 : memref<6400xf32, #tpu.memory_space<hbm>>) target(%arg27 : memref<6400xf32, #tpu.memory_space<vmem>>) target_semaphore(%run_scoped3A : memref<!tpu.dma_semaphore, #tpu.memory_space<semaphore_mem>>)
      %dma_wait3A = tpu.memref_slice %arg2[%mul3A_2] : memref<102400xf32, #tpu.memory_space<hbm>> -> memref<6400xf32, #tpu.memory_space<hbm>>
      %dma_wait3A_31 = tpu.memref_slice %arg2[%mul3A_2] : memref<102400xf32, #tpu.memory_space<hbm>> -> memref<6400xf32, #tpu.memory_space<hbm>>
      tpu.wait_dma2 semaphore(%run_scoped3A : memref<!tpu.dma_semaphore, #tpu.memory_space<semaphore_mem>>) src(%dma_wait3A_31 : memref<6400xf32, #tpu.memory_space<hbm>>) dst(%arg27 : memref<6400xf32, #tpu.memory_space<vmem>>)
      tpu.yield
    }) : () -> ()
    "tpu.region"() ({
      %run_scoped3A = tpu.sem_alloc : memref<!tpu.dma_semaphore, #tpu.memory_space<semaphore_mem>>
      %dma_start3A_29 = tpu.memref_slice %arg11[%mul3A_2] : memref<102400xf32, #tpu.memory_space<vmem_shared>> -> memref<6400xf32, #tpu.memory_space<vmem_shared>>
      %dma_start3A_30 = tpu.memref_slice %arg11[%mul3A_2] : memref<102400xf32, #tpu.memory_space<vmem_shared>> -> memref<6400xf32, #tpu.memory_space<vmem_shared>>
      tpu.enqueue_dma source(%arg27 : memref<6400xf32, #tpu.memory_space<vmem>>) target(%dma_start3A_30 : memref<6400xf32, #tpu.memory_space<vmem_shared>>) target_semaphore(%run_scoped3A : memref<!tpu.dma_semaphore, #tpu.memory_space<semaphore_mem>>)
      %dma_wait3A = tpu.memref_slice %arg11[%mul3A_2] : memref<102400xf32, #tpu.memory_space<vmem_shared>> -> memref<6400xf32, #tpu.memory_space<vmem_shared>>
      %dma_wait3A_31 = tpu.memref_slice %arg11[%mul3A_2] : memref<102400xf32, #tpu.memory_space<vmem_shared>> -> memref<6400xf32, #tpu.memory_space<vmem_shared>>
      tpu.wait_dma2 semaphore(%run_scoped3A : memref<!tpu.dma_semaphore, #tpu.memory_space<semaphore_mem>>) src(%arg27 : memref<6400xf32, #tpu.memory_space<vmem>>) dst(%dma_wait3A_31 : memref<6400xf32, #tpu.memory_space<vmem_shared>>)
      tpu.yield
    }) : () -> ()
    "tpu.region"() ({
      %run_scoped3A = tpu.sem_alloc : memref<!tpu.dma_semaphore, #tpu.memory_space<semaphore_mem>>
      %dma_start3A_29 = tpu.memref_slice %arg3[%mul3A_2] : memref<102400xf32, #tpu.memory_space<hbm>> -> memref<6400xf32, #tpu.memory_space<hbm>>
      %dma_start3A_30 = tpu.memref_slice %arg3[%mul3A_2] : memref<102400xf32, #tpu.memory_space<hbm>> -> memref<6400xf32, #tpu.memory_space<hbm>>
      tpu.enqueue_dma source(%dma_start3A_30 : memref<6400xf32, #tpu.memory_space<hbm>>) target(%arg27 : memref<6400xf32, #tpu.memory_space<vmem>>) target_semaphore(%run_scoped3A : memref<!tpu.dma_semaphore, #tpu.memory_space<semaphore_mem>>)
      %dma_wait3A = tpu.memref_slice %arg3[%mul3A_2] : memref<102400xf32, #tpu.memory_space<hbm>> -> memref<6400xf32, #tpu.memory_space<hbm>>
      %dma_wait3A_31 = tpu.memref_slice %arg3[%mul3A_2] : memref<102400xf32, #tpu.memory_space<hbm>> -> memref<6400xf32, #tpu.memory_space<hbm>>
      tpu.wait_dma2 semaphore(%run_scoped3A : memref<!tpu.dma_semaphore, #tpu.memory_space<semaphore_mem>>) src(%dma_wait3A_31 : memref<6400xf32, #tpu.memory_space<hbm>>) dst(%arg27 : memref<6400xf32, #tpu.memory_space<vmem>>)
      tpu.yield
    }) : () -> ()
    "tpu.region"() ({
      %run_scoped3A = tpu.sem_alloc : memref<!tpu.dma_semaphore, #tpu.memory_space<semaphore_mem>>
      %dma_start3A_29 = tpu.memref_slice %arg12[%mul3A_2] : memref<102400xf32, #tpu.memory_space<vmem_shared>> -> memref<6400xf32, #tpu.memory_space<vmem_shared>>
      %dma_start3A_30 = tpu.memref_slice %arg12[%mul3A_2] : memref<102400xf32, #tpu.memory_space<vmem_shared>> -> memref<6400xf32, #tpu.memory_space<vmem_shared>>
      tpu.enqueue_dma source(%arg27 : memref<6400xf32, #tpu.memory_space<vmem>>) target(%dma_start3A_30 : memref<6400xf32, #tpu.memory_space<vmem_shared>>) target_semaphore(%run_scoped3A : memref<!tpu.dma_semaphore, #tpu.memory_space<semaphore_mem>>)
      %dma_wait3A = tpu.memref_slice %arg12[%mul3A_2] : memref<102400xf32, #tpu.memory_space<vmem_shared>> -> memref<6400xf32, #tpu.memory_space<vmem_shared>>
      %dma_wait3A_31 = tpu.memref_slice %arg12[%mul3A_2] : memref<102400xf32, #tpu.memory_space<vmem_shared>> -> memref<6400xf32, #tpu.memory_space<vmem_shared>>
      tpu.wait_dma2 semaphore(%run_scoped3A : memref<!tpu.dma_semaphore, #tpu.memory_space<semaphore_mem>>) src(%arg27 : memref<6400xf32, #tpu.memory_space<vmem>>) dst(%dma_wait3A_31 : memref<6400xf32, #tpu.memory_space<vmem_shared>>)
      tpu.yield
    }) : () -> ()
    "tpu.region"() ({
      %run_scoped3A = tpu.sem_alloc : memref<!tpu.dma_semaphore, #tpu.memory_space<semaphore_mem>>
      %dma_start3A_29 = tpu.memref_slice %arg4[%mul3A_2] : memref<102400xf32, #tpu.memory_space<hbm>> -> memref<6400xf32, #tpu.memory_space<hbm>>
      %dma_start3A_30 = tpu.memref_slice %arg4[%mul3A_2] : memref<102400xf32, #tpu.memory_space<hbm>> -> memref<6400xf32, #tpu.memory_space<hbm>>
      tpu.enqueue_dma source(%dma_start3A_30 : memref<6400xf32, #tpu.memory_space<hbm>>) target(%arg27 : memref<6400xf32, #tpu.memory_space<vmem>>) target_semaphore(%run_scoped3A : memref<!tpu.dma_semaphore, #tpu.memory_space<semaphore_mem>>)
      %dma_wait3A = tpu.memref_slice %arg4[%mul3A_2] : memref<102400xf32, #tpu.memory_space<hbm>> -> memref<6400xf32, #tpu.memory_space<hbm>>
      %dma_wait3A_31 = tpu.memref_slice %arg4[%mul3A_2] : memref<102400xf32, #tpu.memory_space<hbm>> -> memref<6400xf32, #tpu.memory_space<hbm>>
      tpu.wait_dma2 semaphore(%run_scoped3A : memref<!tpu.dma_semaphore, #tpu.memory_space<semaphore_mem>>) src(%dma_wait3A_31 : memref<6400xf32, #tpu.memory_space<hbm>>) dst(%arg27 : memref<6400xf32, #tpu.memory_space<vmem>>)
      tpu.yield
    }) : () -> ()
    "tpu.region"() ({
      %run_scoped3A = tpu.sem_alloc : memref<!tpu.dma_semaphore, #tpu.memory_space<semaphore_mem>>
      %dma_start3A_29 = tpu.memref_slice %arg13[%mul3A_2] : memref<102400xf32, #tpu.memory_space<vmem_shared>> -> memref<6400xf32, #tpu.memory_space<vmem_shared>>
      %dma_start3A_30 = tpu.memref_slice %arg13[%mul3A_2] : memref<102400xf32, #tpu.memory_space<vmem_shared>> -> memref<6400xf32, #tpu.memory_space<vmem_shared>>
      tpu.enqueue_dma source(%arg27 : memref<6400xf32, #tpu.memory_space<vmem>>) target(%dma_start3A_30 : memref<6400xf32, #tpu.memory_space<vmem_shared>>) target_semaphore(%run_scoped3A : memref<!tpu.dma_semaphore, #tpu.memory_space<semaphore_mem>>)
      %dma_wait3A = tpu.memref_slice %arg13[%mul3A_2] : memref<102400xf32, #tpu.memory_space<vmem_shared>> -> memref<6400xf32, #tpu.memory_space<vmem_shared>>
      %dma_wait3A_31 = tpu.memref_slice %arg13[%mul3A_2] : memref<102400xf32, #tpu.memory_space<vmem_shared>> -> memref<6400xf32, #tpu.memory_space<vmem_shared>>
      tpu.wait_dma2 semaphore(%run_scoped3A : memref<!tpu.dma_semaphore, #tpu.memory_space<semaphore_mem>>) src(%arg27 : memref<6400xf32, #tpu.memory_space<vmem>>) dst(%dma_wait3A_31 : memref<6400xf32, #tpu.memory_space<vmem_shared>>)
      tpu.yield
    }) : () -> ()
    %barrier3A = arith.constant 0 : index
    tpu.barrier barrier_id(%barrier3A)
    %mul3A_3 = arith.constant 200000 : i32
    %mul3A_4 = arith.muli %add3A, %mul3A_3 : i32
    %dma_start3A = tpu.memref_slice %arg5[%mul3A_4] : memref<6400000xi32, #tpu.memory_space<hbm>> -> memref<4000xi32, #tpu.memory_space<hbm>>
    %dma_start3A_5 = tpu.memref_slice %arg5[%mul3A_4] : memref<6400000xi32, #tpu.memory_space<hbm>> -> memref<4000xi32, #tpu.memory_space<hbm>>
    tpu.enqueue_dma source(%dma_start3A_5 : memref<4000xi32, #tpu.memory_space<hbm>>) target(%arg17 : memref<4000xi32, #tpu.memory_space<vmem>>) target_semaphore(%arg28 : memref<!tpu.dma_semaphore, #tpu.memory_space<semaphore_mem>>)
    %dma_start3A_6 = tpu.memref_slice %arg6[%mul3A_4] : memref<6400000xi32, #tpu.memory_space<hbm>> -> memref<4000xi32, #tpu.memory_space<hbm>>
    %dma_start3A_7 = tpu.memref_slice %arg6[%mul3A_4] : memref<6400000xi32, #tpu.memory_space<hbm>> -> memref<4000xi32, #tpu.memory_space<hbm>>
    tpu.enqueue_dma source(%dma_start3A_7 : memref<4000xi32, #tpu.memory_space<hbm>>) target(%arg19 : memref<4000xi32, #tpu.memory_space<vmem>>) target_semaphore(%arg28 : memref<!tpu.dma_semaphore, #tpu.memory_space<semaphore_mem>>)
    %scan3A = arith.constant 0 : i32
    %scan3A_8 = arith.constant 0 : i32
    %scan3A_9 = arith.constant 25 : i32
    %scan3A_10 = arith.addi %scan3A_8, %scan3A_9 : i32
    %scan3A_11 = arith.constant 1 : i32
    scf.for %scan3A_29 = %scan3A_8 to %scan3A_10 step %scan3A_11  : i32 {
      %mul3A_30 = arith.constant 2 : i32
      %mul3A_31 = arith.muli %mul3A_30, %scan3A_29 : i32
      %add3A_32 = arith.constant 1 : i32
      %add3A_33 = arith.addi %mul3A_31, %add3A_32 : i32
      %mul3A_34 = arith.constant 4000 : i32
      %mul3A_35 = arith.muli %add3A_33, %mul3A_34 : i32
      %add3A_36 = arith.addi %mul3A_4, %mul3A_35 : i32
      %dma_start3A_37 = tpu.memref_slice %arg5[%add3A_36] : memref<6400000xi32, #tpu.memory_space<hbm>> -> memref<4000xi32, #tpu.memory_space<hbm>>
      %dma_start3A_38 = tpu.memref_slice %arg5[%add3A_36] : memref<6400000xi32, #tpu.memory_space<hbm>> -> memref<4000xi32, #tpu.memory_space<hbm>>
      tpu.enqueue_dma source(%dma_start3A_38 : memref<4000xi32, #tpu.memory_space<hbm>>) target(%arg18 : memref<4000xi32, #tpu.memory_space<vmem>>) target_semaphore(%arg29 : memref<!tpu.dma_semaphore, #tpu.memory_space<semaphore_mem>>)
      %add3A_39 = arith.constant 1 : i32
      %add3A_40 = arith.addi %mul3A_31, %add3A_39 : i32
      %mul3A_41 = arith.constant 4000 : i32
      %mul3A_42 = arith.muli %add3A_40, %mul3A_41 : i32
      %add3A_43 = arith.addi %mul3A_4, %mul3A_42 : i32
      %dma_start3A_44 = tpu.memref_slice %arg6[%add3A_43] : memref<6400000xi32, #tpu.memory_space<hbm>> -> memref<4000xi32, #tpu.memory_space<hbm>>
      %dma_start3A_45 = tpu.memref_slice %arg6[%add3A_43] : memref<6400000xi32, #tpu.memory_space<hbm>> -> memref<4000xi32, #tpu.memory_space<hbm>>
      tpu.enqueue_dma source(%dma_start3A_45 : memref<4000xi32, #tpu.memory_space<hbm>>) target(%arg20 : memref<4000xi32, #tpu.memory_space<vmem>>) target_semaphore(%arg29 : memref<!tpu.dma_semaphore, #tpu.memory_space<semaphore_mem>>)
      %dma_wait3A = tpu.memref_slice %arg5[%mul3A_4] : memref<6400000xi32, #tpu.memory_space<hbm>> -> memref<4000xi32, #tpu.memory_space<hbm>>
      %dma_wait3A_46 = tpu.memref_slice %arg5[%mul3A_4] : memref<6400000xi32, #tpu.memory_space<hbm>> -> memref<4000xi32, #tpu.memory_space<hbm>>
      tpu.wait_dma2 semaphore(%arg28 : memref<!tpu.dma_semaphore, #tpu.memory_space<semaphore_mem>>) src(%dma_wait3A_46 : memref<4000xi32, #tpu.memory_space<hbm>>) dst(%arg17 : memref<4000xi32, #tpu.memory_space<vmem>>)
      %dma_wait3A_47 = tpu.memref_slice %arg6[%mul3A_4] : memref<6400000xi32, #tpu.memory_space<hbm>> -> memref<4000xi32, #tpu.memory_space<hbm>>
      %dma_wait3A_48 = tpu.memref_slice %arg6[%mul3A_4] : memref<6400000xi32, #tpu.memory_space<hbm>> -> memref<4000xi32, #tpu.memory_space<hbm>>
      tpu.wait_dma2 semaphore(%arg28 : memref<!tpu.dma_semaphore, #tpu.memory_space<semaphore_mem>>) src(%dma_wait3A_48 : memref<4000xi32, #tpu.memory_space<hbm>>) dst(%arg19 : memref<4000xi32, #tpu.memory_space<vmem>>)
      %dma_start3A_49 = arith.constant 0 : i32
      %dma_start3A_50 = tpu.memref_slice %arg11[%dma_start3A_49] : memref<102400xf32, #tpu.memory_space<vmem_shared>> -> memref<102400xf32, #tpu.memory_space<vmem_shared>>
      tpu.enqueue_indirect_dma source(%dma_start3A_50 : memref<102400xf32, #tpu.memory_space<vmem_shared>>) target(%arg21 : memref<4000xf32, #tpu.memory_space<vmem>>) offsets(%arg17 : memref<4000xi32, #tpu.memory_space<vmem>>) semaphore(%arg30 : memref<!tpu.dma_semaphore, #tpu.memory_space<semaphore_mem>>)
      %dma_start3A_51 = arith.constant 0 : i32
      %dma_start3A_52 = tpu.memref_slice %arg12[%dma_start3A_51] : memref<102400xf32, #tpu.memory_space<vmem_shared>> -> memref<102400xf32, #tpu.memory_space<vmem_shared>>
      tpu.enqueue_indirect_dma source(%dma_start3A_52 : memref<102400xf32, #tpu.memory_space<vmem_shared>>) target(%arg22 : memref<4000xf32, #tpu.memory_space<vmem>>) offsets(%arg17 : memref<4000xi32, #tpu.memory_space<vmem>>) semaphore(%arg30 : memref<!tpu.dma_semaphore, #tpu.memory_space<semaphore_mem>>)
      %dma_start3A_53 = arith.constant 0 : i32
      %dma_start3A_54 = tpu.memref_slice %arg13[%dma_start3A_53] : memref<102400xf32, #tpu.memory_space<vmem_shared>> -> memref<102400xf32, #tpu.memory_space<vmem_shared>>
      tpu.enqueue_indirect_dma source(%dma_start3A_54 : memref<102400xf32, #tpu.memory_space<vmem_shared>>) target(%arg23 : memref<4000xf32, #tpu.memory_space<vmem>>) offsets(%arg17 : memref<4000xi32, #tpu.memory_space<vmem>>) semaphore(%arg30 : memref<!tpu.dma_semaphore, #tpu.memory_space<semaphore_mem>>)
      %dma_wait3A_55 = arith.constant 0 : i32
      %dma_wait3A_56 = tpu.memref_slice %arg11[%dma_wait3A_55] : memref<102400xf32, #tpu.memory_space<vmem_shared>> -> memref<102400xf32, #tpu.memory_space<vmem_shared>>
      tpu.wait_indirect_dma semaphore(%arg30 : memref<!tpu.dma_semaphore, #tpu.memory_space<semaphore_mem>>) src(%dma_wait3A_56 : memref<102400xf32, #tpu.memory_space<vmem_shared>>) dst(%arg21 : memref<4000xf32, #tpu.memory_space<vmem>>)
      %dma_wait3A_57 = arith.constant 0 : i32
      %dma_wait3A_58 = tpu.memref_slice %arg12[%dma_wait3A_57] : memref<102400xf32, #tpu.memory_space<vmem_shared>> -> memref<102400xf32, #tpu.memory_space<vmem_shared>>
      tpu.wait_indirect_dma semaphore(%arg30 : memref<!tpu.dma_semaphore, #tpu.memory_space<semaphore_mem>>) src(%dma_wait3A_58 : memref<102400xf32, #tpu.memory_space<vmem_shared>>) dst(%arg22 : memref<4000xf32, #tpu.memory_space<vmem>>)
      %dma_wait3A_59 = arith.constant 0 : i32
      %dma_wait3A_60 = tpu.memref_slice %arg13[%dma_wait3A_59] : memref<102400xf32, #tpu.memory_space<vmem_shared>> -> memref<102400xf32, #tpu.memory_space<vmem_shared>>
      tpu.wait_indirect_dma semaphore(%arg30 : memref<!tpu.dma_semaphore, #tpu.memory_space<semaphore_mem>>) src(%dma_wait3A_60 : memref<102400xf32, #tpu.memory_space<vmem_shared>>) dst(%arg23 : memref<4000xf32, #tpu.memory_space<vmem>>)
      %dma_start3A_61 = arith.constant 0 : i32
      %dma_start3A_62 = tpu.memref_slice %arg14[%dma_start3A_61] : memref<102400xf32, #tpu.memory_space<vmem_shared>> -> memref<102400xf32, #tpu.memory_space<vmem_shared>>
      tpu.enqueue_indirect_dma source(%arg21 : memref<4000xf32, #tpu.memory_space<vmem>>) target(%dma_start3A_62 : memref<102400xf32, #tpu.memory_space<vmem_shared>>) offsets(%arg19 : memref<4000xi32, #tpu.memory_space<vmem>>) semaphore(%arg30 : memref<!tpu.dma_semaphore, #tpu.memory_space<semaphore_mem>>) {add = true}
      %dma_start3A_63 = arith.constant 0 : i32
      %dma_start3A_64 = tpu.memref_slice %arg15[%dma_start3A_63] : memref<102400xf32, #tpu.memory_space<vmem_shared>> -> memref<102400xf32, #tpu.memory_space<vmem_shared>>
      tpu.enqueue_indirect_dma source(%arg22 : memref<4000xf32, #tpu.memory_space<vmem>>) target(%dma_start3A_64 : memref<102400xf32, #tpu.memory_space<vmem_shared>>) offsets(%arg19 : memref<4000xi32, #tpu.memory_space<vmem>>) semaphore(%arg30 : memref<!tpu.dma_semaphore, #tpu.memory_space<semaphore_mem>>) {add = true}
      %dma_start3A_65 = arith.constant 0 : i32
      %dma_start3A_66 = tpu.memref_slice %arg16[%dma_start3A_65] : memref<102400xf32, #tpu.memory_space<vmem_shared>> -> memref<102400xf32, #tpu.memory_space<vmem_shared>>
      tpu.enqueue_indirect_dma source(%arg23 : memref<4000xf32, #tpu.memory_space<vmem>>) target(%dma_start3A_66 : memref<102400xf32, #tpu.memory_space<vmem_shared>>) offsets(%arg19 : memref<4000xi32, #tpu.memory_space<vmem>>) semaphore(%arg30 : memref<!tpu.dma_semaphore, #tpu.memory_space<semaphore_mem>>) {add = true}
      %dma_wait3A_67 = arith.constant 0 : i32
      %dma_wait3A_68 = tpu.memref_slice %arg14[%dma_wait3A_67] : memref<102400xf32, #tpu.memory_space<vmem_shared>> -> memref<102400xf32, #tpu.memory_space<vmem_shared>>
      tpu.wait_indirect_dma semaphore(%arg30 : memref<!tpu.dma_semaphore, #tpu.memory_space<semaphore_mem>>) src(%arg21 : memref<4000xf32, #tpu.memory_space<vmem>>) dst(%dma_wait3A_68 : memref<102400xf32, #tpu.memory_space<vmem_shared>>)
      %dma_wait3A_69 = arith.constant 0 : i32
      %dma_wait3A_70 = tpu.memref_slice %arg15[%dma_wait3A_69] : memref<102400xf32, #tpu.memory_space<vmem_shared>> -> memref<102400xf32, #tpu.memory_space<vmem_shared>>
      tpu.wait_indirect_dma semaphore(%arg30 : memref<!tpu.dma_semaphore, #tpu.memory_space<semaphore_mem>>) src(%arg22 : memref<4000xf32, #tpu.memory_space<vmem>>) dst(%dma_wait3A_70 : memref<102400xf32, #tpu.memory_space<vmem_shared>>)
      %dma_wait3A_71 = arith.constant 0 : i32
      %dma_wait3A_72 = tpu.memref_slice %arg16[%dma_wait3A_71] : memref<102400xf32, #tpu.memory_space<vmem_shared>> -> memref<102400xf32, #tpu.memory_space<vmem_shared>>
      tpu.wait_indirect_dma semaphore(%arg30 : memref<!tpu.dma_semaphore, #tpu.memory_space<semaphore_mem>>) src(%arg23 : memref<4000xf32, #tpu.memory_space<vmem>>) dst(%dma_wait3A_72 : memref<102400xf32, #tpu.memory_space<vmem_shared>>)
      %mul3A_73 = arith.constant 2 : i32
      %mul3A_74 = arith.muli %mul3A_73, %scan3A_29 : i32
      %add3A_75 = arith.constant 1 : i32
      %add3A_76 = arith.addi %mul3A_74, %add3A_75 : i32
      %lt3A = arith.constant 24 : i32
      %lt3A_77 = arith.cmpi slt, %scan3A_29, %lt3A : i32
      %convert_element_type3A = arith.extui %lt3A_77 : i1 to i32
      %cond3A = arith.constant 0 : i32
      %cond3A_78 = arith.cmpi ne, %convert_element_type3A, %cond3A : i32
      scf.if %cond3A_78 {
        %add3A_107 = arith.constant 1 : i32
        %add3A_108 = arith.addi %add3A_76, %add3A_107 : i32
        %mul3A_109 = arith.constant 4000 : i32
        %mul3A_110 = arith.muli %add3A_108, %mul3A_109 : i32
        %add3A_111 = arith.addi %mul3A_4, %mul3A_110 : i32
        %dma_start3A_112 = tpu.memref_slice %arg5[%add3A_111] : memref<6400000xi32, #tpu.memory_space<hbm>> -> memref<4000xi32, #tpu.memory_space<hbm>>
        %dma_start3A_113 = tpu.memref_slice %arg5[%add3A_111] : memref<6400000xi32, #tpu.memory_space<hbm>> -> memref<4000xi32, #tpu.memory_space<hbm>>
        tpu.enqueue_dma source(%dma_start3A_113 : memref<4000xi32, #tpu.memory_space<hbm>>) target(%arg17 : memref<4000xi32, #tpu.memory_space<vmem>>) target_semaphore(%arg28 : memref<!tpu.dma_semaphore, #tpu.memory_space<semaphore_mem>>)
        %add3A_114 = arith.constant 1 : i32
        %add3A_115 = arith.addi %add3A_76, %add3A_114 : i32
        %mul3A_116 = arith.constant 4000 : i32
        %mul3A_117 = arith.muli %add3A_115, %mul3A_116 : i32
        %add3A_118 = arith.addi %mul3A_4, %mul3A_117 : i32
        %dma_start3A_119 = tpu.memref_slice %arg6[%add3A_118] : memref<6400000xi32, #tpu.memory_space<hbm>> -> memref<4000xi32, #tpu.memory_space<hbm>>
        %dma_start3A_120 = tpu.memref_slice %arg6[%add3A_118] : memref<6400000xi32, #tpu.memory_space<hbm>> -> memref<4000xi32, #tpu.memory_space<hbm>>
        tpu.enqueue_dma source(%dma_start3A_120 : memref<4000xi32, #tpu.memory_space<hbm>>) target(%arg19 : memref<4000xi32, #tpu.memory_space<vmem>>) target_semaphore(%arg28 : memref<!tpu.dma_semaphore, #tpu.memory_space<semaphore_mem>>)
      } else {
      }
      %dma_wait3A_79 = tpu.memref_slice %arg5[%mul3A_4] : memref<6400000xi32, #tpu.memory_space<hbm>> -> memref<4000xi32, #tpu.memory_space<hbm>>
      %dma_wait3A_80 = tpu.memref_slice %arg5[%mul3A_4] : memref<6400000xi32, #tpu.memory_space<hbm>> -> memref<4000xi32, #tpu.memory_space<hbm>>
      tpu.wait_dma2 semaphore(%arg29 : memref<!tpu.dma_semaphore, #tpu.memory_space<semaphore_mem>>) src(%dma_wait3A_80 : memref<4000xi32, #tpu.memory_space<hbm>>) dst(%arg18 : memref<4000xi32, #tpu.memory_space<vmem>>)
      %dma_wait3A_81 = tpu.memref_slice %arg6[%mul3A_4] : memref<6400000xi32, #tpu.memory_space<hbm>> -> memref<4000xi32, #tpu.memory_space<hbm>>
      %dma_wait3A_82 = tpu.memref_slice %arg6[%mul3A_4] : memref<6400000xi32, #tpu.memory_space<hbm>> -> memref<4000xi32, #tpu.memory_space<hbm>>
      tpu.wait_dma2 semaphore(%arg29 : memref<!tpu.dma_semaphore, #tpu.memory_space<semaphore_mem>>) src(%dma_wait3A_82 : memref<4000xi32, #tpu.memory_space<hbm>>) dst(%arg20 : memref<4000xi32, #tpu.memory_space<vmem>>)
      %dma_start3A_83 = arith.constant 0 : i32
      %dma_start3A_84 = tpu.memref_slice %arg11[%dma_start3A_83] : memref<102400xf32, #tpu.memory_space<vmem_shared>> -> memref<102400xf32, #tpu.memory_space<vmem_shared>>
      tpu.enqueue_indirect_dma source(%dma_start3A_84 : memref<102400xf32, #tpu.memory_space<vmem_shared>>) target(%arg24 : memref<4000xf32, #tpu.memory_space<vmem>>) offsets(%arg18 : memref<4000xi32, #tpu.memory_space<vmem>>) semaphore(%arg31 : memref<!tpu.dma_semaphore, #tpu.memory_space<semaphore_mem>>)
      %dma_start3A_85 = arith.constant 0 : i32
      %dma_start3A_86 = tpu.memref_slice %arg12[%dma_start3A_85] : memref<102400xf32, #tpu.memory_space<vmem_shared>> -> memref<102400xf32, #tpu.memory_space<vmem_shared>>
      tpu.enqueue_indirect_dma source(%dma_start3A_86 : memref<102400xf32, #tpu.memory_space<vmem_shared>>) target(%arg25 : memref<4000xf32, #tpu.memory_space<vmem>>) offsets(%arg18 : memref<4000xi32, #tpu.memory_space<vmem>>) semaphore(%arg31 : memref<!tpu.dma_semaphore, #tpu.memory_space<semaphore_mem>>)
      %dma_start3A_87 = arith.constant 0 : i32
      %dma_start3A_88 = tpu.memref_slice %arg13[%dma_start3A_87] : memref<102400xf32, #tpu.memory_space<vmem_shared>> -> memref<102400xf32, #tpu.memory_space<vmem_shared>>
      tpu.enqueue_indirect_dma source(%dma_start3A_88 : memref<102400xf32, #tpu.memory_space<vmem_shared>>) target(%arg26 : memref<4000xf32, #tpu.memory_space<vmem>>) offsets(%arg18 : memref<4000xi32, #tpu.memory_space<vmem>>) semaphore(%arg31 : memref<!tpu.dma_semaphore, #tpu.memory_space<semaphore_mem>>)
      %dma_wait3A_89 = arith.constant 0 : i32
      %dma_wait3A_90 = tpu.memref_slice %arg11[%dma_wait3A_89] : memref<102400xf32, #tpu.memory_space<vmem_shared>> -> memref<102400xf32, #tpu.memory_space<vmem_shared>>
      tpu.wait_indirect_dma semaphore(%arg31 : memref<!tpu.dma_semaphore, #tpu.memory_space<semaphore_mem>>) src(%dma_wait3A_90 : memref<102400xf32, #tpu.memory_space<vmem_shared>>) dst(%arg24 : memref<4000xf32, #tpu.memory_space<vmem>>)
      %dma_wait3A_91 = arith.constant 0 : i32
      %dma_wait3A_92 = tpu.memref_slice %arg12[%dma_wait3A_91] : memref<102400xf32, #tpu.memory_space<vmem_shared>> -> memref<102400xf32, #tpu.memory_space<vmem_shared>>
      tpu.wait_indirect_dma semaphore(%arg31 : memref<!tpu.dma_semaphore, #tpu.memory_space<semaphore_mem>>) src(%dma_wait3A_92 : memref<102400xf32, #tpu.memory_space<vmem_shared>>) dst(%arg25 : memref<4000xf32, #tpu.memory_space<vmem>>)
      %dma_wait3A_93 = arith.constant 0 : i32
      %dma_wait3A_94 = tpu.memref_slice %arg13[%dma_wait3A_93] : memref<102400xf32, #tpu.memory_space<vmem_shared>> -> memref<102400xf32, #tpu.memory_space<vmem_shared>>
      tpu.wait_indirect_dma semaphore(%arg31 : memref<!tpu.dma_semaphore, #tpu.memory_space<semaphore_mem>>) src(%dma_wait3A_94 : memref<102400xf32, #tpu.memory_space<vmem_shared>>) dst(%arg26 : memref<4000xf32, #tpu.memory_space<vmem>>)
      %dma_start3A_95 = arith.constant 0 : i32
      %dma_start3A_96 = tpu.memref_slice %arg14[%dma_start3A_95] : memref<102400xf32, #tpu.memory_space<vmem_shared>> -> memref<102400xf32, #tpu.memory_space<vmem_shared>>
      tpu.enqueue_indirect_dma source(%arg24 : memref<4000xf32, #tpu.memory_space<vmem>>) target(%dma_start3A_96 : memref<102400xf32, #tpu.memory_space<vmem_shared>>) offsets(%arg20 : memref<4000xi32, #tpu.memory_space<vmem>>) semaphore(%arg31 : memref<!tpu.dma_semaphore, #tpu.memory_space<semaphore_mem>>) {add = true}
      %dma_start3A_97 = arith.constant 0 : i32
      %dma_start3A_98 = tpu.memref_slice %arg15[%dma_start3A_97] : memref<102400xf32, #tpu.memory_space<vmem_shared>> -> memref<102400xf32, #tpu.memory_space<vmem_shared>>
      tpu.enqueue_indirect_dma source(%arg25 : memref<4000xf32, #tpu.memory_space<vmem>>) target(%dma_start3A_98 : memref<102400xf32, #tpu.memory_space<vmem_shared>>) offsets(%arg20 : memref<4000xi32, #tpu.memory_space<vmem>>) semaphore(%arg31 : memref<!tpu.dma_semaphore, #tpu.memory_space<semaphore_mem>>) {add = true}
      %dma_start3A_99 = arith.constant 0 : i32
      %dma_start3A_100 = tpu.memref_slice %arg16[%dma_start3A_99] : memref<102400xf32, #tpu.memory_space<vmem_shared>> -> memref<102400xf32, #tpu.memory_space<vmem_shared>>
      tpu.enqueue_indirect_dma source(%arg26 : memref<4000xf32, #tpu.memory_space<vmem>>) target(%dma_start3A_100 : memref<102400xf32, #tpu.memory_space<vmem_shared>>) offsets(%arg20 : memref<4000xi32, #tpu.memory_space<vmem>>) semaphore(%arg31 : memref<!tpu.dma_semaphore, #tpu.memory_space<semaphore_mem>>) {add = true}
      %dma_wait3A_101 = arith.constant 0 : i32
      %dma_wait3A_102 = tpu.memref_slice %arg14[%dma_wait3A_101] : memref<102400xf32, #tpu.memory_space<vmem_shared>> -> memref<102400xf32, #tpu.memory_space<vmem_shared>>
      tpu.wait_indirect_dma semaphore(%arg31 : memref<!tpu.dma_semaphore, #tpu.memory_space<semaphore_mem>>) src(%arg24 : memref<4000xf32, #tpu.memory_space<vmem>>) dst(%dma_wait3A_102 : memref<102400xf32, #tpu.memory_space<vmem_shared>>)
      %dma_wait3A_103 = arith.constant 0 : i32
      %dma_wait3A_104 = tpu.memref_slice %arg15[%dma_wait3A_103] : memref<102400xf32, #tpu.memory_space<vmem_shared>> -> memref<102400xf32, #tpu.memory_space<vmem_shared>>
      tpu.wait_indirect_dma semaphore(%arg31 : memref<!tpu.dma_semaphore, #tpu.memory_space<semaphore_mem>>) src(%arg25 : memref<4000xf32, #tpu.memory_space<vmem>>) dst(%dma_wait3A_104 : memref<102400xf32, #tpu.memory_space<vmem_shared>>)
      %dma_wait3A_105 = arith.constant 0 : i32
      %dma_wait3A_106 = tpu.memref_slice %arg16[%dma_wait3A_105] : memref<102400xf32, #tpu.memory_space<vmem_shared>> -> memref<102400xf32, #tpu.memory_space<vmem_shared>>
      tpu.wait_indirect_dma semaphore(%arg31 : memref<!tpu.dma_semaphore, #tpu.memory_space<semaphore_mem>>) src(%arg26 : memref<4000xf32, #tpu.memory_space<vmem>>) dst(%dma_wait3A_106 : memref<102400xf32, #tpu.memory_space<vmem_shared>>)
    }
    %scan3A_12 = arith.constant 25 : i32
    %barrier3A_13 = arith.constant 0 : index
    tpu.barrier barrier_id(%barrier3A_13)
    "tpu.region"() ({
      %run_scoped3A = tpu.sem_alloc : memref<!tpu.dma_semaphore, #tpu.memory_space<semaphore_mem>>
      %dma_start3A_29 = tpu.memref_slice %arg14[%mul3A_2] : memref<102400xf32, #tpu.memory_space<vmem_shared>> -> memref<6400xf32, #tpu.memory_space<vmem_shared>>
      %dma_start3A_30 = tpu.memref_slice %arg14[%mul3A_2] : memref<102400xf32, #tpu.memory_space<vmem_shared>> -> memref<6400xf32, #tpu.memory_space<vmem_shared>>
      tpu.enqueue_dma source(%dma_start3A_30 : memref<6400xf32, #tpu.memory_space<vmem_shared>>) target(%arg27 : memref<6400xf32, #tpu.memory_space<vmem>>) target_semaphore(%run_scoped3A : memref<!tpu.dma_semaphore, #tpu.memory_space<semaphore_mem>>)
      %dma_wait3A = tpu.memref_slice %arg14[%mul3A_2] : memref<102400xf32, #tpu.memory_space<vmem_shared>> -> memref<6400xf32, #tpu.memory_space<vmem_shared>>
      %dma_wait3A_31 = tpu.memref_slice %arg14[%mul3A_2] : memref<102400xf32, #tpu.memory_space<vmem_shared>> -> memref<6400xf32, #tpu.memory_space<vmem_shared>>
      tpu.wait_dma2 semaphore(%run_scoped3A : memref<!tpu.dma_semaphore, #tpu.memory_space<semaphore_mem>>) src(%dma_wait3A_31 : memref<6400xf32, #tpu.memory_space<vmem_shared>>) dst(%arg27 : memref<6400xf32, #tpu.memory_space<vmem>>)
      tpu.yield
    }) : () -> ()
    %mul3A_14 = arith.constant 102400 : i32
    %mul3A_15 = arith.muli %arg0, %mul3A_14 : i32
    %mul3A_16 = arith.constant 6400 : i32
    %mul3A_17 = arith.muli %arg1, %mul3A_16 : i32
    %add3A_18 = arith.addi %mul3A_15, %mul3A_17 : i32
    "tpu.region"() ({
      %run_scoped3A = tpu.sem_alloc : memref<!tpu.dma_semaphore, #tpu.memory_space<semaphore_mem>>
      %dma_start3A_29 = tpu.memref_slice %arg8[%add3A_18] : memref<204800xf32, #tpu.memory_space<hbm>> -> memref<6400xf32, #tpu.memory_space<hbm>>
      %dma_start3A_30 = tpu.memref_slice %arg8[%add3A_18] : memref<204800xf32, #tpu.memory_space<hbm>> -> memref<6400xf32, #tpu.memory_space<hbm>>
      tpu.enqueue_dma source(%arg27 : memref<6400xf32, #tpu.memory_space<vmem>>) target(%dma_start3A_30 : memref<6400xf32, #tpu.memory_space<hbm>>) target_semaphore(%run_scoped3A : memref<!tpu.dma_semaphore, #tpu.memory_space<semaphore_mem>>)
      %dma_wait3A = tpu.memref_slice %arg8[%add3A_18] : memref<204800xf32, #tpu.memory_space<hbm>> -> memref<6400xf32, #tpu.memory_space<hbm>>
      %dma_wait3A_31 = tpu.memref_slice %arg8[%add3A_18] : memref<204800xf32, #tpu.memory_space<hbm>> -> memref<6400xf32, #tpu.memory_space<hbm>>
      tpu.wait_dma2 semaphore(%run_scoped3A : memref<!tpu.dma_semaphore, #tpu.memory_space<semaphore_mem>>) src(%arg27 : memref<6400xf32, #tpu.memory_space<vmem>>) dst(%dma_wait3A_31 : memref<6400xf32, #tpu.memory_space<hbm>>)
      tpu.yield
    }) : () -> ()
    "tpu.region"() ({
      %run_scoped3A = tpu.sem_alloc : memref<!tpu.dma_semaphore, #tpu.memory_space<semaphore_mem>>
      %dma_start3A_29 = tpu.memref_slice %arg15[%mul3A_2] : memref<102400xf32, #tpu.memory_space<vmem_shared>> -> memref<6400xf32, #tpu.memory_space<vmem_shared>>
      %dma_start3A_30 = tpu.memref_slice %arg15[%mul3A_2] : memref<102400xf32, #tpu.memory_space<vmem_shared>> -> memref<6400xf32, #tpu.memory_space<vmem_shared>>
      tpu.enqueue_dma source(%dma_start3A_30 : memref<6400xf32, #tpu.memory_space<vmem_shared>>) target(%arg27 : memref<6400xf32, #tpu.memory_space<vmem>>) target_semaphore(%run_scoped3A : memref<!tpu.dma_semaphore, #tpu.memory_space<semaphore_mem>>)
      %dma_wait3A = tpu.memref_slice %arg15[%mul3A_2] : memref<102400xf32, #tpu.memory_space<vmem_shared>> -> memref<6400xf32, #tpu.memory_space<vmem_shared>>
      %dma_wait3A_31 = tpu.memref_slice %arg15[%mul3A_2] : memref<102400xf32, #tpu.memory_space<vmem_shared>> -> memref<6400xf32, #tpu.memory_space<vmem_shared>>
      tpu.wait_dma2 semaphore(%run_scoped3A : memref<!tpu.dma_semaphore, #tpu.memory_space<semaphore_mem>>) src(%dma_wait3A_31 : memref<6400xf32, #tpu.memory_space<vmem_shared>>) dst(%arg27 : memref<6400xf32, #tpu.memory_space<vmem>>)
      tpu.yield
    }) : () -> ()
    %mul3A_19 = arith.constant 102400 : i32
    %mul3A_20 = arith.muli %arg0, %mul3A_19 : i32
    %mul3A_21 = arith.constant 6400 : i32
    %mul3A_22 = arith.muli %arg1, %mul3A_21 : i32
    %add3A_23 = arith.addi %mul3A_20, %mul3A_22 : i32
    "tpu.region"() ({
      %run_scoped3A = tpu.sem_alloc : memref<!tpu.dma_semaphore, #tpu.memory_space<semaphore_mem>>
      %dma_start3A_29 = tpu.memref_slice %arg9[%add3A_23] : memref<204800xf32, #tpu.memory_space<hbm>> -> memref<6400xf32, #tpu.memory_space<hbm>>
      %dma_start3A_30 = tpu.memref_slice %arg9[%add3A_23] : memref<204800xf32, #tpu.memory_space<hbm>> -> memref<6400xf32, #tpu.memory_space<hbm>>
      tpu.enqueue_dma source(%arg27 : memref<6400xf32, #tpu.memory_space<vmem>>) target(%dma_start3A_30 : memref<6400xf32, #tpu.memory_space<hbm>>) target_semaphore(%run_scoped3A : memref<!tpu.dma_semaphore, #tpu.memory_space<semaphore_mem>>)
      %dma_wait3A = tpu.memref_slice %arg9[%add3A_23] : memref<204800xf32, #tpu.memory_space<hbm>> -> memref<6400xf32, #tpu.memory_space<hbm>>
      %dma_wait3A_31 = tpu.memref_slice %arg9[%add3A_23] : memref<204800xf32, #tpu.memory_space<hbm>> -> memref<6400xf32, #tpu.memory_space<hbm>>
      tpu.wait_dma2 semaphore(%run_scoped3A : memref<!tpu.dma_semaphore, #tpu.memory_space<semaphore_mem>>) src(%arg27 : memref<6400xf32, #tpu.memory_space<vmem>>) dst(%dma_wait3A_31 : memref<6400xf32, #tpu.memory_space<hbm>>)
      tpu.yield
    }) : () -> ()
    "tpu.region"() ({
      %run_scoped3A = tpu.sem_alloc : memref<!tpu.dma_semaphore, #tpu.memory_space<semaphore_mem>>
      %dma_start3A_29 = tpu.memref_slice %arg16[%mul3A_2] : memref<102400xf32, #tpu.memory_space<vmem_shared>> -> memref<6400xf32, #tpu.memory_space<vmem_shared>>
      %dma_start3A_30 = tpu.memref_slice %arg16[%mul3A_2] : memref<102400xf32, #tpu.memory_space<vmem_shared>> -> memref<6400xf32, #tpu.memory_space<vmem_shared>>
      tpu.enqueue_dma source(%dma_start3A_30 : memref<6400xf32, #tpu.memory_space<vmem_shared>>) target(%arg27 : memref<6400xf32, #tpu.memory_space<vmem>>) target_semaphore(%run_scoped3A : memref<!tpu.dma_semaphore, #tpu.memory_space<semaphore_mem>>)
      %dma_wait3A = tpu.memref_slice %arg16[%mul3A_2] : memref<102400xf32, #tpu.memory_space<vmem_shared>> -> memref<6400xf32, #tpu.memory_space<vmem_shared>>
      %dma_wait3A_31 = tpu.memref_slice %arg16[%mul3A_2] : memref<102400xf32, #tpu.memory_space<vmem_shared>> -> memref<6400xf32, #tpu.memory_space<vmem_shared>>
      tpu.wait_dma2 semaphore(%run_scoped3A : memref<!tpu.dma_semaphore, #tpu.memory_space<semaphore_mem>>) src(%dma_wait3A_31 : memref<6400xf32, #tpu.memory_space<vmem_shared>>) dst(%arg27 : memref<6400xf32, #tpu.memory_space<vmem>>)
      tpu.yield
    }) : () -> ()
    %mul3A_24 = arith.constant 102400 : i32
    %mul3A_25 = arith.muli %arg0, %mul3A_24 : i32
    %mul3A_26 = arith.constant 6400 : i32
    %mul3A_27 = arith.muli %arg1, %mul3A_26 : i32
    %add3A_28 = arith.addi %mul3A_25, %mul3A_27 : i32
    "tpu.region"() ({
      %run_scoped3A = tpu.sem_alloc : memref<!tpu.dma_semaphore, #tpu.memory_space<semaphore_mem>>
      %dma_start3A_29 = tpu.memref_slice %arg10[%add3A_28] : memref<204800xf32, #tpu.memory_space<hbm>> -> memref<6400xf32, #tpu.memory_space<hbm>>
      %dma_start3A_30 = tpu.memref_slice %arg10[%add3A_28] : memref<204800xf32, #tpu.memory_space<hbm>> -> memref<6400xf32, #tpu.memory_space<hbm>>
      tpu.enqueue_dma source(%arg27 : memref<6400xf32, #tpu.memory_space<vmem>>) target(%dma_start3A_30 : memref<6400xf32, #tpu.memory_space<hbm>>) target_semaphore(%run_scoped3A : memref<!tpu.dma_semaphore, #tpu.memory_space<semaphore_mem>>)
      %dma_wait3A = tpu.memref_slice %arg10[%add3A_28] : memref<204800xf32, #tpu.memory_space<hbm>> -> memref<6400xf32, #tpu.memory_space<hbm>>
      %dma_wait3A_31 = tpu.memref_slice %arg10[%add3A_28] : memref<204800xf32, #tpu.memory_space<hbm>> -> memref<6400xf32, #tpu.memory_space<hbm>>
      tpu.wait_dma2 semaphore(%run_scoped3A : memref<!tpu.dma_semaphore, #tpu.memory_space<semaphore_mem>>) src(%arg27 : memref<6400xf32, #tpu.memory_space<vmem>>) dst(%dma_wait3A_31 : memref<6400xf32, #tpu.memory_space<hbm>>)
      tpu.yield
    }) : () -> ()
    return
  }
}

#map = affine_map<(d0, d1) -> (0)>
module attributes {stable_mosaic.version = 14 : i64} {
  func.func @_prop(%arg0: i32, %arg1: i32, %arg2: memref<102400xf32, #tpu.memory_space<hbm>>, %arg3: memref<102400xf32, #tpu.memory_space<hbm>>, %arg4: memref<102400xf32, #tpu.memory_space<hbm>>, %arg5: memref<6400000xi32, #tpu.memory_space<hbm>>, %arg6: memref<6400000xi32, #tpu.memory_space<hbm>>, %arg7: memref<102400xf32, #tpu.memory_space<hbm>>, %arg8: memref<204800xf32, #tpu.memory_space<hbm>>, %arg9: memref<204800xf32, #tpu.memory_space<hbm>>, %arg10: memref<204800xf32, #tpu.memory_space<hbm>>, %arg11: memref<102400xf32, #tpu.memory_space<vmem_shared>>, %arg12: memref<102400xf32, #tpu.memory_space<vmem_shared>>, %arg13: memref<102400xf32, #tpu.memory_space<vmem_shared>>, %arg14: memref<102400xf32, #tpu.memory_space<vmem_shared>>, %arg15: memref<102400xf32, #tpu.memory_space<vmem_shared>>, %arg16: memref<102400xf32, #tpu.memory_space<vmem_shared>>, %arg17: memref<4000xi32, #tpu.memory_space<vmem>>, %arg18: memref<4000xi32, #tpu.memory_space<vmem>>, %arg19: memref<4000xi32, #tpu.memory_space<vmem>>, %arg20: memref<4000xi32, #tpu.memory_space<vmem>>, %arg21: memref<4000xf32, #tpu.memory_space<vmem>>, %arg22: memref<4000xf32, #tpu.memory_space<vmem>>, %arg23: memref<4000xf32, #tpu.memory_space<vmem>>, %arg24: memref<4000xf32, #tpu.memory_space<vmem>>, %arg25: memref<4000xf32, #tpu.memory_space<vmem>>, %arg26: memref<4000xf32, #tpu.memory_space<vmem>>, %arg27: memref<6400xf32, #tpu.memory_space<vmem>>, %arg28: memref<!tpu.dma_semaphore, #tpu.memory_space<semaphore_mem>>, %arg29: memref<!tpu.dma_semaphore, #tpu.memory_space<semaphore_mem>>, %arg30: memref<!tpu.dma_semaphore, #tpu.memory_space<semaphore_mem>>, %arg31: memref<!tpu.dma_semaphore, #tpu.memory_space<semaphore_mem>>) attributes {dimension_semantics = [#tpu.dimension_semantics<core_parallel>, #tpu.dimension_semantics<subcore_parallel>], iteration_bounds = array<i64: 2, 16>, scalar_prefetch = 0 : i64, scratch_operands = 21 : i64, tpu.core_type = #tpu.core_type<sc_vector_subcore>, window_params = [{transform_indices = #map}, {transform_indices = #map}, {transform_indices = #map}, {transform_indices = #map}, {transform_indices = #map}, {transform_indices = #map}, {transform_indices = #map}, {transform_indices = #map}, {transform_indices = #map}]} {
    %mul3A = arith.constant 2 : i32
    %mul3A_0 = arith.muli %arg1, %mul3A : i32
    %add3A = arith.addi %mul3A_0, %arg0 : i32
    %mul3A_1 = arith.constant 6400 : i32
    %mul3A_2 = arith.muli %arg1, %mul3A_1 : i32
    "tpu.region"() ({
      %run_scoped3A = tpu.sem_alloc : memref<!tpu.dma_semaphore, #tpu.memory_space<semaphore_mem>>
      %dma_start3A_29 = tpu.memref_slice %arg7[%mul3A_2] : memref<102400xf32, #tpu.memory_space<hbm>> -> memref<6400xf32, #tpu.memory_space<hbm>>
      %dma_start3A_30 = tpu.memref_slice %arg7[%mul3A_2] : memref<102400xf32, #tpu.memory_space<hbm>> -> memref<6400xf32, #tpu.memory_space<hbm>>
      tpu.enqueue_dma source(%dma_start3A_30 : memref<6400xf32, #tpu.memory_space<hbm>>) target(%arg27 : memref<6400xf32, #tpu.memory_space<vmem>>) target_semaphore(%run_scoped3A : memref<!tpu.dma_semaphore, #tpu.memory_space<semaphore_mem>>)
      %dma_wait3A = tpu.memref_slice %arg7[%mul3A_2] : memref<102400xf32, #tpu.memory_space<hbm>> -> memref<6400xf32, #tpu.memory_space<hbm>>
      %dma_wait3A_31 = tpu.memref_slice %arg7[%mul3A_2] : memref<102400xf32, #tpu.memory_space<hbm>> -> memref<6400xf32, #tpu.memory_space<hbm>>
      tpu.wait_dma2 semaphore(%run_scoped3A : memref<!tpu.dma_semaphore, #tpu.memory_space<semaphore_mem>>) src(%dma_wait3A_31 : memref<6400xf32, #tpu.memory_space<hbm>>) dst(%arg27 : memref<6400xf32, #tpu.memory_space<vmem>>)
      tpu.yield
    }) : () -> ()
    "tpu.region"() ({
      %run_scoped3A = tpu.sem_alloc : memref<!tpu.dma_semaphore, #tpu.memory_space<semaphore_mem>>
      %dma_start3A_29 = tpu.memref_slice %arg14[%mul3A_2] : memref<102400xf32, #tpu.memory_space<vmem_shared>> -> memref<6400xf32, #tpu.memory_space<vmem_shared>>
      %dma_start3A_30 = tpu.memref_slice %arg14[%mul3A_2] : memref<102400xf32, #tpu.memory_space<vmem_shared>> -> memref<6400xf32, #tpu.memory_space<vmem_shared>>
      tpu.enqueue_dma source(%arg27 : memref<6400xf32, #tpu.memory_space<vmem>>) target(%dma_start3A_30 : memref<6400xf32, #tpu.memory_space<vmem_shared>>) target_semaphore(%run_scoped3A : memref<!tpu.dma_semaphore, #tpu.memory_space<semaphore_mem>>)
      %dma_wait3A = tpu.memref_slice %arg14[%mul3A_2] : memref<102400xf32, #tpu.memory_space<vmem_shared>> -> memref<6400xf32, #tpu.memory_space<vmem_shared>>
      %dma_wait3A_31 = tpu.memref_slice %arg14[%mul3A_2] : memref<102400xf32, #tpu.memory_space<vmem_shared>> -> memref<6400xf32, #tpu.memory_space<vmem_shared>>
      tpu.wait_dma2 semaphore(%run_scoped3A : memref<!tpu.dma_semaphore, #tpu.memory_space<semaphore_mem>>) src(%arg27 : memref<6400xf32, #tpu.memory_space<vmem>>) dst(%dma_wait3A_31 : memref<6400xf32, #tpu.memory_space<vmem_shared>>)
      tpu.yield
    }) : () -> ()
    "tpu.region"() ({
      %run_scoped3A = tpu.sem_alloc : memref<!tpu.dma_semaphore, #tpu.memory_space<semaphore_mem>>
      %dma_start3A_29 = tpu.memref_slice %arg15[%mul3A_2] : memref<102400xf32, #tpu.memory_space<vmem_shared>> -> memref<6400xf32, #tpu.memory_space<vmem_shared>>
      %dma_start3A_30 = tpu.memref_slice %arg15[%mul3A_2] : memref<102400xf32, #tpu.memory_space<vmem_shared>> -> memref<6400xf32, #tpu.memory_space<vmem_shared>>
      tpu.enqueue_dma source(%arg27 : memref<6400xf32, #tpu.memory_space<vmem>>) target(%dma_start3A_30 : memref<6400xf32, #tpu.memory_space<vmem_shared>>) target_semaphore(%run_scoped3A : memref<!tpu.dma_semaphore, #tpu.memory_space<semaphore_mem>>)
      %dma_wait3A = tpu.memref_slice %arg15[%mul3A_2] : memref<102400xf32, #tpu.memory_space<vmem_shared>> -> memref<6400xf32, #tpu.memory_space<vmem_shared>>
      %dma_wait3A_31 = tpu.memref_slice %arg15[%mul3A_2] : memref<102400xf32, #tpu.memory_space<vmem_shared>> -> memref<6400xf32, #tpu.memory_space<vmem_shared>>
      tpu.wait_dma2 semaphore(%run_scoped3A : memref<!tpu.dma_semaphore, #tpu.memory_space<semaphore_mem>>) src(%arg27 : memref<6400xf32, #tpu.memory_space<vmem>>) dst(%dma_wait3A_31 : memref<6400xf32, #tpu.memory_space<vmem_shared>>)
      tpu.yield
    }) : () -> ()
    "tpu.region"() ({
      %run_scoped3A = tpu.sem_alloc : memref<!tpu.dma_semaphore, #tpu.memory_space<semaphore_mem>>
      %dma_start3A_29 = tpu.memref_slice %arg16[%mul3A_2] : memref<102400xf32, #tpu.memory_space<vmem_shared>> -> memref<6400xf32, #tpu.memory_space<vmem_shared>>
      %dma_start3A_30 = tpu.memref_slice %arg16[%mul3A_2] : memref<102400xf32, #tpu.memory_space<vmem_shared>> -> memref<6400xf32, #tpu.memory_space<vmem_shared>>
      tpu.enqueue_dma source(%arg27 : memref<6400xf32, #tpu.memory_space<vmem>>) target(%dma_start3A_30 : memref<6400xf32, #tpu.memory_space<vmem_shared>>) target_semaphore(%run_scoped3A : memref<!tpu.dma_semaphore, #tpu.memory_space<semaphore_mem>>)
      %dma_wait3A = tpu.memref_slice %arg16[%mul3A_2] : memref<102400xf32, #tpu.memory_space<vmem_shared>> -> memref<6400xf32, #tpu.memory_space<vmem_shared>>
      %dma_wait3A_31 = tpu.memref_slice %arg16[%mul3A_2] : memref<102400xf32, #tpu.memory_space<vmem_shared>> -> memref<6400xf32, #tpu.memory_space<vmem_shared>>
      tpu.wait_dma2 semaphore(%run_scoped3A : memref<!tpu.dma_semaphore, #tpu.memory_space<semaphore_mem>>) src(%arg27 : memref<6400xf32, #tpu.memory_space<vmem>>) dst(%dma_wait3A_31 : memref<6400xf32, #tpu.memory_space<vmem_shared>>)
      tpu.yield
    }) : () -> ()
    "tpu.region"() ({
      %run_scoped3A = tpu.sem_alloc : memref<!tpu.dma_semaphore, #tpu.memory_space<semaphore_mem>>
      %dma_start3A_29 = tpu.memref_slice %arg2[%mul3A_2] : memref<102400xf32, #tpu.memory_space<hbm>> -> memref<6400xf32, #tpu.memory_space<hbm>>
      %dma_start3A_30 = tpu.memref_slice %arg2[%mul3A_2] : memref<102400xf32, #tpu.memory_space<hbm>> -> memref<6400xf32, #tpu.memory_space<hbm>>
      tpu.enqueue_dma source(%dma_start3A_30 : memref<6400xf32, #tpu.memory_space<hbm>>) target(%arg27 : memref<6400xf32, #tpu.memory_space<vmem>>) target_semaphore(%run_scoped3A : memref<!tpu.dma_semaphore, #tpu.memory_space<semaphore_mem>>)
      %dma_wait3A = tpu.memref_slice %arg2[%mul3A_2] : memref<102400xf32, #tpu.memory_space<hbm>> -> memref<6400xf32, #tpu.memory_space<hbm>>
      %dma_wait3A_31 = tpu.memref_slice %arg2[%mul3A_2] : memref<102400xf32, #tpu.memory_space<hbm>> -> memref<6400xf32, #tpu.memory_space<hbm>>
      tpu.wait_dma2 semaphore(%run_scoped3A : memref<!tpu.dma_semaphore, #tpu.memory_space<semaphore_mem>>) src(%dma_wait3A_31 : memref<6400xf32, #tpu.memory_space<hbm>>) dst(%arg27 : memref<6400xf32, #tpu.memory_space<vmem>>)
      tpu.yield
    }) : () -> ()
    "tpu.region"() ({
      %run_scoped3A = tpu.sem_alloc : memref<!tpu.dma_semaphore, #tpu.memory_space<semaphore_mem>>
      %dma_start3A_29 = tpu.memref_slice %arg11[%mul3A_2] : memref<102400xf32, #tpu.memory_space<vmem_shared>> -> memref<6400xf32, #tpu.memory_space<vmem_shared>>
      %dma_start3A_30 = tpu.memref_slice %arg11[%mul3A_2] : memref<102400xf32, #tpu.memory_space<vmem_shared>> -> memref<6400xf32, #tpu.memory_space<vmem_shared>>
      tpu.enqueue_dma source(%arg27 : memref<6400xf32, #tpu.memory_space<vmem>>) target(%dma_start3A_30 : memref<6400xf32, #tpu.memory_space<vmem_shared>>) target_semaphore(%run_scoped3A : memref<!tpu.dma_semaphore, #tpu.memory_space<semaphore_mem>>)
      %dma_wait3A = tpu.memref_slice %arg11[%mul3A_2] : memref<102400xf32, #tpu.memory_space<vmem_shared>> -> memref<6400xf32, #tpu.memory_space<vmem_shared>>
      %dma_wait3A_31 = tpu.memref_slice %arg11[%mul3A_2] : memref<102400xf32, #tpu.memory_space<vmem_shared>> -> memref<6400xf32, #tpu.memory_space<vmem_shared>>
      tpu.wait_dma2 semaphore(%run_scoped3A : memref<!tpu.dma_semaphore, #tpu.memory_space<semaphore_mem>>) src(%arg27 : memref<6400xf32, #tpu.memory_space<vmem>>) dst(%dma_wait3A_31 : memref<6400xf32, #tpu.memory_space<vmem_shared>>)
      tpu.yield
    }) : () -> ()
    "tpu.region"() ({
      %run_scoped3A = tpu.sem_alloc : memref<!tpu.dma_semaphore, #tpu.memory_space<semaphore_mem>>
      %dma_start3A_29 = tpu.memref_slice %arg3[%mul3A_2] : memref<102400xf32, #tpu.memory_space<hbm>> -> memref<6400xf32, #tpu.memory_space<hbm>>
      %dma_start3A_30 = tpu.memref_slice %arg3[%mul3A_2] : memref<102400xf32, #tpu.memory_space<hbm>> -> memref<6400xf32, #tpu.memory_space<hbm>>
      tpu.enqueue_dma source(%dma_start3A_30 : memref<6400xf32, #tpu.memory_space<hbm>>) target(%arg27 : memref<6400xf32, #tpu.memory_space<vmem>>) target_semaphore(%run_scoped3A : memref<!tpu.dma_semaphore, #tpu.memory_space<semaphore_mem>>)
      %dma_wait3A = tpu.memref_slice %arg3[%mul3A_2] : memref<102400xf32, #tpu.memory_space<hbm>> -> memref<6400xf32, #tpu.memory_space<hbm>>
      %dma_wait3A_31 = tpu.memref_slice %arg3[%mul3A_2] : memref<102400xf32, #tpu.memory_space<hbm>> -> memref<6400xf32, #tpu.memory_space<hbm>>
      tpu.wait_dma2 semaphore(%run_scoped3A : memref<!tpu.dma_semaphore, #tpu.memory_space<semaphore_mem>>) src(%dma_wait3A_31 : memref<6400xf32, #tpu.memory_space<hbm>>) dst(%arg27 : memref<6400xf32, #tpu.memory_space<vmem>>)
      tpu.yield
    }) : () -> ()
    "tpu.region"() ({
      %run_scoped3A = tpu.sem_alloc : memref<!tpu.dma_semaphore, #tpu.memory_space<semaphore_mem>>
      %dma_start3A_29 = tpu.memref_slice %arg12[%mul3A_2] : memref<102400xf32, #tpu.memory_space<vmem_shared>> -> memref<6400xf32, #tpu.memory_space<vmem_shared>>
      %dma_start3A_30 = tpu.memref_slice %arg12[%mul3A_2] : memref<102400xf32, #tpu.memory_space<vmem_shared>> -> memref<6400xf32, #tpu.memory_space<vmem_shared>>
      tpu.enqueue_dma source(%arg27 : memref<6400xf32, #tpu.memory_space<vmem>>) target(%dma_start3A_30 : memref<6400xf32, #tpu.memory_space<vmem_shared>>) target_semaphore(%run_scoped3A : memref<!tpu.dma_semaphore, #tpu.memory_space<semaphore_mem>>)
      %dma_wait3A = tpu.memref_slice %arg12[%mul3A_2] : memref<102400xf32, #tpu.memory_space<vmem_shared>> -> memref<6400xf32, #tpu.memory_space<vmem_shared>>
      %dma_wait3A_31 = tpu.memref_slice %arg12[%mul3A_2] : memref<102400xf32, #tpu.memory_space<vmem_shared>> -> memref<6400xf32, #tpu.memory_space<vmem_shared>>
      tpu.wait_dma2 semaphore(%run_scoped3A : memref<!tpu.dma_semaphore, #tpu.memory_space<semaphore_mem>>) src(%arg27 : memref<6400xf32, #tpu.memory_space<vmem>>) dst(%dma_wait3A_31 : memref<6400xf32, #tpu.memory_space<vmem_shared>>)
      tpu.yield
    }) : () -> ()
    "tpu.region"() ({
      %run_scoped3A = tpu.sem_alloc : memref<!tpu.dma_semaphore, #tpu.memory_space<semaphore_mem>>
      %dma_start3A_29 = tpu.memref_slice %arg4[%mul3A_2] : memref<102400xf32, #tpu.memory_space<hbm>> -> memref<6400xf32, #tpu.memory_space<hbm>>
      %dma_start3A_30 = tpu.memref_slice %arg4[%mul3A_2] : memref<102400xf32, #tpu.memory_space<hbm>> -> memref<6400xf32, #tpu.memory_space<hbm>>
      tpu.enqueue_dma source(%dma_start3A_30 : memref<6400xf32, #tpu.memory_space<hbm>>) target(%arg27 : memref<6400xf32, #tpu.memory_space<vmem>>) target_semaphore(%run_scoped3A : memref<!tpu.dma_semaphore, #tpu.memory_space<semaphore_mem>>)
      %dma_wait3A = tpu.memref_slice %arg4[%mul3A_2] : memref<102400xf32, #tpu.memory_space<hbm>> -> memref<6400xf32, #tpu.memory_space<hbm>>
      %dma_wait3A_31 = tpu.memref_slice %arg4[%mul3A_2] : memref<102400xf32, #tpu.memory_space<hbm>> -> memref<6400xf32, #tpu.memory_space<hbm>>
      tpu.wait_dma2 semaphore(%run_scoped3A : memref<!tpu.dma_semaphore, #tpu.memory_space<semaphore_mem>>) src(%dma_wait3A_31 : memref<6400xf32, #tpu.memory_space<hbm>>) dst(%arg27 : memref<6400xf32, #tpu.memory_space<vmem>>)
      tpu.yield
    }) : () -> ()
    "tpu.region"() ({
      %run_scoped3A = tpu.sem_alloc : memref<!tpu.dma_semaphore, #tpu.memory_space<semaphore_mem>>
      %dma_start3A_29 = tpu.memref_slice %arg13[%mul3A_2] : memref<102400xf32, #tpu.memory_space<vmem_shared>> -> memref<6400xf32, #tpu.memory_space<vmem_shared>>
      %dma_start3A_30 = tpu.memref_slice %arg13[%mul3A_2] : memref<102400xf32, #tpu.memory_space<vmem_shared>> -> memref<6400xf32, #tpu.memory_space<vmem_shared>>
      tpu.enqueue_dma source(%arg27 : memref<6400xf32, #tpu.memory_space<vmem>>) target(%dma_start3A_30 : memref<6400xf32, #tpu.memory_space<vmem_shared>>) target_semaphore(%run_scoped3A : memref<!tpu.dma_semaphore, #tpu.memory_space<semaphore_mem>>)
      %dma_wait3A = tpu.memref_slice %arg13[%mul3A_2] : memref<102400xf32, #tpu.memory_space<vmem_shared>> -> memref<6400xf32, #tpu.memory_space<vmem_shared>>
      %dma_wait3A_31 = tpu.memref_slice %arg13[%mul3A_2] : memref<102400xf32, #tpu.memory_space<vmem_shared>> -> memref<6400xf32, #tpu.memory_space<vmem_shared>>
      tpu.wait_dma2 semaphore(%run_scoped3A : memref<!tpu.dma_semaphore, #tpu.memory_space<semaphore_mem>>) src(%arg27 : memref<6400xf32, #tpu.memory_space<vmem>>) dst(%dma_wait3A_31 : memref<6400xf32, #tpu.memory_space<vmem_shared>>)
      tpu.yield
    }) : () -> ()
    %barrier3A = arith.constant 0 : index
    tpu.barrier barrier_id(%barrier3A)
    %mul3A_3 = arith.constant 200000 : i32
    %mul3A_4 = arith.muli %add3A, %mul3A_3 : i32
    %dma_start3A = tpu.memref_slice %arg5[%mul3A_4] : memref<6400000xi32, #tpu.memory_space<hbm>> -> memref<4000xi32, #tpu.memory_space<hbm>>
    %dma_start3A_5 = tpu.memref_slice %arg5[%mul3A_4] : memref<6400000xi32, #tpu.memory_space<hbm>> -> memref<4000xi32, #tpu.memory_space<hbm>>
    tpu.enqueue_dma source(%dma_start3A_5 : memref<4000xi32, #tpu.memory_space<hbm>>) target(%arg17 : memref<4000xi32, #tpu.memory_space<vmem>>) target_semaphore(%arg28 : memref<!tpu.dma_semaphore, #tpu.memory_space<semaphore_mem>>)
    %dma_start3A_6 = tpu.memref_slice %arg6[%mul3A_4] : memref<6400000xi32, #tpu.memory_space<hbm>> -> memref<4000xi32, #tpu.memory_space<hbm>>
    %dma_start3A_7 = tpu.memref_slice %arg6[%mul3A_4] : memref<6400000xi32, #tpu.memory_space<hbm>> -> memref<4000xi32, #tpu.memory_space<hbm>>
    tpu.enqueue_dma source(%dma_start3A_7 : memref<4000xi32, #tpu.memory_space<hbm>>) target(%arg19 : memref<4000xi32, #tpu.memory_space<vmem>>) target_semaphore(%arg28 : memref<!tpu.dma_semaphore, #tpu.memory_space<semaphore_mem>>)
    %scan3A = arith.constant 0 : i32
    %scan3A_8 = arith.constant 0 : i32
    %scan3A_9 = arith.constant 25 : i32
    %scan3A_10 = arith.addi %scan3A_8, %scan3A_9 : i32
    %scan3A_11 = arith.constant 1 : i32
    scf.for %scan3A_29 = %scan3A_8 to %scan3A_10 step %scan3A_11  : i32 {
      %mul3A_30 = arith.constant 2 : i32
      %mul3A_31 = arith.muli %mul3A_30, %scan3A_29 : i32
      %add3A_32 = arith.constant 1 : i32
      %add3A_33 = arith.addi %mul3A_31, %add3A_32 : i32
      %mul3A_34 = arith.constant 4000 : i32
      %mul3A_35 = arith.muli %add3A_33, %mul3A_34 : i32
      %add3A_36 = arith.addi %mul3A_4, %mul3A_35 : i32
      %dma_start3A_37 = tpu.memref_slice %arg5[%add3A_36] : memref<6400000xi32, #tpu.memory_space<hbm>> -> memref<4000xi32, #tpu.memory_space<hbm>>
      %dma_start3A_38 = tpu.memref_slice %arg5[%add3A_36] : memref<6400000xi32, #tpu.memory_space<hbm>> -> memref<4000xi32, #tpu.memory_space<hbm>>
      tpu.enqueue_dma source(%dma_start3A_38 : memref<4000xi32, #tpu.memory_space<hbm>>) target(%arg18 : memref<4000xi32, #tpu.memory_space<vmem>>) target_semaphore(%arg29 : memref<!tpu.dma_semaphore, #tpu.memory_space<semaphore_mem>>)
      %add3A_39 = arith.constant 1 : i32
      %add3A_40 = arith.addi %mul3A_31, %add3A_39 : i32
      %mul3A_41 = arith.constant 4000 : i32
      %mul3A_42 = arith.muli %add3A_40, %mul3A_41 : i32
      %add3A_43 = arith.addi %mul3A_4, %mul3A_42 : i32
      %dma_start3A_44 = tpu.memref_slice %arg6[%add3A_43] : memref<6400000xi32, #tpu.memory_space<hbm>> -> memref<4000xi32, #tpu.memory_space<hbm>>
      %dma_start3A_45 = tpu.memref_slice %arg6[%add3A_43] : memref<6400000xi32, #tpu.memory_space<hbm>> -> memref<4000xi32, #tpu.memory_space<hbm>>
      tpu.enqueue_dma source(%dma_start3A_45 : memref<4000xi32, #tpu.memory_space<hbm>>) target(%arg20 : memref<4000xi32, #tpu.memory_space<vmem>>) target_semaphore(%arg29 : memref<!tpu.dma_semaphore, #tpu.memory_space<semaphore_mem>>)
      %dma_wait3A = tpu.memref_slice %arg5[%mul3A_4] : memref<6400000xi32, #tpu.memory_space<hbm>> -> memref<4000xi32, #tpu.memory_space<hbm>>
      %dma_wait3A_46 = tpu.memref_slice %arg5[%mul3A_4] : memref<6400000xi32, #tpu.memory_space<hbm>> -> memref<4000xi32, #tpu.memory_space<hbm>>
      tpu.wait_dma2 semaphore(%arg28 : memref<!tpu.dma_semaphore, #tpu.memory_space<semaphore_mem>>) src(%dma_wait3A_46 : memref<4000xi32, #tpu.memory_space<hbm>>) dst(%arg17 : memref<4000xi32, #tpu.memory_space<vmem>>)
      %dma_wait3A_47 = tpu.memref_slice %arg6[%mul3A_4] : memref<6400000xi32, #tpu.memory_space<hbm>> -> memref<4000xi32, #tpu.memory_space<hbm>>
      %dma_wait3A_48 = tpu.memref_slice %arg6[%mul3A_4] : memref<6400000xi32, #tpu.memory_space<hbm>> -> memref<4000xi32, #tpu.memory_space<hbm>>
      tpu.wait_dma2 semaphore(%arg28 : memref<!tpu.dma_semaphore, #tpu.memory_space<semaphore_mem>>) src(%dma_wait3A_48 : memref<4000xi32, #tpu.memory_space<hbm>>) dst(%arg19 : memref<4000xi32, #tpu.memory_space<vmem>>)
      %dma_start3A_49 = arith.constant 0 : i32
      %dma_start3A_50 = tpu.memref_slice %arg11[%dma_start3A_49] : memref<102400xf32, #tpu.memory_space<vmem_shared>> -> memref<102400xf32, #tpu.memory_space<vmem_shared>>
      tpu.enqueue_indirect_dma source(%dma_start3A_50 : memref<102400xf32, #tpu.memory_space<vmem_shared>>) target(%arg21 : memref<4000xf32, #tpu.memory_space<vmem>>) offsets(%arg17 : memref<4000xi32, #tpu.memory_space<vmem>>) semaphore(%arg30 : memref<!tpu.dma_semaphore, #tpu.memory_space<semaphore_mem>>)
      %dma_start3A_51 = arith.constant 0 : i32
      %dma_start3A_52 = tpu.memref_slice %arg12[%dma_start3A_51] : memref<102400xf32, #tpu.memory_space<vmem_shared>> -> memref<102400xf32, #tpu.memory_space<vmem_shared>>
      tpu.enqueue_indirect_dma source(%dma_start3A_52 : memref<102400xf32, #tpu.memory_space<vmem_shared>>) target(%arg22 : memref<4000xf32, #tpu.memory_space<vmem>>) offsets(%arg17 : memref<4000xi32, #tpu.memory_space<vmem>>) semaphore(%arg30 : memref<!tpu.dma_semaphore, #tpu.memory_space<semaphore_mem>>)
      %dma_start3A_53 = arith.constant 0 : i32
      %dma_start3A_54 = tpu.memref_slice %arg13[%dma_start3A_53] : memref<102400xf32, #tpu.memory_space<vmem_shared>> -> memref<102400xf32, #tpu.memory_space<vmem_shared>>
      tpu.enqueue_indirect_dma source(%dma_start3A_54 : memref<102400xf32, #tpu.memory_space<vmem_shared>>) target(%arg23 : memref<4000xf32, #tpu.memory_space<vmem>>) offsets(%arg17 : memref<4000xi32, #tpu.memory_space<vmem>>) semaphore(%arg30 : memref<!tpu.dma_semaphore, #tpu.memory_space<semaphore_mem>>)
      %dma_wait3A_55 = arith.constant 0 : i32
      %dma_wait3A_56 = tpu.memref_slice %arg11[%dma_wait3A_55] : memref<102400xf32, #tpu.memory_space<vmem_shared>> -> memref<102400xf32, #tpu.memory_space<vmem_shared>>
      tpu.wait_indirect_dma semaphore(%arg30 : memref<!tpu.dma_semaphore, #tpu.memory_space<semaphore_mem>>) src(%dma_wait3A_56 : memref<102400xf32, #tpu.memory_space<vmem_shared>>) dst(%arg21 : memref<4000xf32, #tpu.memory_space<vmem>>)
      %dma_wait3A_57 = arith.constant 0 : i32
      %dma_wait3A_58 = tpu.memref_slice %arg12[%dma_wait3A_57] : memref<102400xf32, #tpu.memory_space<vmem_shared>> -> memref<102400xf32, #tpu.memory_space<vmem_shared>>
      tpu.wait_indirect_dma semaphore(%arg30 : memref<!tpu.dma_semaphore, #tpu.memory_space<semaphore_mem>>) src(%dma_wait3A_58 : memref<102400xf32, #tpu.memory_space<vmem_shared>>) dst(%arg22 : memref<4000xf32, #tpu.memory_space<vmem>>)
      %dma_wait3A_59 = arith.constant 0 : i32
      %dma_wait3A_60 = tpu.memref_slice %arg13[%dma_wait3A_59] : memref<102400xf32, #tpu.memory_space<vmem_shared>> -> memref<102400xf32, #tpu.memory_space<vmem_shared>>
      tpu.wait_indirect_dma semaphore(%arg30 : memref<!tpu.dma_semaphore, #tpu.memory_space<semaphore_mem>>) src(%dma_wait3A_60 : memref<102400xf32, #tpu.memory_space<vmem_shared>>) dst(%arg23 : memref<4000xf32, #tpu.memory_space<vmem>>)
      %dma_start3A_61 = arith.constant 0 : i32
      %dma_start3A_62 = tpu.memref_slice %arg14[%dma_start3A_61] : memref<102400xf32, #tpu.memory_space<vmem_shared>> -> memref<102400xf32, #tpu.memory_space<vmem_shared>>
      tpu.enqueue_indirect_dma source(%arg21 : memref<4000xf32, #tpu.memory_space<vmem>>) target(%dma_start3A_62 : memref<102400xf32, #tpu.memory_space<vmem_shared>>) offsets(%arg19 : memref<4000xi32, #tpu.memory_space<vmem>>) semaphore(%arg30 : memref<!tpu.dma_semaphore, #tpu.memory_space<semaphore_mem>>) {add = true}
      %dma_start3A_63 = arith.constant 0 : i32
      %dma_start3A_64 = tpu.memref_slice %arg15[%dma_start3A_63] : memref<102400xf32, #tpu.memory_space<vmem_shared>> -> memref<102400xf32, #tpu.memory_space<vmem_shared>>
      tpu.enqueue_indirect_dma source(%arg22 : memref<4000xf32, #tpu.memory_space<vmem>>) target(%dma_start3A_64 : memref<102400xf32, #tpu.memory_space<vmem_shared>>) offsets(%arg19 : memref<4000xi32, #tpu.memory_space<vmem>>) semaphore(%arg30 : memref<!tpu.dma_semaphore, #tpu.memory_space<semaphore_mem>>) {add = true}
      %dma_start3A_65 = arith.constant 0 : i32
      %dma_start3A_66 = tpu.memref_slice %arg16[%dma_start3A_65] : memref<102400xf32, #tpu.memory_space<vmem_shared>> -> memref<102400xf32, #tpu.memory_space<vmem_shared>>
      tpu.enqueue_indirect_dma source(%arg23 : memref<4000xf32, #tpu.memory_space<vmem>>) target(%dma_start3A_66 : memref<102400xf32, #tpu.memory_space<vmem_shared>>) offsets(%arg19 : memref<4000xi32, #tpu.memory_space<vmem>>) semaphore(%arg30 : memref<!tpu.dma_semaphore, #tpu.memory_space<semaphore_mem>>) {add = true}
      %dma_wait3A_67 = arith.constant 0 : i32
      %dma_wait3A_68 = tpu.memref_slice %arg14[%dma_wait3A_67] : memref<102400xf32, #tpu.memory_space<vmem_shared>> -> memref<102400xf32, #tpu.memory_space<vmem_shared>>
      tpu.wait_indirect_dma semaphore(%arg30 : memref<!tpu.dma_semaphore, #tpu.memory_space<semaphore_mem>>) src(%arg21 : memref<4000xf32, #tpu.memory_space<vmem>>) dst(%dma_wait3A_68 : memref<102400xf32, #tpu.memory_space<vmem_shared>>)
      %dma_wait3A_69 = arith.constant 0 : i32
      %dma_wait3A_70 = tpu.memref_slice %arg15[%dma_wait3A_69] : memref<102400xf32, #tpu.memory_space<vmem_shared>> -> memref<102400xf32, #tpu.memory_space<vmem_shared>>
      tpu.wait_indirect_dma semaphore(%arg30 : memref<!tpu.dma_semaphore, #tpu.memory_space<semaphore_mem>>) src(%arg22 : memref<4000xf32, #tpu.memory_space<vmem>>) dst(%dma_wait3A_70 : memref<102400xf32, #tpu.memory_space<vmem_shared>>)
      %dma_wait3A_71 = arith.constant 0 : i32
      %dma_wait3A_72 = tpu.memref_slice %arg16[%dma_wait3A_71] : memref<102400xf32, #tpu.memory_space<vmem_shared>> -> memref<102400xf32, #tpu.memory_space<vmem_shared>>
      tpu.wait_indirect_dma semaphore(%arg30 : memref<!tpu.dma_semaphore, #tpu.memory_space<semaphore_mem>>) src(%arg23 : memref<4000xf32, #tpu.memory_space<vmem>>) dst(%dma_wait3A_72 : memref<102400xf32, #tpu.memory_space<vmem_shared>>)
      %mul3A_73 = arith.constant 2 : i32
      %mul3A_74 = arith.muli %mul3A_73, %scan3A_29 : i32
      %add3A_75 = arith.constant 1 : i32
      %add3A_76 = arith.addi %mul3A_74, %add3A_75 : i32
      %lt3A = arith.constant 24 : i32
      %lt3A_77 = arith.cmpi slt, %scan3A_29, %lt3A : i32
      %convert_element_type3A = arith.extui %lt3A_77 : i1 to i32
      %cond3A = arith.constant 0 : i32
      %cond3A_78 = arith.cmpi ne, %convert_element_type3A, %cond3A : i32
      scf.if %cond3A_78 {
        %add3A_107 = arith.constant 1 : i32
        %add3A_108 = arith.addi %add3A_76, %add3A_107 : i32
        %mul3A_109 = arith.constant 4000 : i32
        %mul3A_110 = arith.muli %add3A_108, %mul3A_109 : i32
        %add3A_111 = arith.addi %mul3A_4, %mul3A_110 : i32
        %dma_start3A_112 = tpu.memref_slice %arg5[%add3A_111] : memref<6400000xi32, #tpu.memory_space<hbm>> -> memref<4000xi32, #tpu.memory_space<hbm>>
        %dma_start3A_113 = tpu.memref_slice %arg5[%add3A_111] : memref<6400000xi32, #tpu.memory_space<hbm>> -> memref<4000xi32, #tpu.memory_space<hbm>>
        tpu.enqueue_dma source(%dma_start3A_113 : memref<4000xi32, #tpu.memory_space<hbm>>) target(%arg17 : memref<4000xi32, #tpu.memory_space<vmem>>) target_semaphore(%arg28 : memref<!tpu.dma_semaphore, #tpu.memory_space<semaphore_mem>>)
        %add3A_114 = arith.constant 1 : i32
        %add3A_115 = arith.addi %add3A_76, %add3A_114 : i32
        %mul3A_116 = arith.constant 4000 : i32
        %mul3A_117 = arith.muli %add3A_115, %mul3A_116 : i32
        %add3A_118 = arith.addi %mul3A_4, %mul3A_117 : i32
        %dma_start3A_119 = tpu.memref_slice %arg6[%add3A_118] : memref<6400000xi32, #tpu.memory_space<hbm>> -> memref<4000xi32, #tpu.memory_space<hbm>>
        %dma_start3A_120 = tpu.memref_slice %arg6[%add3A_118] : memref<6400000xi32, #tpu.memory_space<hbm>> -> memref<4000xi32, #tpu.memory_space<hbm>>
        tpu.enqueue_dma source(%dma_start3A_120 : memref<4000xi32, #tpu.memory_space<hbm>>) target(%arg19 : memref<4000xi32, #tpu.memory_space<vmem>>) target_semaphore(%arg28 : memref<!tpu.dma_semaphore, #tpu.memory_space<semaphore_mem>>)
      } else {
      }
      %dma_wait3A_79 = tpu.memref_slice %arg5[%mul3A_4] : memref<6400000xi32, #tpu.memory_space<hbm>> -> memref<4000xi32, #tpu.memory_space<hbm>>
      %dma_wait3A_80 = tpu.memref_slice %arg5[%mul3A_4] : memref<6400000xi32, #tpu.memory_space<hbm>> -> memref<4000xi32, #tpu.memory_space<hbm>>
      tpu.wait_dma2 semaphore(%arg29 : memref<!tpu.dma_semaphore, #tpu.memory_space<semaphore_mem>>) src(%dma_wait3A_80 : memref<4000xi32, #tpu.memory_space<hbm>>) dst(%arg18 : memref<4000xi32, #tpu.memory_space<vmem>>)
      %dma_wait3A_81 = tpu.memref_slice %arg6[%mul3A_4] : memref<6400000xi32, #tpu.memory_space<hbm>> -> memref<4000xi32, #tpu.memory_space<hbm>>
      %dma_wait3A_82 = tpu.memref_slice %arg6[%mul3A_4] : memref<6400000xi32, #tpu.memory_space<hbm>> -> memref<4000xi32, #tpu.memory_space<hbm>>
      tpu.wait_dma2 semaphore(%arg29 : memref<!tpu.dma_semaphore, #tpu.memory_space<semaphore_mem>>) src(%dma_wait3A_82 : memref<4000xi32, #tpu.memory_space<hbm>>) dst(%arg20 : memref<4000xi32, #tpu.memory_space<vmem>>)
      %dma_start3A_83 = arith.constant 0 : i32
      %dma_start3A_84 = tpu.memref_slice %arg11[%dma_start3A_83] : memref<102400xf32, #tpu.memory_space<vmem_shared>> -> memref<102400xf32, #tpu.memory_space<vmem_shared>>
      tpu.enqueue_indirect_dma source(%dma_start3A_84 : memref<102400xf32, #tpu.memory_space<vmem_shared>>) target(%arg24 : memref<4000xf32, #tpu.memory_space<vmem>>) offsets(%arg18 : memref<4000xi32, #tpu.memory_space<vmem>>) semaphore(%arg31 : memref<!tpu.dma_semaphore, #tpu.memory_space<semaphore_mem>>)
      %dma_start3A_85 = arith.constant 0 : i32
      %dma_start3A_86 = tpu.memref_slice %arg12[%dma_start3A_85] : memref<102400xf32, #tpu.memory_space<vmem_shared>> -> memref<102400xf32, #tpu.memory_space<vmem_shared>>
      tpu.enqueue_indirect_dma source(%dma_start3A_86 : memref<102400xf32, #tpu.memory_space<vmem_shared>>) target(%arg25 : memref<4000xf32, #tpu.memory_space<vmem>>) offsets(%arg18 : memref<4000xi32, #tpu.memory_space<vmem>>) semaphore(%arg31 : memref<!tpu.dma_semaphore, #tpu.memory_space<semaphore_mem>>)
      %dma_start3A_87 = arith.constant 0 : i32
      %dma_start3A_88 = tpu.memref_slice %arg13[%dma_start3A_87] : memref<102400xf32, #tpu.memory_space<vmem_shared>> -> memref<102400xf32, #tpu.memory_space<vmem_shared>>
      tpu.enqueue_indirect_dma source(%dma_start3A_88 : memref<102400xf32, #tpu.memory_space<vmem_shared>>) target(%arg26 : memref<4000xf32, #tpu.memory_space<vmem>>) offsets(%arg18 : memref<4000xi32, #tpu.memory_space<vmem>>) semaphore(%arg31 : memref<!tpu.dma_semaphore, #tpu.memory_space<semaphore_mem>>)
      %dma_wait3A_89 = arith.constant 0 : i32
      %dma_wait3A_90 = tpu.memref_slice %arg11[%dma_wait3A_89] : memref<102400xf32, #tpu.memory_space<vmem_shared>> -> memref<102400xf32, #tpu.memory_space<vmem_shared>>
      tpu.wait_indirect_dma semaphore(%arg31 : memref<!tpu.dma_semaphore, #tpu.memory_space<semaphore_mem>>) src(%dma_wait3A_90 : memref<102400xf32, #tpu.memory_space<vmem_shared>>) dst(%arg24 : memref<4000xf32, #tpu.memory_space<vmem>>)
      %dma_wait3A_91 = arith.constant 0 : i32
      %dma_wait3A_92 = tpu.memref_slice %arg12[%dma_wait3A_91] : memref<102400xf32, #tpu.memory_space<vmem_shared>> -> memref<102400xf32, #tpu.memory_space<vmem_shared>>
      tpu.wait_indirect_dma semaphore(%arg31 : memref<!tpu.dma_semaphore, #tpu.memory_space<semaphore_mem>>) src(%dma_wait3A_92 : memref<102400xf32, #tpu.memory_space<vmem_shared>>) dst(%arg25 : memref<4000xf32, #tpu.memory_space<vmem>>)
      %dma_wait3A_93 = arith.constant 0 : i32
      %dma_wait3A_94 = tpu.memref_slice %arg13[%dma_wait3A_93] : memref<102400xf32, #tpu.memory_space<vmem_shared>> -> memref<102400xf32, #tpu.memory_space<vmem_shared>>
      tpu.wait_indirect_dma semaphore(%arg31 : memref<!tpu.dma_semaphore, #tpu.memory_space<semaphore_mem>>) src(%dma_wait3A_94 : memref<102400xf32, #tpu.memory_space<vmem_shared>>) dst(%arg26 : memref<4000xf32, #tpu.memory_space<vmem>>)
      %dma_start3A_95 = arith.constant 0 : i32
      %dma_start3A_96 = tpu.memref_slice %arg14[%dma_start3A_95] : memref<102400xf32, #tpu.memory_space<vmem_shared>> -> memref<102400xf32, #tpu.memory_space<vmem_shared>>
      tpu.enqueue_indirect_dma source(%arg24 : memref<4000xf32, #tpu.memory_space<vmem>>) target(%dma_start3A_96 : memref<102400xf32, #tpu.memory_space<vmem_shared>>) offsets(%arg20 : memref<4000xi32, #tpu.memory_space<vmem>>) semaphore(%arg31 : memref<!tpu.dma_semaphore, #tpu.memory_space<semaphore_mem>>) {add = true}
      %dma_start3A_97 = arith.constant 0 : i32
      %dma_start3A_98 = tpu.memref_slice %arg15[%dma_start3A_97] : memref<102400xf32, #tpu.memory_space<vmem_shared>> -> memref<102400xf32, #tpu.memory_space<vmem_shared>>
      tpu.enqueue_indirect_dma source(%arg25 : memref<4000xf32, #tpu.memory_space<vmem>>) target(%dma_start3A_98 : memref<102400xf32, #tpu.memory_space<vmem_shared>>) offsets(%arg20 : memref<4000xi32, #tpu.memory_space<vmem>>) semaphore(%arg31 : memref<!tpu.dma_semaphore, #tpu.memory_space<semaphore_mem>>) {add = true}
      %dma_start3A_99 = arith.constant 0 : i32
      %dma_start3A_100 = tpu.memref_slice %arg16[%dma_start3A_99] : memref<102400xf32, #tpu.memory_space<vmem_shared>> -> memref<102400xf32, #tpu.memory_space<vmem_shared>>
      tpu.enqueue_indirect_dma source(%arg26 : memref<4000xf32, #tpu.memory_space<vmem>>) target(%dma_start3A_100 : memref<102400xf32, #tpu.memory_space<vmem_shared>>) offsets(%arg20 : memref<4000xi32, #tpu.memory_space<vmem>>) semaphore(%arg31 : memref<!tpu.dma_semaphore, #tpu.memory_space<semaphore_mem>>) {add = true}
      %dma_wait3A_101 = arith.constant 0 : i32
      %dma_wait3A_102 = tpu.memref_slice %arg14[%dma_wait3A_101] : memref<102400xf32, #tpu.memory_space<vmem_shared>> -> memref<102400xf32, #tpu.memory_space<vmem_shared>>
      tpu.wait_indirect_dma semaphore(%arg31 : memref<!tpu.dma_semaphore, #tpu.memory_space<semaphore_mem>>) src(%arg24 : memref<4000xf32, #tpu.memory_space<vmem>>) dst(%dma_wait3A_102 : memref<102400xf32, #tpu.memory_space<vmem_shared>>)
      %dma_wait3A_103 = arith.constant 0 : i32
      %dma_wait3A_104 = tpu.memref_slice %arg15[%dma_wait3A_103] : memref<102400xf32, #tpu.memory_space<vmem_shared>> -> memref<102400xf32, #tpu.memory_space<vmem_shared>>
      tpu.wait_indirect_dma semaphore(%arg31 : memref<!tpu.dma_semaphore, #tpu.memory_space<semaphore_mem>>) src(%arg25 : memref<4000xf32, #tpu.memory_space<vmem>>) dst(%dma_wait3A_104 : memref<102400xf32, #tpu.memory_space<vmem_shared>>)
      %dma_wait3A_105 = arith.constant 0 : i32
      %dma_wait3A_106 = tpu.memref_slice %arg16[%dma_wait3A_105] : memref<102400xf32, #tpu.memory_space<vmem_shared>> -> memref<102400xf32, #tpu.memory_space<vmem_shared>>
      tpu.wait_indirect_dma semaphore(%arg31 : memref<!tpu.dma_semaphore, #tpu.memory_space<semaphore_mem>>) src(%arg26 : memref<4000xf32, #tpu.memory_space<vmem>>) dst(%dma_wait3A_106 : memref<102400xf32, #tpu.memory_space<vmem_shared>>)
    }
    %scan3A_12 = arith.constant 25 : i32
    %barrier3A_13 = arith.constant 0 : index
    tpu.barrier barrier_id(%barrier3A_13)
    "tpu.region"() ({
      %run_scoped3A = tpu.sem_alloc : memref<!tpu.dma_semaphore, #tpu.memory_space<semaphore_mem>>
      %dma_start3A_29 = tpu.memref_slice %arg14[%mul3A_2] : memref<102400xf32, #tpu.memory_space<vmem_shared>> -> memref<6400xf32, #tpu.memory_space<vmem_shared>>
      %dma_start3A_30 = tpu.memref_slice %arg14[%mul3A_2] : memref<102400xf32, #tpu.memory_space<vmem_shared>> -> memref<6400xf32, #tpu.memory_space<vmem_shared>>
      tpu.enqueue_dma source(%dma_start3A_30 : memref<6400xf32, #tpu.memory_space<vmem_shared>>) target(%arg27 : memref<6400xf32, #tpu.memory_space<vmem>>) target_semaphore(%run_scoped3A : memref<!tpu.dma_semaphore, #tpu.memory_space<semaphore_mem>>)
      %dma_wait3A = tpu.memref_slice %arg14[%mul3A_2] : memref<102400xf32, #tpu.memory_space<vmem_shared>> -> memref<6400xf32, #tpu.memory_space<vmem_shared>>
      %dma_wait3A_31 = tpu.memref_slice %arg14[%mul3A_2] : memref<102400xf32, #tpu.memory_space<vmem_shared>> -> memref<6400xf32, #tpu.memory_space<vmem_shared>>
      tpu.wait_dma2 semaphore(%run_scoped3A : memref<!tpu.dma_semaphore, #tpu.memory_space<semaphore_mem>>) src(%dma_wait3A_31 : memref<6400xf32, #tpu.memory_space<vmem_shared>>) dst(%arg27 : memref<6400xf32, #tpu.memory_space<vmem>>)
      tpu.yield
    }) : () -> ()
    %mul3A_14 = arith.constant 102400 : i32
    %mul3A_15 = arith.muli %arg0, %mul3A_14 : i32
    %mul3A_16 = arith.constant 6400 : i32
    %mul3A_17 = arith.muli %arg1, %mul3A_16 : i32
    %add3A_18 = arith.addi %mul3A_15, %mul3A_17 : i32
    "tpu.region"() ({
      %run_scoped3A = tpu.sem_alloc : memref<!tpu.dma_semaphore, #tpu.memory_space<semaphore_mem>>
      %dma_start3A_29 = tpu.memref_slice %arg8[%add3A_18] : memref<204800xf32, #tpu.memory_space<hbm>> -> memref<6400xf32, #tpu.memory_space<hbm>>
      %dma_start3A_30 = tpu.memref_slice %arg8[%add3A_18] : memref<204800xf32, #tpu.memory_space<hbm>> -> memref<6400xf32, #tpu.memory_space<hbm>>
      tpu.enqueue_dma source(%arg27 : memref<6400xf32, #tpu.memory_space<vmem>>) target(%dma_start3A_30 : memref<6400xf32, #tpu.memory_space<hbm>>) target_semaphore(%run_scoped3A : memref<!tpu.dma_semaphore, #tpu.memory_space<semaphore_mem>>)
      %dma_wait3A = tpu.memref_slice %arg8[%add3A_18] : memref<204800xf32, #tpu.memory_space<hbm>> -> memref<6400xf32, #tpu.memory_space<hbm>>
      %dma_wait3A_31 = tpu.memref_slice %arg8[%add3A_18] : memref<204800xf32, #tpu.memory_space<hbm>> -> memref<6400xf32, #tpu.memory_space<hbm>>
      tpu.wait_dma2 semaphore(%run_scoped3A : memref<!tpu.dma_semaphore, #tpu.memory_space<semaphore_mem>>) src(%arg27 : memref<6400xf32, #tpu.memory_space<vmem>>) dst(%dma_wait3A_31 : memref<6400xf32, #tpu.memory_space<hbm>>)
      tpu.yield
    }) : () -> ()
    "tpu.region"() ({
      %run_scoped3A = tpu.sem_alloc : memref<!tpu.dma_semaphore, #tpu.memory_space<semaphore_mem>>
      %dma_start3A_29 = tpu.memref_slice %arg15[%mul3A_2] : memref<102400xf32, #tpu.memory_space<vmem_shared>> -> memref<6400xf32, #tpu.memory_space<vmem_shared>>
      %dma_start3A_30 = tpu.memref_slice %arg15[%mul3A_2] : memref<102400xf32, #tpu.memory_space<vmem_shared>> -> memref<6400xf32, #tpu.memory_space<vmem_shared>>
      tpu.enqueue_dma source(%dma_start3A_30 : memref<6400xf32, #tpu.memory_space<vmem_shared>>) target(%arg27 : memref<6400xf32, #tpu.memory_space<vmem>>) target_semaphore(%run_scoped3A : memref<!tpu.dma_semaphore, #tpu.memory_space<semaphore_mem>>)
      %dma_wait3A = tpu.memref_slice %arg15[%mul3A_2] : memref<102400xf32, #tpu.memory_space<vmem_shared>> -> memref<6400xf32, #tpu.memory_space<vmem_shared>>
      %dma_wait3A_31 = tpu.memref_slice %arg15[%mul3A_2] : memref<102400xf32, #tpu.memory_space<vmem_shared>> -> memref<6400xf32, #tpu.memory_space<vmem_shared>>
      tpu.wait_dma2 semaphore(%run_scoped3A : memref<!tpu.dma_semaphore, #tpu.memory_space<semaphore_mem>>) src(%dma_wait3A_31 : memref<6400xf32, #tpu.memory_space<vmem_shared>>) dst(%arg27 : memref<6400xf32, #tpu.memory_space<vmem>>)
      tpu.yield
    }) : () -> ()
    %mul3A_19 = arith.constant 102400 : i32
    %mul3A_20 = arith.muli %arg0, %mul3A_19 : i32
    %mul3A_21 = arith.constant 6400 : i32
    %mul3A_22 = arith.muli %arg1, %mul3A_21 : i32
    %add3A_23 = arith.addi %mul3A_20, %mul3A_22 : i32
    "tpu.region"() ({
      %run_scoped3A = tpu.sem_alloc : memref<!tpu.dma_semaphore, #tpu.memory_space<semaphore_mem>>
      %dma_start3A_29 = tpu.memref_slice %arg9[%add3A_23] : memref<204800xf32, #tpu.memory_space<hbm>> -> memref<6400xf32, #tpu.memory_space<hbm>>
      %dma_start3A_30 = tpu.memref_slice %arg9[%add3A_23] : memref<204800xf32, #tpu.memory_space<hbm>> -> memref<6400xf32, #tpu.memory_space<hbm>>
      tpu.enqueue_dma source(%arg27 : memref<6400xf32, #tpu.memory_space<vmem>>) target(%dma_start3A_30 : memref<6400xf32, #tpu.memory_space<hbm>>) target_semaphore(%run_scoped3A : memref<!tpu.dma_semaphore, #tpu.memory_space<semaphore_mem>>)
      %dma_wait3A = tpu.memref_slice %arg9[%add3A_23] : memref<204800xf32, #tpu.memory_space<hbm>> -> memref<6400xf32, #tpu.memory_space<hbm>>
      %dma_wait3A_31 = tpu.memref_slice %arg9[%add3A_23] : memref<204800xf32, #tpu.memory_space<hbm>> -> memref<6400xf32, #tpu.memory_space<hbm>>
      tpu.wait_dma2 semaphore(%run_scoped3A : memref<!tpu.dma_semaphore, #tpu.memory_space<semaphore_mem>>) src(%arg27 : memref<6400xf32, #tpu.memory_space<vmem>>) dst(%dma_wait3A_31 : memref<6400xf32, #tpu.memory_space<hbm>>)
      tpu.yield
    }) : () -> ()
    "tpu.region"() ({
      %run_scoped3A = tpu.sem_alloc : memref<!tpu.dma_semaphore, #tpu.memory_space<semaphore_mem>>
      %dma_start3A_29 = tpu.memref_slice %arg16[%mul3A_2] : memref<102400xf32, #tpu.memory_space<vmem_shared>> -> memref<6400xf32, #tpu.memory_space<vmem_shared>>
      %dma_start3A_30 = tpu.memref_slice %arg16[%mul3A_2] : memref<102400xf32, #tpu.memory_space<vmem_shared>> -> memref<6400xf32, #tpu.memory_space<vmem_shared>>
      tpu.enqueue_dma source(%dma_start3A_30 : memref<6400xf32, #tpu.memory_space<vmem_shared>>) target(%arg27 : memref<6400xf32, #tpu.memory_space<vmem>>) target_semaphore(%run_scoped3A : memref<!tpu.dma_semaphore, #tpu.memory_space<semaphore_mem>>)
      %dma_wait3A = tpu.memref_slice %arg16[%mul3A_2] : memref<102400xf32, #tpu.memory_space<vmem_shared>> -> memref<6400xf32, #tpu.memory_space<vmem_shared>>
      %dma_wait3A_31 = tpu.memref_slice %arg16[%mul3A_2] : memref<102400xf32, #tpu.memory_space<vmem_shared>> -> memref<6400xf32, #tpu.memory_space<vmem_shared>>
      tpu.wait_dma2 semaphore(%run_scoped3A : memref<!tpu.dma_semaphore, #tpu.memory_space<semaphore_mem>>) src(%dma_wait3A_31 : memref<6400xf32, #tpu.memory_space<vmem_shared>>) dst(%arg27 : memref<6400xf32, #tpu.memory_space<vmem>>)
      tpu.yield
    }) : () -> ()
    %mul3A_24 = arith.constant 102400 : i32
    %mul3A_25 = arith.muli %arg0, %mul3A_24 : i32
    %mul3A_26 = arith.constant 6400 : i32
    %mul3A_27 = arith.muli %arg1, %mul3A_26 : i32
    %add3A_28 = arith.addi %mul3A_25, %mul3A_27 : i32
    "tpu.region"() ({
      %run_scoped3A = tpu.sem_alloc : memref<!tpu.dma_semaphore, #tpu.memory_space<semaphore_mem>>
      %dma_start3A_29 = tpu.memref_slice %arg10[%add3A_28] : memref<204800xf32, #tpu.memory_space<hbm>> -> memref<6400xf32, #tpu.memory_space<hbm>>
      %dma_start3A_30 = tpu.memref_slice %arg10[%add3A_28] : memref<204800xf32, #tpu.memory_space<hbm>> -> memref<6400xf32, #tpu.memory_space<hbm>>
      tpu.enqueue_dma source(%arg27 : memref<6400xf32, #tpu.memory_space<vmem>>) target(%dma_start3A_30 : memref<6400xf32, #tpu.memory_space<hbm>>) target_semaphore(%run_scoped3A : memref<!tpu.dma_semaphore, #tpu.memory_space<semaphore_mem>>)
      %dma_wait3A = tpu.memref_slice %arg10[%add3A_28] : memref<204800xf32, #tpu.memory_space<hbm>> -> memref<6400xf32, #tpu.memory_space<hbm>>
      %dma_wait3A_31 = tpu.memref_slice %arg10[%add3A_28] : memref<204800xf32, #tpu.memory_space<hbm>> -> memref<6400xf32, #tpu.memory_space<hbm>>
      tpu.wait_dma2 semaphore(%run_scoped3A : memref<!tpu.dma_semaphore, #tpu.memory_space<semaphore_mem>>) src(%arg27 : memref<6400xf32, #tpu.memory_space<vmem>>) dst(%dma_wait3A_31 : memref<6400xf32, #tpu.memory_space<hbm>>)
      tpu.yield
    }) : () -> ()
    return
  }
}

module attributes {stable_mosaic.version = 14 : i64} {
  func.func @_prep_body(%arg0: memref<2x8x12800xf32, #tpu.memory_space<vmem>>, %arg1: memref<8x12800xf32, #tpu.memory_space<vmem>>, %arg2: memref<8x12800xf32, #tpu.memory_space<vmem>>, %arg3: memref<8x12800xf32, #tpu.memory_space<vmem>>) attributes {dimension_semantics = [], scalar_prefetch = 0 : i64, scratch_operands = 0 : i64, tpu.core_type = #tpu.core_type<tc>} {
    %get3A = arith.constant 0 : index
    %get3A_0 = arith.constant 0 : index
    %get3A_1 = arith.constant 0 : index
    %get3A_2 = vector.load %arg0[%get3A, %get3A_0, %get3A_1] : memref<2x8x12800xf32, #tpu.memory_space<vmem>>, vector<1x8x12800xf32>
    %get3A_3 = vector.shape_cast %get3A_2 : vector<1x8x12800xf32> to vector<8x12800xf32>
    %get3A_4 = arith.constant 1 : index
    %get3A_5 = arith.constant 0 : index
    %get3A_6 = arith.constant 0 : index
    %get3A_7 = vector.load %arg0[%get3A_4, %get3A_5, %get3A_6] : memref<2x8x12800xf32, #tpu.memory_space<vmem>>, vector<1x8x12800xf32>
    %get3A_8 = vector.shape_cast %get3A_7 : vector<1x8x12800xf32> to vector<8x12800xf32>
    %add3A = arith.addf %get3A_3, %get3A_8 : vector<8x12800xf32>
    %add3A_9 = arith.constant 1.000000e+00 : f32
    %add3A_10 = vector.broadcast %add3A_9 : f32 to vector<8x12800xf32>
    %add3A_11 = arith.addf %add3A, %add3A_10 : vector<8x12800xf32>
    %rsqrt3A = math.rsqrt %add3A_11 : vector<8x12800xf32>
    %mul3A = arith.constant 5.000000e-01 : f32
    %mul3A_12 = vector.broadcast %mul3A : f32 to vector<8x12800xf32>
    %mul3A_13 = arith.mulf %mul3A_12, %add3A_11 : vector<8x12800xf32>
    %mul3A_14 = arith.mulf %mul3A_13, %rsqrt3A : vector<8x12800xf32>
    %mul3A_15 = arith.mulf %mul3A_14, %rsqrt3A : vector<8x12800xf32>
    %sub3A = arith.constant 1.500000e+00 : f32
    %sub3A_16 = vector.broadcast %sub3A : f32 to vector<8x12800xf32>
    %sub3A_17 = arith.subf %sub3A_16, %mul3A_15 : vector<8x12800xf32>
    %mul3A_18 = arith.mulf %rsqrt3A, %sub3A_17 : vector<8x12800xf32>
    %mul3A_19 = arith.constant 5.000000e-01 : f32
    %mul3A_20 = vector.broadcast %mul3A_19 : f32 to vector<8x12800xf32>
    %mul3A_21 = arith.mulf %mul3A_20, %add3A_11 : vector<8x12800xf32>
    %mul3A_22 = arith.mulf %mul3A_21, %mul3A_18 : vector<8x12800xf32>
    %mul3A_23 = arith.mulf %mul3A_22, %mul3A_18 : vector<8x12800xf32>
    %sub3A_24 = arith.constant 1.500000e+00 : f32
    %sub3A_25 = vector.broadcast %sub3A_24 : f32 to vector<8x12800xf32>
    %sub3A_26 = arith.subf %sub3A_25, %mul3A_23 : vector<8x12800xf32>
    %mul3A_27 = arith.mulf %mul3A_18, %sub3A_26 : vector<8x12800xf32>
    %swap3A = arith.constant 0 : index
    %swap3A_28 = arith.constant 0 : index
    %swap3A_29 = vector.load %arg2[%swap3A, %swap3A_28] : memref<8x12800xf32, #tpu.memory_space<vmem>>, vector<8x12800xf32>
    tpu.vector_store %arg2[%swap3A, %swap3A_28], %mul3A_27 {strides = array<i32>} : memref<8x12800xf32, #tpu.memory_space<vmem>>, vector<8x12800xf32>,
    %get3A_30 = arith.constant 0 : index
    %get3A_31 = arith.constant 0 : index
    %get3A_32 = vector.load %arg1[%get3A_30, %get3A_31] : memref<8x12800xf32, #tpu.memory_space<vmem>>, vector<8x12800xf32>
    %mul3A_33 = arith.mulf %get3A_32, %mul3A_27 : vector<8x12800xf32>
    %swap3A_34 = arith.constant 0 : index
    %swap3A_35 = arith.constant 0 : index
    %swap3A_36 = vector.load %arg3[%swap3A_34, %swap3A_35] : memref<8x12800xf32, #tpu.memory_space<vmem>>, vector<8x12800xf32>
    tpu.vector_store %arg3[%swap3A_34, %swap3A_35], %mul3A_33 {strides = array<i32>} : memref<8x12800xf32, #tpu.memory_space<vmem>>, vector<8x12800xf32>,
    return
  }
}

module attributes {stable_mosaic.version = 14 : i64} {
  func.func @_epi_m2_body(%arg0: memref<2x8x12800xf32, #tpu.memory_space<vmem>>, %arg1: memref<8x12800xf32, #tpu.memory_space<vmem>>, %arg2: memref<8x12800xf32, #tpu.memory_space<vmem>>, %arg3: memref<1x3xf32, #tpu.memory_space<smem>>, %arg4: memref<3xf32, #tpu.memory_space<smem>>, %arg5: memref<3x3xf32, #tpu.memory_space<smem>>, %arg6: memref<3x8x12800xf32, #tpu.memory_space<vmem>>) attributes {dimension_semantics = [], scalar_prefetch = 0 : i64, scratch_operands = 0 : i64, tpu.core_type = #tpu.core_type<tc>} {
    %get3A = arith.constant 0 : index
    %get3A_0 = arith.constant 0 : index
    %get3A_1 = vector.load %arg2[%get3A, %get3A_0] : memref<8x12800xf32, #tpu.memory_space<vmem>>, vector<8x12800xf32>
    %get3A_2 = arith.constant 0 : index
    %get3A_3 = arith.constant 0 : index
    %get3A_4 = arith.constant 0 : index
    %get3A_5 = vector.load %arg0[%get3A_2, %get3A_3, %get3A_4] : memref<2x8x12800xf32, #tpu.memory_space<vmem>>, vector<1x8x12800xf32>
    %get3A_6 = vector.shape_cast %get3A_5 : vector<1x8x12800xf32> to vector<8x12800xf32>
    %get3A_7 = arith.constant 1 : index
    %get3A_8 = arith.constant 0 : index
    %get3A_9 = arith.constant 0 : index
    %get3A_10 = vector.load %arg0[%get3A_7, %get3A_8, %get3A_9] : memref<2x8x12800xf32, #tpu.memory_space<vmem>>, vector<1x8x12800xf32>
    %get3A_11 = vector.shape_cast %get3A_10 : vector<1x8x12800xf32> to vector<8x12800xf32>
    %add3A = arith.addf %get3A_6, %get3A_11 : vector<8x12800xf32>
    %get3A_12 = arith.constant 0 : index
    %get3A_13 = arith.constant 0 : index
    %get3A_14 = vector.load %arg1[%get3A_12, %get3A_13] : memref<8x12800xf32, #tpu.memory_space<vmem>>, vector<8x12800xf32>
    %add3A_15 = arith.addf %add3A, %get3A_14 : vector<8x12800xf32>
    %mul3A = arith.mulf %add3A_15, %get3A_1 : vector<8x12800xf32>
    %get3A_16 = arith.constant 0 : index
    %get3A_17 = arith.constant 0 : index
    %get3A_18 = memref.load %arg3[%get3A_16, %get3A_17] : memref<1x3xf32, #tpu.memory_space<smem>>
    %mul3A_19 = vector.broadcast %get3A_18 : f32 to vector<8x12800xf32>
    %mul3A_20 = arith.mulf %mul3A_19, %mul3A : vector<8x12800xf32>
    %get3A_21 = arith.constant 0 : index
    %get3A_22 = memref.load %arg4[%get3A_21] : memref<3xf32, #tpu.memory_space<smem>>
    %add3A_23 = vector.broadcast %get3A_22 : f32 to vector<8x12800xf32>
    %add3A_24 = arith.addf %mul3A_20, %add3A_23 : vector<8x12800xf32>
    %max3A = arith.constant 0.000000e+00 : f32
    %max3A_25 = vector.broadcast %max3A : f32 to vector<8x12800xf32>
    %max3A_26 = arith.maximumf %add3A_24, %max3A_25 : vector<8x12800xf32>
    %bitcast_convert_type3A = tpu.bitcast %max3A_26 : vector<8x12800xf32> -> vector<8x12800xi32>
    %add3A_27 = arith.constant 32767 : i32
    %add3A_28 = vector.broadcast %add3A_27 : i32 to vector<8x12800xi32>
    %add3A_29 = arith.addi %bitcast_convert_type3A, %add3A_28 : vector<8x12800xi32>
    %shift_right_arithmetic3A = arith.constant 16 : i32
    %shift_right_arithmetic3A_30 = vector.broadcast %shift_right_arithmetic3A : i32 to vector<8x12800xi32>
    %shift_right_arithmetic3A_31 = arith.shrsi %bitcast_convert_type3A, %shift_right_arithmetic3A_30 : vector<8x12800xi32>
    %and3A = arith.constant 1 : i32
    %and3A_32 = vector.broadcast %and3A : i32 to vector<8x12800xi32>
    %and3A_33 = arith.andi %shift_right_arithmetic3A_31, %and3A_32 : vector<8x12800xi32>
    %add3A_34 = arith.addi %add3A_29, %and3A_33 : vector<8x12800xi32>
    %and3A_35 = arith.constant -65536 : i32
    %and3A_36 = vector.broadcast %and3A_35 : i32 to vector<8x12800xi32>
    %and3A_37 = arith.andi %add3A_34, %and3A_36 : vector<8x12800xi32>
    %bitcast_convert_type3A_38 = tpu.bitcast %and3A_37 : vector<8x12800xi32> -> vector<8x12800xf32>
    %get3A_39 = arith.constant 0 : index
    %get3A_40 = arith.constant 1 : index
    %get3A_41 = memref.load %arg3[%get3A_39, %get3A_40] : memref<1x3xf32, #tpu.memory_space<smem>>
    %mul3A_42 = vector.broadcast %get3A_41 : f32 to vector<8x12800xf32>
    %mul3A_43 = arith.mulf %mul3A_42, %mul3A : vector<8x12800xf32>
    %get3A_44 = arith.constant 1 : index
    %get3A_45 = memref.load %arg4[%get3A_44] : memref<3xf32, #tpu.memory_space<smem>>
    %add3A_46 = vector.broadcast %get3A_45 : f32 to vector<8x12800xf32>
    %add3A_47 = arith.addf %mul3A_43, %add3A_46 : vector<8x12800xf32>
    %max3A_48 = arith.constant 0.000000e+00 : f32
    %max3A_49 = vector.broadcast %max3A_48 : f32 to vector<8x12800xf32>
    %max3A_50 = arith.maximumf %add3A_47, %max3A_49 : vector<8x12800xf32>
    %bitcast_convert_type3A_51 = tpu.bitcast %max3A_50 : vector<8x12800xf32> -> vector<8x12800xi32>
    %add3A_52 = arith.constant 32767 : i32
    %add3A_53 = vector.broadcast %add3A_52 : i32 to vector<8x12800xi32>
    %add3A_54 = arith.addi %bitcast_convert_type3A_51, %add3A_53 : vector<8x12800xi32>
    %shift_right_arithmetic3A_55 = arith.constant 16 : i32
    %shift_right_arithmetic3A_56 = vector.broadcast %shift_right_arithmetic3A_55 : i32 to vector<8x12800xi32>
    %shift_right_arithmetic3A_57 = arith.shrsi %bitcast_convert_type3A_51, %shift_right_arithmetic3A_56 : vector<8x12800xi32>
    %and3A_58 = arith.constant 1 : i32
    %and3A_59 = vector.broadcast %and3A_58 : i32 to vector<8x12800xi32>
    %and3A_60 = arith.andi %shift_right_arithmetic3A_57, %and3A_59 : vector<8x12800xi32>
    %add3A_61 = arith.addi %add3A_54, %and3A_60 : vector<8x12800xi32>
    %and3A_62 = arith.constant -65536 : i32
    %and3A_63 = vector.broadcast %and3A_62 : i32 to vector<8x12800xi32>
    %and3A_64 = arith.andi %add3A_61, %and3A_63 : vector<8x12800xi32>
    %bitcast_convert_type3A_65 = tpu.bitcast %and3A_64 : vector<8x12800xi32> -> vector<8x12800xf32>
    %get3A_66 = arith.constant 0 : index
    %get3A_67 = arith.constant 2 : index
    %get3A_68 = memref.load %arg3[%get3A_66, %get3A_67] : memref<1x3xf32, #tpu.memory_space<smem>>
    %mul3A_69 = vector.broadcast %get3A_68 : f32 to vector<8x12800xf32>
    %mul3A_70 = arith.mulf %mul3A_69, %mul3A : vector<8x12800xf32>
    %get3A_71 = arith.constant 2 : index
    %get3A_72 = memref.load %arg4[%get3A_71] : memref<3xf32, #tpu.memory_space<smem>>
    %add3A_73 = vector.broadcast %get3A_72 : f32 to vector<8x12800xf32>
    %add3A_74 = arith.addf %mul3A_70, %add3A_73 : vector<8x12800xf32>
    %max3A_75 = arith.constant 0.000000e+00 : f32
    %max3A_76 = vector.broadcast %max3A_75 : f32 to vector<8x12800xf32>
    %max3A_77 = arith.maximumf %add3A_74, %max3A_76 : vector<8x12800xf32>
    %bitcast_convert_type3A_78 = tpu.bitcast %max3A_77 : vector<8x12800xf32> -> vector<8x12800xi32>
    %add3A_79 = arith.constant 32767 : i32
    %add3A_80 = vector.broadcast %add3A_79 : i32 to vector<8x12800xi32>
    %add3A_81 = arith.addi %bitcast_convert_type3A_78, %add3A_80 : vector<8x12800xi32>
    %shift_right_arithmetic3A_82 = arith.constant 16 : i32
    %shift_right_arithmetic3A_83 = vector.broadcast %shift_right_arithmetic3A_82 : i32 to vector<8x12800xi32>
    %shift_right_arithmetic3A_84 = arith.shrsi %bitcast_convert_type3A_78, %shift_right_arithmetic3A_83 : vector<8x12800xi32>
    %and3A_85 = arith.constant 1 : i32
    %and3A_86 = vector.broadcast %and3A_85 : i32 to vector<8x12800xi32>
    %and3A_87 = arith.andi %shift_right_arithmetic3A_84, %and3A_86 : vector<8x12800xi32>
    %add3A_88 = arith.addi %add3A_81, %and3A_87 : vector<8x12800xi32>
    %and3A_89 = arith.constant -65536 : i32
    %and3A_90 = vector.broadcast %and3A_89 : i32 to vector<8x12800xi32>
    %and3A_91 = arith.andi %add3A_88, %and3A_90 : vector<8x12800xi32>
    %bitcast_convert_type3A_92 = tpu.bitcast %and3A_91 : vector<8x12800xi32> -> vector<8x12800xf32>
    %get3A_93 = arith.constant 0 : index
    %get3A_94 = arith.constant 0 : index
    %get3A_95 = memref.load %arg5[%get3A_93, %get3A_94] : memref<3x3xf32, #tpu.memory_space<smem>>
    %mul3A_96 = vector.broadcast %get3A_95 : f32 to vector<8x12800xf32>
    %mul3A_97 = arith.mulf %bitcast_convert_type3A_38, %mul3A_96 : vector<8x12800xf32>
    %get3A_98 = arith.constant 1 : index
    %get3A_99 = arith.constant 0 : index
    %get3A_100 = memref.load %arg5[%get3A_98, %get3A_99] : memref<3x3xf32, #tpu.memory_space<smem>>
    %mul3A_101 = vector.broadcast %get3A_100 : f32 to vector<8x12800xf32>
    %mul3A_102 = arith.mulf %bitcast_convert_type3A_65, %mul3A_101 : vector<8x12800xf32>
    %add3A_103 = arith.addf %mul3A_97, %mul3A_102 : vector<8x12800xf32>
    %get3A_104 = arith.constant 2 : index
    %get3A_105 = arith.constant 0 : index
    %get3A_106 = memref.load %arg5[%get3A_104, %get3A_105] : memref<3x3xf32, #tpu.memory_space<smem>>
    %mul3A_107 = vector.broadcast %get3A_106 : f32 to vector<8x12800xf32>
    %mul3A_108 = arith.mulf %bitcast_convert_type3A_92, %mul3A_107 : vector<8x12800xf32>
    %add3A_109 = arith.addf %add3A_103, %mul3A_108 : vector<8x12800xf32>
    %mul3A_110 = arith.mulf %add3A_109, %get3A_1 : vector<8x12800xf32>
    %swap3A = arith.constant 0 : index
    %swap3A_111 = arith.constant 0 : index
    %swap3A_112 = arith.constant 0 : index
    %swap3A_113 = vector.load %arg6[%swap3A, %swap3A_111, %swap3A_112] : memref<3x8x12800xf32, #tpu.memory_space<vmem>>, vector<1x8x12800xf32>
    %swap3A_114 = vector.shape_cast %swap3A_113 : vector<1x8x12800xf32> to vector<8x12800xf32>
    %swap3A_115 = vector.shape_cast %mul3A_110 : vector<8x12800xf32> to vector<1x8x12800xf32>
    tpu.vector_store %arg6[%swap3A, %swap3A_111, %swap3A_112], %swap3A_115 {strides = array<i32>} : memref<3x8x12800xf32, #tpu.memory_space<vmem>>, vector<1x8x12800xf32>,
    %get3A_116 = arith.constant 0 : index
    %get3A_117 = arith.constant 1 : index
    %get3A_118 = memref.load %arg5[%get3A_116, %get3A_117] : memref<3x3xf32, #tpu.memory_space<smem>>
    %mul3A_119 = vector.broadcast %get3A_118 : f32 to vector<8x12800xf32>
    %mul3A_120 = arith.mulf %bitcast_convert_type3A_38, %mul3A_119 : vector<8x12800xf32>
    %get3A_121 = arith.constant 1 : index
    %get3A_122 = arith.constant 1 : index
    %get3A_123 = memref.load %arg5[%get3A_121, %get3A_122] : memref<3x3xf32, #tpu.memory_space<smem>>
    %mul3A_124 = vector.broadcast %get3A_123 : f32 to vector<8x12800xf32>
    %mul3A_125 = arith.mulf %bitcast_convert_type3A_65, %mul3A_124 : vector<8x12800xf32>
    %add3A_126 = arith.addf %mul3A_120, %mul3A_125 : vector<8x12800xf32>
    %get3A_127 = arith.constant 2 : index
    %get3A_128 = arith.constant 1 : index
    %get3A_129 = memref.load %arg5[%get3A_127, %get3A_128] : memref<3x3xf32, #tpu.memory_space<smem>>
    %mul3A_130 = vector.broadcast %get3A_129 : f32 to vector<8x12800xf32>
    %mul3A_131 = arith.mulf %bitcast_convert_type3A_92, %mul3A_130 : vector<8x12800xf32>
    %add3A_132 = arith.addf %add3A_126, %mul3A_131 : vector<8x12800xf32>
    %mul3A_133 = arith.mulf %add3A_132, %get3A_1 : vector<8x12800xf32>
    %swap3A_134 = arith.constant 1 : index
    %swap3A_135 = arith.constant 0 : index
    %swap3A_136 = arith.constant 0 : index
    %swap3A_137 = vector.load %arg6[%swap3A_134, %swap3A_135, %swap3A_136] : memref<3x8x12800xf32, #tpu.memory_space<vmem>>, vector<1x8x12800xf32>
    %swap3A_138 = vector.shape_cast %swap3A_137 : vector<1x8x12800xf32> to vector<8x12800xf32>
    %swap3A_139 = vector.shape_cast %mul3A_133 : vector<8x12800xf32> to vector<1x8x12800xf32>
    tpu.vector_store %arg6[%swap3A_134, %swap3A_135, %swap3A_136], %swap3A_139 {strides = array<i32>} : memref<3x8x12800xf32, #tpu.memory_space<vmem>>, vector<1x8x12800xf32>,
    %get3A_140 = arith.constant 0 : index
    %get3A_141 = arith.constant 2 : index
    %get3A_142 = memref.load %arg5[%get3A_140, %get3A_141] : memref<3x3xf32, #tpu.memory_space<smem>>
    %mul3A_143 = vector.broadcast %get3A_142 : f32 to vector<8x12800xf32>
    %mul3A_144 = arith.mulf %bitcast_convert_type3A_38, %mul3A_143 : vector<8x12800xf32>
    %get3A_145 = arith.constant 1 : index
    %get3A_146 = arith.constant 2 : index
    %get3A_147 = memref.load %arg5[%get3A_145, %get3A_146] : memref<3x3xf32, #tpu.memory_space<smem>>
    %mul3A_148 = vector.broadcast %get3A_147 : f32 to vector<8x12800xf32>
    %mul3A_149 = arith.mulf %bitcast_convert_type3A_65, %mul3A_148 : vector<8x12800xf32>
    %add3A_150 = arith.addf %mul3A_144, %mul3A_149 : vector<8x12800xf32>
    %get3A_151 = arith.constant 2 : index
    %get3A_152 = arith.constant 2 : index
    %get3A_153 = memref.load %arg5[%get3A_151, %get3A_152] : memref<3x3xf32, #tpu.memory_space<smem>>
    %mul3A_154 = vector.broadcast %get3A_153 : f32 to vector<8x12800xf32>
    %mul3A_155 = arith.mulf %bitcast_convert_type3A_92, %mul3A_154 : vector<8x12800xf32>
    %add3A_156 = arith.addf %add3A_150, %mul3A_155 : vector<8x12800xf32>
    %mul3A_157 = arith.mulf %add3A_156, %get3A_1 : vector<8x12800xf32>
    %swap3A_158 = arith.constant 2 : index
    %swap3A_159 = arith.constant 0 : index
    %swap3A_160 = arith.constant 0 : index
    %swap3A_161 = vector.load %arg6[%swap3A_158, %swap3A_159, %swap3A_160] : memref<3x8x12800xf32, #tpu.memory_space<vmem>>, vector<1x8x12800xf32>
    %swap3A_162 = vector.shape_cast %swap3A_161 : vector<1x8x12800xf32> to vector<8x12800xf32>
    %swap3A_163 = vector.shape_cast %mul3A_157 : vector<8x12800xf32> to vector<1x8x12800xf32>
    tpu.vector_store %arg6[%swap3A_158, %swap3A_159, %swap3A_160], %swap3A_163 {strides = array<i32>} : memref<3x8x12800xf32, #tpu.memory_space<vmem>>, vector<1x8x12800xf32>,
    return
  }
}

module attributes {stable_mosaic.version = 14 : i64} {
  func.func @_epi_m3_body(%arg0: memref<2x3x8x12800xf32, #tpu.memory_space<vmem>>, %arg1: memref<3x8x12800xf32, #tpu.memory_space<vmem>>, %arg2: memref<8x12800xf32, #tpu.memory_space<vmem>>, %arg3: memref<3xf32, #tpu.memory_space<smem>>, %arg4: memref<3x3xf32, #tpu.memory_space<smem>>, %arg5: memref<3x8x12800xf32, #tpu.memory_space<vmem>>) attributes {dimension_semantics = [], scalar_prefetch = 0 : i64, scratch_operands = 0 : i64, tpu.core_type = #tpu.core_type<tc>} {
    %get3A = arith.constant 0 : index
    %get3A_0 = arith.constant 0 : index
    %get3A_1 = vector.load %arg2[%get3A, %get3A_0] : memref<8x12800xf32, #tpu.memory_space<vmem>>, vector<8x12800xf32>
    %get3A_2 = arith.constant 0 : index
    %get3A_3 = arith.constant 0 : index
    %get3A_4 = arith.constant 0 : index
    %get3A_5 = arith.constant 0 : index
    %get3A_6 = vector.load %arg0[%get3A_2, %get3A_3, %get3A_4, %get3A_5] : memref<2x3x8x12800xf32, #tpu.memory_space<vmem>>, vector<1x1x8x12800xf32>
    %get3A_7 = vector.shape_cast %get3A_6 : vector<1x1x8x12800xf32> to vector<8x12800xf32>
    %get3A_8 = arith.constant 1 : index
    %get3A_9 = arith.constant 0 : index
    %get3A_10 = arith.constant 0 : index
    %get3A_11 = arith.constant 0 : index
    %get3A_12 = vector.load %arg0[%get3A_8, %get3A_9, %get3A_10, %get3A_11] : memref<2x3x8x12800xf32, #tpu.memory_space<vmem>>, vector<1x1x8x12800xf32>
    %get3A_13 = vector.shape_cast %get3A_12 : vector<1x1x8x12800xf32> to vector<8x12800xf32>
    %add3A = arith.addf %get3A_7, %get3A_13 : vector<8x12800xf32>
    %get3A_14 = arith.constant 0 : index
    %get3A_15 = arith.constant 0 : index
    %get3A_16 = arith.constant 0 : index
    %get3A_17 = vector.load %arg1[%get3A_14, %get3A_15, %get3A_16] : memref<3x8x12800xf32, #tpu.memory_space<vmem>>, vector<1x8x12800xf32>
    %get3A_18 = vector.shape_cast %get3A_17 : vector<1x8x12800xf32> to vector<8x12800xf32>
    %add3A_19 = arith.addf %add3A, %get3A_18 : vector<8x12800xf32>
    %mul3A = arith.mulf %add3A_19, %get3A_1 : vector<8x12800xf32>
    %get3A_20 = arith.constant 0 : index
    %get3A_21 = memref.load %arg3[%get3A_20] : memref<3xf32, #tpu.memory_space<smem>>
    %add3A_22 = vector.broadcast %get3A_21 : f32 to vector<8x12800xf32>
    %add3A_23 = arith.addf %mul3A, %add3A_22 : vector<8x12800xf32>
    %max3A = arith.constant 0.000000e+00 : f32
    %max3A_24 = vector.broadcast %max3A : f32 to vector<8x12800xf32>
    %max3A_25 = arith.maximumf %add3A_23, %max3A_24 : vector<8x12800xf32>
    %bitcast_convert_type3A = tpu.bitcast %max3A_25 : vector<8x12800xf32> -> vector<8x12800xi32>
    %add3A_26 = arith.constant 32767 : i32
    %add3A_27 = vector.broadcast %add3A_26 : i32 to vector<8x12800xi32>
    %add3A_28 = arith.addi %bitcast_convert_type3A, %add3A_27 : vector<8x12800xi32>
    %shift_right_arithmetic3A = arith.constant 16 : i32
    %shift_right_arithmetic3A_29 = vector.broadcast %shift_right_arithmetic3A : i32 to vector<8x12800xi32>
    %shift_right_arithmetic3A_30 = arith.shrsi %bitcast_convert_type3A, %shift_right_arithmetic3A_29 : vector<8x12800xi32>
    %and3A = arith.constant 1 : i32
    %and3A_31 = vector.broadcast %and3A : i32 to vector<8x12800xi32>
    %and3A_32 = arith.andi %shift_right_arithmetic3A_30, %and3A_31 : vector<8x12800xi32>
    %add3A_33 = arith.addi %add3A_28, %and3A_32 : vector<8x12800xi32>
    %and3A_34 = arith.constant -65536 : i32
    %and3A_35 = vector.broadcast %and3A_34 : i32 to vector<8x12800xi32>
    %and3A_36 = arith.andi %add3A_33, %and3A_35 : vector<8x12800xi32>
    %bitcast_convert_type3A_37 = tpu.bitcast %and3A_36 : vector<8x12800xi32> -> vector<8x12800xf32>
    %get3A_38 = arith.constant 0 : index
    %get3A_39 = arith.constant 1 : index
    %get3A_40 = arith.constant 0 : index
    %get3A_41 = arith.constant 0 : index
    %get3A_42 = vector.load %arg0[%get3A_38, %get3A_39, %get3A_40, %get3A_41] : memref<2x3x8x12800xf32, #tpu.memory_space<vmem>>, vector<1x1x8x12800xf32>
    %get3A_43 = vector.shape_cast %get3A_42 : vector<1x1x8x12800xf32> to vector<8x12800xf32>
    %get3A_44 = arith.constant 1 : index
    %get3A_45 = arith.constant 1 : index
    %get3A_46 = arith.constant 0 : index
    %get3A_47 = arith.constant 0 : index
    %get3A_48 = vector.load %arg0[%get3A_44, %get3A_45, %get3A_46, %get3A_47] : memref<2x3x8x12800xf32, #tpu.memory_space<vmem>>, vector<1x1x8x12800xf32>
    %get3A_49 = vector.shape_cast %get3A_48 : vector<1x1x8x12800xf32> to vector<8x12800xf32>
    %add3A_50 = arith.addf %get3A_43, %get3A_49 : vector<8x12800xf32>
    %get3A_51 = arith.constant 1 : index
    %get3A_52 = arith.constant 0 : index
    %get3A_53 = arith.constant 0 : index
    %get3A_54 = vector.load %arg1[%get3A_51, %get3A_52, %get3A_53] : memref<3x8x12800xf32, #tpu.memory_space<vmem>>, vector<1x8x12800xf32>
    %get3A_55 = vector.shape_cast %get3A_54 : vector<1x8x12800xf32> to vector<8x12800xf32>
    %add3A_56 = arith.addf %add3A_50, %get3A_55 : vector<8x12800xf32>
    %mul3A_57 = arith.mulf %add3A_56, %get3A_1 : vector<8x12800xf32>
    %get3A_58 = arith.constant 1 : index
    %get3A_59 = memref.load %arg3[%get3A_58] : memref<3xf32, #tpu.memory_space<smem>>
    %add3A_60 = vector.broadcast %get3A_59 : f32 to vector<8x12800xf32>
    %add3A_61 = arith.addf %mul3A_57, %add3A_60 : vector<8x12800xf32>
    %max3A_62 = arith.constant 0.000000e+00 : f32
    %max3A_63 = vector.broadcast %max3A_62 : f32 to vector<8x12800xf32>
    %max3A_64 = arith.maximumf %add3A_61, %max3A_63 : vector<8x12800xf32>
    %bitcast_convert_type3A_65 = tpu.bitcast %max3A_64 : vector<8x12800xf32> -> vector<8x12800xi32>
    %add3A_66 = arith.constant 32767 : i32
    %add3A_67 = vector.broadcast %add3A_66 : i32 to vector<8x12800xi32>
    %add3A_68 = arith.addi %bitcast_convert_type3A_65, %add3A_67 : vector<8x12800xi32>
    %shift_right_arithmetic3A_69 = arith.constant 16 : i32
    %shift_right_arithmetic3A_70 = vector.broadcast %shift_right_arithmetic3A_69 : i32 to vector<8x12800xi32>
    %shift_right_arithmetic3A_71 = arith.shrsi %bitcast_convert_type3A_65, %shift_right_arithmetic3A_70 : vector<8x12800xi32>
    %and3A_72 = arith.constant 1 : i32
    %and3A_73 = vector.broadcast %and3A_72 : i32 to vector<8x12800xi32>
    %and3A_74 = arith.andi %shift_right_arithmetic3A_71, %and3A_73 : vector<8x12800xi32>
    %add3A_75 = arith.addi %add3A_68, %and3A_74 : vector<8x12800xi32>
    %and3A_76 = arith.constant -65536 : i32
    %and3A_77 = vector.broadcast %and3A_76 : i32 to vector<8x12800xi32>
    %and3A_78 = arith.andi %add3A_75, %and3A_77 : vector<8x12800xi32>
    %bitcast_convert_type3A_79 = tpu.bitcast %and3A_78 : vector<8x12800xi32> -> vector<8x12800xf32>
    %get3A_80 = arith.constant 0 : index
    %get3A_81 = arith.constant 2 : index
    %get3A_82 = arith.constant 0 : index
    %get3A_83 = arith.constant 0 : index
    %get3A_84 = vector.load %arg0[%get3A_80, %get3A_81, %get3A_82, %get3A_83] : memref<2x3x8x12800xf32, #tpu.memory_space<vmem>>, vector<1x1x8x12800xf32>
    %get3A_85 = vector.shape_cast %get3A_84 : vector<1x1x8x12800xf32> to vector<8x12800xf32>
    %get3A_86 = arith.constant 1 : index
    %get3A_87 = arith.constant 2 : index
    %get3A_88 = arith.constant 0 : index
    %get3A_89 = arith.constant 0 : index
    %get3A_90 = vector.load %arg0[%get3A_86, %get3A_87, %get3A_88, %get3A_89] : memref<2x3x8x12800xf32, #tpu.memory_space<vmem>>, vector<1x1x8x12800xf32>
    %get3A_91 = vector.shape_cast %get3A_90 : vector<1x1x8x12800xf32> to vector<8x12800xf32>
    %add3A_92 = arith.addf %get3A_85, %get3A_91 : vector<8x12800xf32>
    %get3A_93 = arith.constant 2 : index
    %get3A_94 = arith.constant 0 : index
    %get3A_95 = arith.constant 0 : index
    %get3A_96 = vector.load %arg1[%get3A_93, %get3A_94, %get3A_95] : memref<3x8x12800xf32, #tpu.memory_space<vmem>>, vector<1x8x12800xf32>
    %get3A_97 = vector.shape_cast %get3A_96 : vector<1x8x12800xf32> to vector<8x12800xf32>
    %add3A_98 = arith.addf %add3A_92, %get3A_97 : vector<8x12800xf32>
    %mul3A_99 = arith.mulf %add3A_98, %get3A_1 : vector<8x12800xf32>
    %get3A_100 = arith.constant 2 : index
    %get3A_101 = memref.load %arg3[%get3A_100] : memref<3xf32, #tpu.memory_space<smem>>
    %add3A_102 = vector.broadcast %get3A_101 : f32 to vector<8x12800xf32>
    %add3A_103 = arith.addf %mul3A_99, %add3A_102 : vector<8x12800xf32>
    %max3A_104 = arith.constant 0.000000e+00 : f32
    %max3A_105 = vector.broadcast %max3A_104 : f32 to vector<8x12800xf32>
    %max3A_106 = arith.maximumf %add3A_103, %max3A_105 : vector<8x12800xf32>
    %bitcast_convert_type3A_107 = tpu.bitcast %max3A_106 : vector<8x12800xf32> -> vector<8x12800xi32>
    %add3A_108 = arith.constant 32767 : i32
    %add3A_109 = vector.broadcast %add3A_108 : i32 to vector<8x12800xi32>
    %add3A_110 = arith.addi %bitcast_convert_type3A_107, %add3A_109 : vector<8x12800xi32>
    %shift_right_arithmetic3A_111 = arith.constant 16 : i32
    %shift_right_arithmetic3A_112 = vector.broadcast %shift_right_arithmetic3A_111 : i32 to vector<8x12800xi32>
    %shift_right_arithmetic3A_113 = arith.shrsi %bitcast_convert_type3A_107, %shift_right_arithmetic3A_112 : vector<8x12800xi32>
    %and3A_114 = arith.constant 1 : i32
    %and3A_115 = vector.broadcast %and3A_114 : i32 to vector<8x12800xi32>
    %and3A_116 = arith.andi %shift_right_arithmetic3A_113, %and3A_115 : vector<8x12800xi32>
    %add3A_117 = arith.addi %add3A_110, %and3A_116 : vector<8x12800xi32>
    %and3A_118 = arith.constant -65536 : i32
    %and3A_119 = vector.broadcast %and3A_118 : i32 to vector<8x12800xi32>
    %and3A_120 = arith.andi %add3A_117, %and3A_119 : vector<8x12800xi32>
    %bitcast_convert_type3A_121 = tpu.bitcast %and3A_120 : vector<8x12800xi32> -> vector<8x12800xf32>
    %get3A_122 = arith.constant 0 : index
    %get3A_123 = arith.constant 0 : index
    %get3A_124 = memref.load %arg4[%get3A_122, %get3A_123] : memref<3x3xf32, #tpu.memory_space<smem>>
    %mul3A_125 = vector.broadcast %get3A_124 : f32 to vector<8x12800xf32>
    %mul3A_126 = arith.mulf %bitcast_convert_type3A_37, %mul3A_125 : vector<8x12800xf32>
    %get3A_127 = arith.constant 1 : index
    %get3A_128 = arith.constant 0 : index
    %get3A_129 = memref.load %arg4[%get3A_127, %get3A_128] : memref<3x3xf32, #tpu.memory_space<smem>>
    %mul3A_130 = vector.broadcast %get3A_129 : f32 to vector<8x12800xf32>
    %mul3A_131 = arith.mulf %bitcast_convert_type3A_79, %mul3A_130 : vector<8x12800xf32>
    %add3A_132 = arith.addf %mul3A_126, %mul3A_131 : vector<8x12800xf32>
    %get3A_133 = arith.constant 2 : index
    %get3A_134 = arith.constant 0 : index
    %get3A_135 = memref.load %arg4[%get3A_133, %get3A_134] : memref<3x3xf32, #tpu.memory_space<smem>>
    %mul3A_136 = vector.broadcast %get3A_135 : f32 to vector<8x12800xf32>
    %mul3A_137 = arith.mulf %bitcast_convert_type3A_121, %mul3A_136 : vector<8x12800xf32>
    %add3A_138 = arith.addf %add3A_132, %mul3A_137 : vector<8x12800xf32>
    %mul3A_139 = arith.mulf %add3A_138, %get3A_1 : vector<8x12800xf32>
    %swap3A = arith.constant 0 : index
    %swap3A_140 = arith.constant 0 : index
    %swap3A_141 = arith.constant 0 : index
    %swap3A_142 = vector.load %arg5[%swap3A, %swap3A_140, %swap3A_141] : memref<3x8x12800xf32, #tpu.memory_space<vmem>>, vector<1x8x12800xf32>
    %swap3A_143 = vector.shape_cast %swap3A_142 : vector<1x8x12800xf32> to vector<8x12800xf32>
    %swap3A_144 = vector.shape_cast %mul3A_139 : vector<8x12800xf32> to vector<1x8x12800xf32>
    tpu.vector_store %arg5[%swap3A, %swap3A_140, %swap3A_141], %swap3A_144 {strides = array<i32>} : memref<3x8x12800xf32, #tpu.memory_space<vmem>>, vector<1x8x12800xf32>,
    %get3A_145 = arith.constant 0 : index
    %get3A_146 = arith.constant 1 : index
    %get3A_147 = memref.load %arg4[%get3A_145, %get3A_146] : memref<3x3xf32, #tpu.memory_space<smem>>
    %mul3A_148 = vector.broadcast %get3A_147 : f32 to vector<8x12800xf32>
    %mul3A_149 = arith.mulf %bitcast_convert_type3A_37, %mul3A_148 : vector<8x12800xf32>
    %get3A_150 = arith.constant 1 : index
    %get3A_151 = arith.constant 1 : index
    %get3A_152 = memref.load %arg4[%get3A_150, %get3A_151] : memref<3x3xf32, #tpu.memory_space<smem>>
    %mul3A_153 = vector.broadcast %get3A_152 : f32 to vector<8x12800xf32>
    %mul3A_154 = arith.mulf %bitcast_convert_type3A_79, %mul3A_153 : vector<8x12800xf32>
    %add3A_155 = arith.addf %mul3A_149, %mul3A_154 : vector<8x12800xf32>
    %get3A_156 = arith.constant 2 : index
    %get3A_157 = arith.constant 1 : index
    %get3A_158 = memref.load %arg4[%get3A_156, %get3A_157] : memref<3x3xf32, #tpu.memory_space<smem>>
    %mul3A_159 = vector.broadcast %get3A_158 : f32 to vector<8x12800xf32>
    %mul3A_160 = arith.mulf %bitcast_convert_type3A_121, %mul3A_159 : vector<8x12800xf32>
    %add3A_161 = arith.addf %add3A_155, %mul3A_160 : vector<8x12800xf32>
    %mul3A_162 = arith.mulf %add3A_161, %get3A_1 : vector<8x12800xf32>
    %swap3A_163 = arith.constant 1 : index
    %swap3A_164 = arith.constant 0 : index
    %swap3A_165 = arith.constant 0 : index
    %swap3A_166 = vector.load %arg5[%swap3A_163, %swap3A_164, %swap3A_165] : memref<3x8x12800xf32, #tpu.memory_space<vmem>>, vector<1x8x12800xf32>
    %swap3A_167 = vector.shape_cast %swap3A_166 : vector<1x8x12800xf32> to vector<8x12800xf32>
    %swap3A_168 = vector.shape_cast %mul3A_162 : vector<8x12800xf32> to vector<1x8x12800xf32>
    tpu.vector_store %arg5[%swap3A_163, %swap3A_164, %swap3A_165], %swap3A_168 {strides = array<i32>} : memref<3x8x12800xf32, #tpu.memory_space<vmem>>, vector<1x8x12800xf32>,
    %get3A_169 = arith.constant 0 : index
    %get3A_170 = arith.constant 2 : index
    %get3A_171 = memref.load %arg4[%get3A_169, %get3A_170] : memref<3x3xf32, #tpu.memory_space<smem>>
    %mul3A_172 = vector.broadcast %get3A_171 : f32 to vector<8x12800xf32>
    %mul3A_173 = arith.mulf %bitcast_convert_type3A_37, %mul3A_172 : vector<8x12800xf32>
    %get3A_174 = arith.constant 1 : index
    %get3A_175 = arith.constant 2 : index
    %get3A_176 = memref.load %arg4[%get3A_174, %get3A_175] : memref<3x3xf32, #tpu.memory_space<smem>>
    %mul3A_177 = vector.broadcast %get3A_176 : f32 to vector<8x12800xf32>
    %mul3A_178 = arith.mulf %bitcast_convert_type3A_79, %mul3A_177 : vector<8x12800xf32>
    %add3A_179 = arith.addf %mul3A_173, %mul3A_178 : vector<8x12800xf32>
    %get3A_180 = arith.constant 2 : index
    %get3A_181 = arith.constant 2 : index
    %get3A_182 = memref.load %arg4[%get3A_180, %get3A_181] : memref<3x3xf32, #tpu.memory_space<smem>>
    %mul3A_183 = vector.broadcast %get3A_182 : f32 to vector<8x12800xf32>
    %mul3A_184 = arith.mulf %bitcast_convert_type3A_121, %mul3A_183 : vector<8x12800xf32>
    %add3A_185 = arith.addf %add3A_179, %mul3A_184 : vector<8x12800xf32>
    %mul3A_186 = arith.mulf %add3A_185, %get3A_1 : vector<8x12800xf32>
    %swap3A_187 = arith.constant 2 : index
    %swap3A_188 = arith.constant 0 : index
    %swap3A_189 = arith.constant 0 : index
    %swap3A_190 = vector.load %arg5[%swap3A_187, %swap3A_188, %swap3A_189] : memref<3x8x12800xf32, #tpu.memory_space<vmem>>, vector<1x8x12800xf32>
    %swap3A_191 = vector.shape_cast %swap3A_190 : vector<1x8x12800xf32> to vector<8x12800xf32>
    %swap3A_192 = vector.shape_cast %mul3A_186 : vector<8x12800xf32> to vector<1x8x12800xf32>
    tpu.vector_store %arg5[%swap3A_187, %swap3A_188, %swap3A_189], %swap3A_192 {strides = array<i32>} : memref<3x8x12800xf32, #tpu.memory_space<vmem>>, vector<1x8x12800xf32>,
    return
  }
}

module attributes {stable_mosaic.version = 14 : i64} {
  func.func @_epi_out_body(%arg0: memref<2x3x8x12800xf32, #tpu.memory_space<vmem>>, %arg1: memref<3x8x12800xf32, #tpu.memory_space<vmem>>, %arg2: memref<8x12800xf32, #tpu.memory_space<vmem>>, %arg3: memref<3xf32, #tpu.memory_space<smem>>, %arg4: memref<3x8x12800xf32, #tpu.memory_space<vmem>>) attributes {dimension_semantics = [], scalar_prefetch = 0 : i64, scratch_operands = 0 : i64, tpu.core_type = #tpu.core_type<tc>} {
    %get3A = arith.constant 0 : index
    %get3A_0 = arith.constant 0 : index
    %get3A_1 = vector.load %arg2[%get3A, %get3A_0] : memref<8x12800xf32, #tpu.memory_space<vmem>>, vector<8x12800xf32>
    %get3A_2 = arith.constant 0 : index
    %get3A_3 = arith.constant 0 : index
    %get3A_4 = arith.constant 0 : index
    %get3A_5 = arith.constant 0 : index
    %get3A_6 = vector.load %arg0[%get3A_2, %get3A_3, %get3A_4, %get3A_5] : memref<2x3x8x12800xf32, #tpu.memory_space<vmem>>, vector<1x1x8x12800xf32>
    %get3A_7 = vector.shape_cast %get3A_6 : vector<1x1x8x12800xf32> to vector<8x12800xf32>
    %get3A_8 = arith.constant 1 : index
    %get3A_9 = arith.constant 0 : index
    %get3A_10 = arith.constant 0 : index
    %get3A_11 = arith.constant 0 : index
    %get3A_12 = vector.load %arg0[%get3A_8, %get3A_9, %get3A_10, %get3A_11] : memref<2x3x8x12800xf32, #tpu.memory_space<vmem>>, vector<1x1x8x12800xf32>
    %get3A_13 = vector.shape_cast %get3A_12 : vector<1x1x8x12800xf32> to vector<8x12800xf32>
    %add3A = arith.addf %get3A_7, %get3A_13 : vector<8x12800xf32>
    %get3A_14 = arith.constant 0 : index
    %get3A_15 = arith.constant 0 : index
    %get3A_16 = arith.constant 0 : index
    %get3A_17 = vector.load %arg1[%get3A_14, %get3A_15, %get3A_16] : memref<3x8x12800xf32, #tpu.memory_space<vmem>>, vector<1x8x12800xf32>
    %get3A_18 = vector.shape_cast %get3A_17 : vector<1x8x12800xf32> to vector<8x12800xf32>
    %add3A_19 = arith.addf %add3A, %get3A_18 : vector<8x12800xf32>
    %mul3A = arith.mulf %add3A_19, %get3A_1 : vector<8x12800xf32>
    %get3A_20 = arith.constant 0 : index
    %get3A_21 = memref.load %arg3[%get3A_20] : memref<3xf32, #tpu.memory_space<smem>>
    %add3A_22 = vector.broadcast %get3A_21 : f32 to vector<8x12800xf32>
    %add3A_23 = arith.addf %mul3A, %add3A_22 : vector<8x12800xf32>
    %max3A = arith.constant 0.000000e+00 : f32
    %max3A_24 = vector.broadcast %max3A : f32 to vector<8x12800xf32>
    %max3A_25 = arith.maximumf %add3A_23, %max3A_24 : vector<8x12800xf32>
    %swap3A = arith.constant 0 : index
    %swap3A_26 = arith.constant 0 : index
    %swap3A_27 = arith.constant 0 : index
    %swap3A_28 = vector.load %arg4[%swap3A, %swap3A_26, %swap3A_27] : memref<3x8x12800xf32, #tpu.memory_space<vmem>>, vector<1x8x12800xf32>
    %swap3A_29 = vector.shape_cast %swap3A_28 : vector<1x8x12800xf32> to vector<8x12800xf32>
    %swap3A_30 = vector.shape_cast %max3A_25 : vector<8x12800xf32> to vector<1x8x12800xf32>
    tpu.vector_store %arg4[%swap3A, %swap3A_26, %swap3A_27], %swap3A_30 {strides = array<i32>} : memref<3x8x12800xf32, #tpu.memory_space<vmem>>, vector<1x8x12800xf32>,
    %get3A_31 = arith.constant 0 : index
    %get3A_32 = arith.constant 1 : index
    %get3A_33 = arith.constant 0 : index
    %get3A_34 = arith.constant 0 : index
    %get3A_35 = vector.load %arg0[%get3A_31, %get3A_32, %get3A_33, %get3A_34] : memref<2x3x8x12800xf32, #tpu.memory_space<vmem>>, vector<1x1x8x12800xf32>
    %get3A_36 = vector.shape_cast %get3A_35 : vector<1x1x8x12800xf32> to vector<8x12800xf32>
    %get3A_37 = arith.constant 1 : index
    %get3A_38 = arith.constant 1 : index
    %get3A_39 = arith.constant 0 : index
    %get3A_40 = arith.constant 0 : index
    %get3A_41 = vector.load %arg0[%get3A_37, %get3A_38, %get3A_39, %get3A_40] : memref<2x3x8x12800xf32, #tpu.memory_space<vmem>>, vector<1x1x8x12800xf32>
    %get3A_42 = vector.shape_cast %get3A_41 : vector<1x1x8x12800xf32> to vector<8x12800xf32>
    %add3A_43 = arith.addf %get3A_36, %get3A_42 : vector<8x12800xf32>
    %get3A_44 = arith.constant 1 : index
    %get3A_45 = arith.constant 0 : index
    %get3A_46 = arith.constant 0 : index
    %get3A_47 = vector.load %arg1[%get3A_44, %get3A_45, %get3A_46] : memref<3x8x12800xf32, #tpu.memory_space<vmem>>, vector<1x8x12800xf32>
    %get3A_48 = vector.shape_cast %get3A_47 : vector<1x8x12800xf32> to vector<8x12800xf32>
    %add3A_49 = arith.addf %add3A_43, %get3A_48 : vector<8x12800xf32>
    %mul3A_50 = arith.mulf %add3A_49, %get3A_1 : vector<8x12800xf32>
    %get3A_51 = arith.constant 1 : index
    %get3A_52 = memref.load %arg3[%get3A_51] : memref<3xf32, #tpu.memory_space<smem>>
    %add3A_53 = vector.broadcast %get3A_52 : f32 to vector<8x12800xf32>
    %add3A_54 = arith.addf %mul3A_50, %add3A_53 : vector<8x12800xf32>
    %max3A_55 = arith.constant 0.000000e+00 : f32
    %max3A_56 = vector.broadcast %max3A_55 : f32 to vector<8x12800xf32>
    %max3A_57 = arith.maximumf %add3A_54, %max3A_56 : vector<8x12800xf32>
    %swap3A_58 = arith.constant 1 : index
    %swap3A_59 = arith.constant 0 : index
    %swap3A_60 = arith.constant 0 : index
    %swap3A_61 = vector.load %arg4[%swap3A_58, %swap3A_59, %swap3A_60] : memref<3x8x12800xf32, #tpu.memory_space<vmem>>, vector<1x8x12800xf32>
    %swap3A_62 = vector.shape_cast %swap3A_61 : vector<1x8x12800xf32> to vector<8x12800xf32>
    %swap3A_63 = vector.shape_cast %max3A_57 : vector<8x12800xf32> to vector<1x8x12800xf32>
    tpu.vector_store %arg4[%swap3A_58, %swap3A_59, %swap3A_60], %swap3A_63 {strides = array<i32>} : memref<3x8x12800xf32, #tpu.memory_space<vmem>>, vector<1x8x12800xf32>,
    %get3A_64 = arith.constant 0 : index
    %get3A_65 = arith.constant 2 : index
    %get3A_66 = arith.constant 0 : index
    %get3A_67 = arith.constant 0 : index
    %get3A_68 = vector.load %arg0[%get3A_64, %get3A_65, %get3A_66, %get3A_67] : memref<2x3x8x12800xf32, #tpu.memory_space<vmem>>, vector<1x1x8x12800xf32>
    %get3A_69 = vector.shape_cast %get3A_68 : vector<1x1x8x12800xf32> to vector<8x12800xf32>
    %get3A_70 = arith.constant 1 : index
    %get3A_71 = arith.constant 2 : index
    %get3A_72 = arith.constant 0 : index
    %get3A_73 = arith.constant 0 : index
    %get3A_74 = vector.load %arg0[%get3A_70, %get3A_71, %get3A_72, %get3A_73] : memref<2x3x8x12800xf32, #tpu.memory_space<vmem>>, vector<1x1x8x12800xf32>
    %get3A_75 = vector.shape_cast %get3A_74 : vector<1x1x8x12800xf32> to vector<8x12800xf32>
    %add3A_76 = arith.addf %get3A_69, %get3A_75 : vector<8x12800xf32>
    %get3A_77 = arith.constant 2 : index
    %get3A_78 = arith.constant 0 : index
    %get3A_79 = arith.constant 0 : index
    %get3A_80 = vector.load %arg1[%get3A_77, %get3A_78, %get3A_79] : memref<3x8x12800xf32, #tpu.memory_space<vmem>>, vector<1x8x12800xf32>
    %get3A_81 = vector.shape_cast %get3A_80 : vector<1x8x12800xf32> to vector<8x12800xf32>
    %add3A_82 = arith.addf %add3A_76, %get3A_81 : vector<8x12800xf32>
    %mul3A_83 = arith.mulf %add3A_82, %get3A_1 : vector<8x12800xf32>
    %get3A_84 = arith.constant 2 : index
    %get3A_85 = memref.load %arg3[%get3A_84] : memref<3xf32, #tpu.memory_space<smem>>
    %add3A_86 = vector.broadcast %get3A_85 : f32 to vector<8x12800xf32>
    %add3A_87 = arith.addf %mul3A_83, %add3A_86 : vector<8x12800xf32>
    %max3A_88 = arith.constant 0.000000e+00 : f32
    %max3A_89 = vector.broadcast %max3A_88 : f32 to vector<8x12800xf32>
    %max3A_90 = arith.maximumf %add3A_87, %max3A_89 : vector<8x12800xf32>
    %swap3A_91 = arith.constant 2 : index
    %swap3A_92 = arith.constant 0 : index
    %swap3A_93 = arith.constant 0 : index
    %swap3A_94 = vector.load %arg4[%swap3A_91, %swap3A_92, %swap3A_93] : memref<3x8x12800xf32, #tpu.memory_space<vmem>>, vector<1x8x12800xf32>
    %swap3A_95 = vector.shape_cast %swap3A_94 : vector<1x8x12800xf32> to vector<8x12800xf32>
    %swap3A_96 = vector.shape_cast %max3A_90 : vector<8x12800xf32> to vector<1x8x12800xf32>
    tpu.vector_store %arg4[%swap3A_91, %swap3A_92, %swap3A_93], %swap3A_96 {strides = array<i32>} : memref<3x8x12800xf32, #tpu.memory_space<vmem>>, vector<1x8x12800xf32>,
    return
  }
}

</mosaic_0001>

<sc_bundles>
// kernel: kernel.10.cloned.1.call-start
scs
__scs_entry_jumppad:
0x0: {  	(pc) =	sbr.rel $0x88, $3  }
0x1: {  	(tag) =	ssettag $0x0;
	lr =	simm.s32 $0x1  }
0x2: {  	[smem:$0x3F99] =	sst lr;
	_ =	strace $0xD0000000  }
0x3: {  	_ = 	snop  }
0x4: {  	_ = 	snop  }
0x5: {  	_ = 	snop  }
0x6: {  	_ = 	snop  }
0x7: {  	_ = 	snop  }
__scs_overlays_trampoline_lowered:
0x8: {  	[smem:$0x3FA8] =	sst s0  }
0x9: {  	[smem:$0x3FA9] =	sst s1  }
0xa: {  	[smem:$0x3FAA] =	sst s2  }
0xb: {  	[smem:$0x3FAB] =	sst s3  }
0xc: {  	[smem:$0x3FAC] =	sst s4  }
0xd: {  	[smem:$0x3FAD] =	sst s5  }
0xe: {  	[smem:$0x3FAE] =	sst s6  }
0xf: {  	[smem:$0x3FAF] =	sst s7  }
0x10: {  	[smem:$0x3FB0] =	sst s8  }
0x11: {  	[smem:$0x3FB1] =	sst s9;
	s0 =	simm.s32 @!p0 $0x0  }
0x12: {  	s1 =	sld [smem:$0x3F97];
	s0 =	simm.s32 @p0 $0x1  }
0x13: {  	[smem:$0x3FB2] =	sst s0;
	s0 =	simm.s32 @!p1 $0x0  }
0x14: {  	s2 =	sld [smem:$0x3F96];
	s0 =	simm.s32 @p1 $0x1  }
0x15: {  	[smem:$0x3FB3] =	sst s0;
	s0 =	simm.s32 @!p2 $0x0  }
0x16: {  	s3 =	sld [smem:$0x3FDB];
	s0 =	simm.s32 @p2 $0x1  }
0x17: {  	s4 =	simm.s32 $0x1BF5;
	[smem:$0x3FB5] =	sst s0  }
0x18: {  	s0 =	sld [smem:$0x3F98];
	_ =	swait.ge [sflag:s4], $0x0  }
0x19: {  	s7 =	sld [smem:$0x3F99]  }
0x1a: {  	s8 =	sadd.s32 $0xFFFFE003, lr  }
0x1b: {  	s9 =	sadd.s32 $0xFFFFFEF7, lr;
	s5 =	simm.s32 $0xFFFFFFFF;
	p2 =	slt.u32 s8, $0xFFFFF086  }
0x1c: {  	p1 =	slt.u32 s9, $0xF7A;
	s5 =	simm.s32 @!p2 $0x0  }
0x1d: {  	s5 =	simm.s32 @p1 $0x1;
	p0 =	seq.s32 s7, s2  }
0x1e: {  	s7 =	smul.u32 @!p0 $0xF7A, s2;
	p2 =	seq.s32 @!p0 s5, $0x0  }
0x1f: {  	s9 =	smul.u32 $0xF7A, s1;
	s8 =	simm.s32 @!p0 $0x1BF5;
	p2 =	por !p2, p0  }
0x20: {  	[sflag:s8] =	ssyncset.s32 @!p0 $0xFFFFF086;
	s6 =	sadd.s32 @!p0 s3, s7;
	s7 =	simm.s32 @!p0 $0x108  }
0x21: {  	s3 =	sadd.s32 s3, s9;
	s6 =	sadd.s32 @!p0 $0x88, s6;
	s7 =	simm.s32 @p2 $0x1082  }
0x22: {  	[simem:s7], [sflag:s8] =	dma.local @!p0 [hbm:s6], $0xF7A  }
0x23: {  	s9 =	sor.u32 $0xD0000000, s2;
	s6 =	simm.s32 $0x108;
	_ =	swait.ge @!p0 [sflag:s8], $0x0  }
0x24: {  	s3 =	sadd.s32 $0x88, s3;
	s6 =	simm.s32 @!p1 $0x1082;
	[sflag:s4] =	ssyncset.s32 $0xFFFFF086  }
0x25: {  	[simem:s6], [sflag:s4] =	dma.local [hbm:s3], $0xF7A  }
0x26: {  	[smem:$0x3F99] =	sst s1;
	(tag) =	ssettag s2;
	_ =	strace s9  }
0x27: {  	s1 =	sld [smem:$0x3FA9]  }
0x28: {  	s2 =	sld [smem:$0x3FAA]  }
0x29: {  	s4 =	sld [smem:$0x3FAC]  }
0x2a: {  	p0 =	seq.s32 s5, $0x0;
	s5 =	sld [smem:$0x3FAD]  }
0x2b: {  	s6 =	sld [smem:$0x3FAE]  }
0x2c: {  	s7 =	sld [smem:$0x3FAF]  }
0x2d: {  	s3 =	simm.s32 $0x108;
	s8 =	sld [smem:$0x3FB0]  }
0x2e: {  	s3 =	simm.s32 @!p0 $0x1082;
	s9 =	sld [smem:$0x3FB1]  }
0x2f: {  	lr =	sadd.s32 s0, s3;
	s0 =	sld [smem:$0x3FA8]  }
0x30: {  	s3 =	sld [smem:$0x3FAB]  }
0x31: {  	[smem:$0x3FB4] =	sst s10  }
0x32: {  	s10 =	sld [smem:$0x3FB2];
	_ =	sdelay $0x3  }
0x33: {  	p0 =	seq.s32 s10, $0x1;
	s10 =	sld [smem:$0x3FB4];
	_ =	sdelay $0x3  }
0x34: {  	[smem:$0x3FB4] =	sst s10  }
0x35: {  	s10 =	sld [smem:$0x3FB3];
	_ =	sdelay $0x3  }
0x36: {  	p1 =	seq.s32 s10, $0x1;
	s10 =	sld [smem:$0x3FB4];
	_ =	sdelay $0x3  }
0x37: {  	[smem:$0x3FB4] =	sst s10  }
0x38: {  	s10 =	sld [smem:$0x3FB5]  }
0x39: {  	_ = 	snop;
	(pc) =	sbr.ind lr, $3  }
0x3a: {  	_ = 	snop  }
0x3b: {  	_ = 	snop  }
0x3c: {  	p2 =	seq.s32 s10, $0x1;
	s10 =	sld [smem:$0x3FB4]  }
0x3d: {  	_ =	shalt  }
0x3e: {  	_ =	shalt  }
0x3f: {  	_ =	shalt  }
0x40: {  	_ =	shalt  }
0x41: {  	_ =	shalt  }
0x42: {  	_ =	shalt  }
0x43: {  	_ =	shalt  }
0x44: {  	_ =	shalt  }
0x45: {  	_ =	shalt  }
0x46: {  	_ =	shalt  }
0x47: {  	_ =	shalt  }
0x48: {  	_ =	shalt  }
0x49: {  	_ =	shalt  }
0x4a: {  	_ =	shalt  }
0x4b: {  	_ =	shalt  }
0x4c: {  	_ =	shalt  }
0x4d: {  	_ =	shalt  }
0x4e: {  	_ =	shalt  }
0x4f: {  	_ =	shalt  }
0x50: {  	_ =	shalt  }
0x51: {  	_ =	shalt  }
0x52: {  	_ =	shalt  }
0x53: {  	_ =	shalt  }
0x54: {  	_ =	shalt  }
0x55: {  	_ =	shalt  }
0x56: {  	_ =	shalt  }
0x57: {  	_ =	shalt  }
0x58: {  	_ =	shalt  }
0x59: {  	_ =	shalt  }
0x5a: {  	_ =	shalt  }
0x5b: {  	_ =	shalt  }
0x5c: {  	_ =	shalt  }
0x5d: {  	_ =	shalt  }
0x5e: {  	_ =	shalt  }
0x5f: {  	_ =	shalt  }
0x60: {  	_ =	shalt  }
0x61: {  	_ =	shalt  }
0x62: {  	_ =	shalt  }
0x63: {  	_ =	shalt  }
0x64: {  	_ =	shalt  }
0x65: {  	_ =	shalt  }
0x66: {  	_ =	shalt  }
0x67: {  	_ =	shalt  }
0x68: {  	_ =	shalt  }
0x69: {  	_ =	shalt  }
0x6a: {  	_ =	shalt  }
0x6b: {  	_ =	shalt  }
0x6c: {  	_ =	shalt  }
0x6d: {  	_ =	shalt  }
0x6e: {  	_ =	shalt  }
0x6f: {  	_ =	shalt  }
0x70: {  	_ =	shalt  }
0x71: {  	_ =	shalt  }
0x72: {  	_ =	shalt  }
0x73: {  	_ =	shalt  }
0x74: {  	_ =	shalt  }
0x75: {  	_ =	shalt  }
0x76: {  	_ =	shalt  }
0x77: {  	_ =	shalt  }
0x78: {  	_ =	shalt  }
0x79: {  	_ =	shalt  }
0x7a: {  	_ =	shalt  }
0x7b: {  	_ =	shalt  }
0x7c: {  	_ =	shalt  }
0x7d: {  	_ =	shalt  }
0x7e: {  	_ =	shalt  }
0x7f: {  	_ =	shalt  }
0x80: {  	_ =	shalt  }
0x81: {  	_ =	shalt  }
0x82: {  	_ =	shalt  }
0x83: {  	_ =	shalt  }
0x84: {  	_ =	shalt  }
0x85: {  	_ =	shalt  }
0x86: {  	_ =	shalt  }
0x87: {  	_ =	shalt  }
.Lfunc_end0:
.L_simem_size_0:
called_computation_lowered:
.L_overlay_start_0:
0x88: {  	s2 =	sld [smem:$0x3FD9]  }
0x89: {  	s3 =	sld [smem:$0x3FFE];
	_ =	sdelay $0x1  }
0x8a: {  	s1 =	srdreg.scid  }
0x8b: {  	s0 =	sand.u32 $0x1, s1  }
0x8c: {  	s17 =	sshll.u32 s0, $0xA;
	s2 =	sadd.s32 s3, s2  }
0x8d: {  	s2 =	sadd.s32 s2, s17  }
0x8e: {  	[smem:$0x3FC0] =	sst s2  }
0x8f: {  	_ = 	snop  }
0x90: {  	s2 =	sld [smem:$0x3FD0];
	(tm) =	ssettm $0x1  }
0x91: {  	s18 =	sld [smem:$0x3FFB];
	_ =	sdelay $0x3  }
0x92: {  	_ =	strace s18  }
0x93: {  	s3 =	sld [smem:$0x3FFC];
	_ =	sdelay $0x3  }
0x94: {  	_ =	strace s3  }
0x95: {  	s3 =	sld [smem:$0x3FFD];
	_ =	sdelay $0x3  }
0x96: {  	_ =	strace s3  }
0x97: {  	_ =	strace $0x8FFFFFFF  }
0x98: {  	s19 =	sld [smem:$0x3FDB];
	_ =	sdelay $0x1  }
0x99: {  	s4 =	simm.s32 $_scs_section_size  }
0x9a: {  	s5 =	simm.s32 $_size__tile_overlayer_lowered;
	s6 =	simm.s32 $_tile_overlayer_lowered  }
0x9b: {  	s22 =	simm.s32 $0x1BFF;
	s21 =	sshll.u32 s6, $0x1;
	s3 =	sadd.s32 s4, s19  }
0x9c: {  	s7 =	simm.s32 $0x0;
	s20 =	sshll.u32 s5, $0x1;
	s5 =	sadd.s32 s21, s3  }
0x9d: {  	[timem:s7], [sflag:s22] =	dma.local [hbm:s5], s20  }
0x9e: {  	_ =	swait.ge [sflag:s22], s20  }
0x9f: {  	s4 =	ssub.s32 $0x0, s20;
	[sflag:s22] =	ssyncset.done $0x0  }
0xa0: {  	[sflag:s22] =	ssyncadd.s32 s4;
	_ =	sdelay $0x1  }
0xa1: {  	s23 =	simm.s32 $0x1B8B  }
0xa2: {  	_ =	swait.ge [sflag:s23], $0x1  }
0xa3: {  	[sflag:s23] =	ssyncset.done $0x0  }
0xa4: {  	s25 =	simm.s32 $0x1B8E;
	s24 =	sld [smem:$0x3FFE];
	[sflag:s23] =	ssyncadd.s32 $0xFFFFFFFF  }
0xa5: {  	s26 =	simm.s32 $execute0_lowered;
	[smem:$0x3FD2] =	sst s25  }
0xa6: {  	s5 =	sshll.u32 s26, $0x1;
	_ =	strace $0x80000046;
	[dreg:$0x1] =	wrdreg $0xFFFFFFFF  }
0xa7: {  	s28 =	simm.s32 $_size_execute0_lowered;
	s3 =	sadd.s32 s3, s5;
	[dreg:$0x0] =	wrdreg $0x0  }
0xa8: {  	s5 =	sshll.u32 s28, $0x1;
	[dreg:$0x2] =	wrdreg s3  }
0xa9: {  	[dreg:$0x3] =	wrdreg s5  }
0xaa: {  	[dreg:$0x4] =	wrdreg $0xC0  }
0xab: {  	_ =	task [dreg:s7], $0x5FFFF  }
0xac: {  	[dreg:$0x1] =	wrdreg $0xFFFFFFFF  }
0xad: {  	[dreg:$0x0] =	wrdreg $0x60  }
0xae: {  	[dreg:$0x2] =	wrdreg s24  }
0xaf: {  	[dreg:$0x3] =	wrdreg s2  }
0xb0: {  	[dreg:$0x4] =	wrdreg $0x0  }
0xb1: {  	[dreg:$0x5] =	wrdreg $0x9  }
0xb2: {  	_ =	task.clear_ibuf [dreg:s7], $0x6FFFF;
	_ =	strace $0x90000046  }
0xb3: {  	s29 =	simm.s32 $0x9;
	_ =	strace $0x80000048  }
0xb4: {  	_ =	swait.ge [sflag:s29], $0x1  }
0xb5: {  	[sflag:s29] =	ssyncadd.s32 $0xFFFFFFFF  }
0xb6: {  	_ =	strace $0x90000048  }
0xb7: {  	_ =	sfence  }
0xb8: {  	s30 =	sld [smem:$0x0];
	_ =	sdelay $0x2  }
0xb9: {  	s31 =	sshll.u32 s1, $0xD;
	s1 =	sshrl.u32 s1, $0x2  }
0xba: {  	s3 =	sand.u32 $0x4000, s31;
	s1 =	sadd.s32 s1, s30  }
0xbb: {  	s0 =	sor.u32 s3, s0;
	s1 =	sshll.u32 s1, $0x11  }
0xbc: {  	s0 =	sor.u32 s1, s0  }
0xbd: {  	s0 =	sadd.s32 $0x8F2B, s0  }
0xbe: {  	[sflag:s0] =	ssyncadd.remote.s32 $0x1  }
0xbf: {  	_ =	sfence.sel $0xFFFF  }
0xc0: {  	[dreg:$0x0] =	wrdreg $0xFFFFFFFF;
	(pc) =	sbr.abs _section_cstart, $3  }
0xc1: {  	[dreg:$0x1] =	wrdreg $0xFFFFFFFF  }
0xc2: {  	_ =	task.clear_ibuf [dreg:s7], $0x2FFFF;
	_ =	strace $0x9FFFFFFF  }
0xc3: {  	(tm) =	ssettm $0x7FFFFFFF  }
tec
execute0_lowered:
.L_overlay_start_1:
0x0: {  	(tag) =	ssettag $0x1  }
0x1: {  	s6 =	rddreg [dreg:$0x0]  }
0x2: {  	s9 =	rddreg [dreg:$0x1]  }
0x3: {  	s2 =	rddreg [dreg:$0x2]  }
0x4: {  	s0 =	rddreg [dreg:$0x3];
	s1 =	stileid.u32  }
0x5: {  	s4 =	srdreg.scid;
	s3 =	simm.s32 $0x0;
	s16 =	simm.s32 $0x3900  }
0x6: {  	s17 =	simm.s32 $0x1900;
	s18 =	simm.s32 $0x2900;
	s19 =	simm.s32 $0x1  }
0x7: {  	s20 =	simm.s32 $0xFA0;
	s21 =	simm.s32 $0x2;
	s8 =	smul.u32 $0x1900, s1  }
0x8: {  	s22 =	simm.s32 $0x0;
	s7 =	sand.u32 $0x1, s4;
	s14 =	smul.u32 $0x61A80, s1  }
0x9: {  	s25 =	sshll.u32 s1, $0x1;
	[smem:$0x7FF] =	sst s3;
	s11 =	smul.u32 $0x19000, s7  }
0xa: {  	s5 =	sadd.s32 $0x18CC00, s6;
	s4 =	sor.u32 s7, s25;
	s15 =	smul.u32 $0x30D40, s7  }
0xb: {  	_ =	strace $0x80000047;
	s13 =	ssub.s32 $0x2, s7;
	s10 =	smul.u32 $0x30D40, s4  }
0xc: {  	s4 =	sadd.s32 $0xC6400, s6;
	s12 =	sshrl.u32 s8, $0x3;
	s26 =	sshrl.u32 s13, $0x1  }
0xd: {  	s7 =	sadd.s32 s8, s2;
	s6 =	sadd.s32 s12, s6;
	s12 =	ssub.s32 s13, s26  }
0xe: {  	s11 =	sadd.s32 s8, s11;
	s28 =	sadd.s32 s15, s14;
	s14 =	simm.s32 $0x4900  }
0xf: {  	s15 =	simm.s32 $0x3;
	s6 =	sadd.s32 $0x189A00, s6;
	s10 =	sshrl.u32 s10, $0x3  }
0x10: {  	s29 =	sshrl.u32 s11, $0x3;
	s30 =	sadd.s32 $0xFA0, s28;
	s8 =	sadd.s32 s4, s10  }
0x11: {  	s9 =	sadd.s32 s9, s29;
	s10 =	smax.u32 s12, $0x1;
	s31 =	sshrl.u32 s30, $0x3  }
0x12: {  	s12 =	sadd.s32 $0x1F40, s28;
	s11 =	sadd.s32 $0x5FB4, s8;
	s13 =	sadd.s32 s31, s4  }
.LBB2_1:
0x13: {  	[tilespmem:s14], [sflag:$0x3] =	stream.linear.gather [hbm4b:s6+s3], $0x1900, $0x38;
	[tilespmem:$0x6200] =	vst v63  }
0x14: {  	_ =	swait.ge [sflag:s15], $0x1900  }
0x15: {  	[sflag:s15] =	ssyncset.done $0x0  }
0x16: {  	[sflag:s15] =	ssyncadd.s32 $0xFFFFE700  }
0x17: {  	[spmem:s7] =	stream.linear.scatter [tilespmem:s14], [sflag:$0x3], $0x1900, $0x38;
	[tilespmem:$0x6200] =	vst v63  }
0x18: {  	_ =	swait.ge [sflag:s15], $0x1900  }
0x19: {  	[sflag:s15] =	ssyncset.done $0x0  }
0x1a: {  	[sflag:s15] =	ssyncadd.s32 $0xFFFFE700  }
0x1b: {  	[tilespmem:s16], [sflag:$0x3] =	stream.linear.gather [hbm4b:s5+s3], $0x1000, $0x38;
	[tilespmem:$0x6200] =	vst v63  }
0x1c: {  	_ =	swait.ge [sflag:s15], $0x1000  }
0x1d: {  	[sflag:s15] =	ssyncset.done $0x0  }
0x1e: {  	[sflag:s15] =	ssyncadd.s32 $0xFFFFF000  }
0x1f: {  	[bflag:$0x0] =	sbarrier.arrive $0xFFFF  }
0x20: {  	[tilespmem:s17], [sflag:$0x1] =	stream.linear.gather [hbm4b:s8+s3], $0xFA0, $0x38;
	[tilespmem:$0x6200] =	vst v63  }
0x21: {  	s23 =	sadd.s32 $0x0, s13  }
0x22: {  	[tilespmem:s18], [sflag:$0x2] =	stream.linear.gather [hbm4b:s23+s3], $0xFA0, $0x38;
	[tilespmem:$0x6200] =	vst v63  }
0x23: {  	_ =	swait.ge [sflag:s19], $0xFA0  }
0x24: {  	[sflag:s19] =	ssyncset.done $0x0  }
0x25: {  	[sflag:s19] =	ssyncadd.s32 $0xFFFFF060  }
0x26: {  	[spmem:s2] =	stream.indirect.scatter.add.f32 [tilespmem:s16], [sflag:$0x3], $0x1, s17, s20, $0xb8;
	[tilespmem:$0x6200] =	vst v63  }
0x27: {  	_ =	swait.ge [sflag:s15], $0xFA0  }
0x28: {  	s31 =	sshrl.u32 s12, $0x3;
	[sflag:s15] =	ssyncset.done $0x0  }
0x29: {  	s23 =	sadd.s32 s4, s31;
	[sflag:s15] =	ssyncadd.s32 $0xFFFFF060  }
0x2a: {  	[tilespmem:s17], [sflag:$0x1] =	stream.linear.gather [hbm4b:s23+s3], $0xFA0, $0x38;
	[tilespmem:$0x6200] =	vst v63  }
0x2b: {  	_ =	swait.ge [sflag:s21], $0xFA0  }
0x2c: {  	[sflag:s21] =	ssyncset.done $0x0  }
0x2d: {  	[sflag:s21] =	ssyncadd.s32 $0xFFFFF060  }
0x2e: {  	[spmem:s2] =	stream.indirect.scatter.add.f32 [tilespmem:s16], [sflag:$0x3], $0x1, s18, s20, $0xb8;
	[tilespmem:$0x6200] =	vst v63  }
0x2f: {  	s24 =	simm.s32 $0x3E8;
	_ =	swait.ge [sflag:s15], $0xFA0  }
0x30: {  	s25 =	simm.s32 $0x7D0;
	s23 =	sadd.s32 $0x1F40, s12;
	[sflag:s15] =	ssyncset.done $0x0  }
.LBB2_2:
0x31: {  	s26 =	sadd.s32 s24, s13  }
0x32: {  	[sflag:s15] =	ssyncadd.s32 $0xFFFFF060;
	s24 =	smov.u32 s25;
	s28 =	sadd.s32 $0x3E8, s25  }
0x33: {  	[tilespmem:s18], [sflag:$0x2] =	stream.linear.gather [hbm4b:s26+s3], $0xFA0, $0x38;
	[tilespmem:$0x6200] =	vst v63  }
0x34: {  	p0 =	sne.s32 s25, $0x59D8;
	_ =	swait.ge [sflag:s19], $0xFA0  }
0x35: {  	[sflag:s19] =	ssyncset.done $0x0  }
0x36: {  	[sflag:s19] =	ssyncadd.s32 $0xFFFFF060  }
0x37: {  	[spmem:s2] =	stream.indirect.scatter.add.f32 [tilespmem:s16], [sflag:$0x3], $0x1, s17, s20, $0xb8;
	[tilespmem:$0x6200] =	vst v63  }
0x38: {  	_ =	swait.ge [sflag:s15], $0xFA0  }
0x39: {  	s25 =	sshrl.u32 s23, $0x3;
	[sflag:s15] =	ssyncset.done $0x0  }
0x3a: {  	s25 =	sadd.s32 s4, s25;
	[sflag:s15] =	ssyncadd.s32 $0xFFFFF060  }
0x3b: {  	[tilespmem:s17], [sflag:$0x1] =	stream.linear.gather [hbm4b:s25+s3], $0xFA0, $0x38;
	[tilespmem:$0x6200] =	vst v63  }
0x3c: {  	_ =	swait.ge [sflag:s21], $0xFA0  }
.Ltmp0:
0x3d: {  	[sflag:s21] =	ssyncset.done $0x0;
	(pc) =	sbr.rel @p0 .LBB2_2-.Ltmp0, $4  }
0x3e: {  	[sflag:s21] =	ssyncadd.s32 $0xFFFFF060  }
0x3f: {  	[spmem:s2] =	stream.indirect.scatter.add.f32 [tilespmem:s16], [sflag:$0x3], $0x1, s18, s20, $0xb8;
	[tilespmem:$0x6200] =	vst v63  }
0x40: {  	_ =	swait.ge [sflag:s15], $0xFA0  }
0x41: {  	s23 =	sadd.s32 $0x1F40, s23;
	s25 =	smov.u32 s28;
	[sflag:s15] =	ssyncset.done $0x0  }
0x42: {  	s24 =	sadd.s32 s24, s13;
	[sflag:s15] =	ssyncadd.s32 $0xFFFFF060  }
0x43: {  	[tilespmem:s18], [sflag:$0x2] =	stream.linear.gather [hbm4b:s24+s3], $0xFA0, $0x38;
	[tilespmem:$0x6200] =	vst v63  }
0x44: {  	_ =	swait.ge [sflag:s19], $0xFA0  }
0x45: {  	[sflag:s19] =	ssyncset.done $0x0  }
0x46: {  	[sflag:s19] =	ssyncadd.s32 $0xFFFFF060  }
0x47: {  	[spmem:s2] =	stream.indirect.scatter.add.f32 [tilespmem:s16], [sflag:$0x3], $0x1, s17, s20, $0xb8;
	[tilespmem:$0x6200] =	vst v63  }
0x48: {  	_ =	swait.ge [sflag:s15], $0xFA0  }
0x49: {  	s23 =	sshrl.u32 s23, $0x3;
	[sflag:s15] =	ssyncset.done $0x0  }
0x4a: {  	s23 =	sadd.s32 s4, s23;
	[sflag:s15] =	ssyncadd.s32 $0xFFFFF060  }
0x4b: {  	[tilespmem:s17], [sflag:$0x1] =	stream.linear.gather [hbm4b:s23+s3], $0xFA0, $0x38;
	[tilespmem:$0x6200] =	vst v63  }
0x4c: {  	_ =	swait.ge [sflag:s21], $0xFA0  }
0x4d: {  	[sflag:s21] =	ssyncset.done $0x0  }
0x4e: {  	[sflag:s21] =	ssyncadd.s32 $0xFFFFF060  }
0x4f: {  	[spmem:s2] =	stream.indirect.scatter.add.f32 [tilespmem:s16], [sflag:$0x3], $0x1, s18, s20, $0xb8;
	[tilespmem:$0x6200] =	vst v63  }
0x50: {  	_ =	swait.ge [sflag:s15], $0xFA0  }
0x51: {  	[sflag:s15] =	ssyncset.done $0x0  }
0x52: {  	[sflag:s15] =	ssyncadd.s32 $0xFFFFF060  }
0x53: {  	[tilespmem:s18], [sflag:$0x2] =	stream.linear.gather [hbm4b:s11+s3], $0xFA0, $0x38;
	[tilespmem:$0x6200] =	vst v63  }
0x54: {  	_ =	swait.ge [sflag:s19], $0xFA0  }
0x55: {  	[sflag:s19] =	ssyncset.done $0x0  }
0x56: {  	[sflag:s19] =	ssyncadd.s32 $0xFFFFF060  }
0x57: {  	[spmem:s2] =	stream.indirect.scatter.add.f32 [tilespmem:s16], [sflag:$0x3], $0x1, s17, s20, $0xb8;
	[tilespmem:$0x6200] =	vst v63  }
0x58: {  	_ =	swait.ge [sflag:s15], $0xFA0  }
0x59: {  	[sflag:s15] =	ssyncset.done $0x0  }
0x5a: {  	[sflag:s15] =	ssyncadd.s32 $0xFFFFF060  }
0x5b: {  	_ =	swait.ge [sflag:s21], $0xFA0  }
0x5c: {  	[sflag:s21] =	ssyncset.done $0x0  }
0x5d: {  	[sflag:s21] =	ssyncadd.s32 $0xFFFFF060  }
0x5e: {  	[spmem:s2] =	stream.indirect.scatter.add.f32 [tilespmem:s16], [sflag:$0x3], $0x1, s18, s20, $0xb8;
	[tilespmem:$0x6200] =	vst v63  }
0x5f: {  	_ =	swait.ge [sflag:s15], $0xFA0  }
0x60: {  	[sflag:s15] =	ssyncset.done $0x0  }
0x61: {  	[sflag:s15] =	ssyncadd.s32 $0xFFFFF060  }
0x62: {  	[bflag:$0x0] =	sbarrier.arrive $0xFFFF  }
0x63: {  	[tilespmem:s14], [sflag:$0x3] =	stream.linear.gather [spmem:s7], $0x1900, $0x38;
	[tilespmem:$0x6200] =	vst v63  }
0x64: {  	s22 =	sadd.s32 $0x1, s22;
	_ =	swait.ge [sflag:s15], $0x1900  }
0x65: {  	p0 =	sne.s32 s22, s10;
	[sflag:s15] =	ssyncset.done $0x0  }
.Ltmp1:
0x66: {  	[sflag:s15] =	ssyncadd.s32 $0xFFFFE700;
	(pc) =	sbr.rel @p0 .LBB2_1-.Ltmp1, $4  }
0x67: {  	[hbm4b:s9+s3] =	stream.linear.scatter [tilespmem:s14], [sflag:$0x3], $0x1900, $0x38;
	[tilespmem:$0x6200] =	vst v63  }
0x68: {  	_ =	swait.ge [sflag:s15], $0x1900  }
0x69: {  	[sflag:s15] =	ssyncset.done $0x0  }
0x6a: {  	[sflag:s15] =	ssyncadd.s32 $0xFFFFE700  }
0x6b: {  	_ =	sfence.sel $0x180000  }
0x6c: {  	[bflag:$0x0] =	sbarrier.arrive $0xFFFF  }
0x6d: {  	p0 =	sne.s32 s1, $0x0;
	_ =	strace $0x90000047  }
0x6e: {  	s0 =	sadd.s32 @!p0 $0x100000, s0;
	[bflag:$0x2] =	sbarrier.arrive $0xFFFF  }
0x6f: {  	[sflag:s0] =	ssyncadd.tile.s32 @!p0 $0x1;
	_ =	shalt  }
.Lfunc_end2:
_tile_overlayer_lowered:
.L_overlay_start_2:
0x70: {  	(tag) =	ssettag $0x2  }
0x71: {  	s0 =	rddreg [dreg:$0x0];
	s2 =	stileid.u32  }
0x72: {  	s1 =	rddreg [dreg:$0x1];
	p0 =	sne.s32 s2, $0x0  }
0x73: {  	s3 =	rddreg [dreg:$0x2];
	[bflag:$0x3] =	sbarrier.arrive $0xFFFF;
	s2 =	simm.s32 @!p0 $0x1C03  }
0x74: {  	[timem:s3], [sflag:s2] =	dma.local @!p0 [hbm:s0], s1  }
0x75: {  	s0 =	simm.s32 @!p0 $0x3  }
0x76: {  	_ =	swait.ge @!p0 [sflag:s0], s1  }
0x77: {  	s1 =	ssub.s32 @!p0 $0x0, s1;
	[sflag:s0] =	ssyncset.done @!p0 $0x0  }
0x78: {  	[sflag:s0] =	ssyncadd.s32 @!p0 s1  }
0x79: {  	[bflag:$0x3] =	sbarrier.arrive $0xFFFF  }
0x7a: {  	_ =	shalt  }

// kernel: kernel.13.cloned.1.call-start
scs
__scs_entry_jumppad:
0x0: {  	(pc) =	sbr.rel $0x88, $3  }
0x1: {  	(tag) =	ssettag $0x0;
	lr =	simm.s32 $0x1  }
0x2: {  	[smem:$0x3F99] =	sst lr;
	_ =	strace $0xD0000000  }
0x3: {  	_ = 	snop  }
0x4: {  	_ = 	snop  }
0x5: {  	_ = 	snop  }
0x6: {  	_ = 	snop  }
0x7: {  	_ = 	snop  }
__scs_overlays_trampoline_lowered:
0x8: {  	[smem:$0x3FA8] =	sst s0  }
0x9: {  	[smem:$0x3FA9] =	sst s1  }
0xa: {  	[smem:$0x3FAA] =	sst s2  }
0xb: {  	[smem:$0x3FAB] =	sst s3  }
0xc: {  	[smem:$0x3FAC] =	sst s4  }
0xd: {  	[smem:$0x3FAD] =	sst s5  }
0xe: {  	[smem:$0x3FAE] =	sst s6  }
0xf: {  	[smem:$0x3FAF] =	sst s7  }
0x10: {  	[smem:$0x3FB0] =	sst s8  }
0x11: {  	[smem:$0x3FB1] =	sst s9;
	s0 =	simm.s32 @!p0 $0x0  }
0x12: {  	s1 =	sld [smem:$0x3F97];
	s0 =	simm.s32 @p0 $0x1  }
0x13: {  	[smem:$0x3FB2] =	sst s0;
	s0 =	simm.s32 @!p1 $0x0  }
0x14: {  	s2 =	sld [smem:$0x3F96];
	s0 =	simm.s32 @p1 $0x1  }
0x15: {  	[smem:$0x3FB3] =	sst s0;
	s0 =	simm.s32 @!p2 $0x0  }
0x16: {  	s3 =	sld [smem:$0x3FDB];
	s0 =	simm.s32 @p2 $0x1  }
0x17: {  	s4 =	simm.s32 $0x1BF5;
	[smem:$0x3FB5] =	sst s0  }
0x18: {  	s0 =	sld [smem:$0x3F98];
	_ =	swait.ge [sflag:s4], $0x0  }
0x19: {  	s7 =	sld [smem:$0x3F99]  }
0x1a: {  	s8 =	sadd.s32 $0xFFFFE003, lr  }
0x1b: {  	s9 =	sadd.s32 $0xFFFFFEF7, lr;
	s5 =	simm.s32 $0xFFFFFFFF;
	p2 =	slt.u32 s8, $0xFFFFF086  }
0x1c: {  	p1 =	slt.u32 s9, $0xF7A;
	s5 =	simm.s32 @!p2 $0x0  }
0x1d: {  	s5 =	simm.s32 @p1 $0x1;
	p0 =	seq.s32 s7, s2  }
0x1e: {  	s7 =	smul.u32 @!p0 $0xF7A, s2;
	p2 =	seq.s32 @!p0 s5, $0x0  }
0x1f: {  	s9 =	smul.u32 $0xF7A, s1;
	s8 =	simm.s32 @!p0 $0x1BF5;
	p2 =	por !p2, p0  }
0x20: {  	[sflag:s8] =	ssyncset.s32 @!p0 $0xFFFFF086;
	s6 =	sadd.s32 @!p0 s3, s7;
	s7 =	simm.s32 @!p0 $0x108  }
0x21: {  	s3 =	sadd.s32 s3, s9;
	s6 =	sadd.s32 @!p0 $0x88, s6;
	s7 =	simm.s32 @p2 $0x1082  }
0x22: {  	[simem:s7], [sflag:s8] =	dma.local @!p0 [hbm:s6], $0xF7A  }
0x23: {  	s9 =	sor.u32 $0xD0000000, s2;
	s6 =	simm.s32 $0x108;
	_ =	swait.ge @!p0 [sflag:s8], $0x0  }
0x24: {  	s3 =	sadd.s32 $0x88, s3;
	s6 =	simm.s32 @!p1 $0x1082;
	[sflag:s4] =	ssyncset.s32 $0xFFFFF086  }
0x25: {  	[simem:s6], [sflag:s4] =	dma.local [hbm:s3], $0xF7A  }
0x26: {  	[smem:$0x3F99] =	sst s1;
	(tag) =	ssettag s2;
	_ =	strace s9  }
0x27: {  	s1 =	sld [smem:$0x3FA9]  }
0x28: {  	s2 =	sld [smem:$0x3FAA]  }
0x29: {  	s4 =	sld [smem:$0x3FAC]  }
0x2a: {  	p0 =	seq.s32 s5, $0x0;
	s5 =	sld [smem:$0x3FAD]  }
0x2b: {  	s6 =	sld [smem:$0x3FAE]  }
0x2c: {  	s7 =	sld [smem:$0x3FAF]  }
0x2d: {  	s3 =	simm.s32 $0x108;
	s8 =	sld [smem:$0x3FB0]  }
0x2e: {  	s3 =	simm.s32 @!p0 $0x1082;
	s9 =	sld [smem:$0x3FB1]  }
0x2f: {  	lr =	sadd.s32 s0, s3;
	s0 =	sld [smem:$0x3FA8]  }
0x30: {  	s3 =	sld [smem:$0x3FAB]  }
0x31: {  	[smem:$0x3FB4] =	sst s10  }
0x32: {  	s10 =	sld [smem:$0x3FB2];
	_ =	sdelay $0x3  }
0x33: {  	p0 =	seq.s32 s10, $0x1;
	s10 =	sld [smem:$0x3FB4];
	_ =	sdelay $0x3  }
0x34: {  	[smem:$0x3FB4] =	sst s10  }
0x35: {  	s10 =	sld [smem:$0x3FB3];
	_ =	sdelay $0x3  }
0x36: {  	p1 =	seq.s32 s10, $0x1;
	s10 =	sld [smem:$0x3FB4];
	_ =	sdelay $0x3  }
0x37: {  	[smem:$0x3FB4] =	sst s10  }
0x38: {  	s10 =	sld [smem:$0x3FB5]  }
0x39: {  	_ = 	snop;
	(pc) =	sbr.ind lr, $3  }
0x3a: {  	_ = 	snop  }
0x3b: {  	_ = 	snop  }
0x3c: {  	p2 =	seq.s32 s10, $0x1;
	s10 =	sld [smem:$0x3FB4]  }
0x3d: {  	_ =	shalt  }
0x3e: {  	_ =	shalt  }
0x3f: {  	_ =	shalt  }
0x40: {  	_ =	shalt  }
0x41: {  	_ =	shalt  }
0x42: {  	_ =	shalt  }
0x43: {  	_ =	shalt  }
0x44: {  	_ =	shalt  }
0x45: {  	_ =	shalt  }
0x46: {  	_ =	shalt  }
0x47: {  	_ =	shalt  }
0x48: {  	_ =	shalt  }
0x49: {  	_ =	shalt  }
0x4a: {  	_ =	shalt  }
0x4b: {  	_ =	shalt  }
0x4c: {  	_ =	shalt  }
0x4d: {  	_ =	shalt  }
0x4e: {  	_ =	shalt  }
0x4f: {  	_ =	shalt  }
0x50: {  	_ =	shalt  }
0x51: {  	_ =	shalt  }
0x52: {  	_ =	shalt  }
0x53: {  	_ =	shalt  }
0x54: {  	_ =	shalt  }
0x55: {  	_ =	shalt  }
0x56: {  	_ =	shalt  }
0x57: {  	_ =	shalt  }
0x58: {  	_ =	shalt  }
0x59: {  	_ =	shalt  }
0x5a: {  	_ =	shalt  }
0x5b: {  	_ =	shalt  }
0x5c: {  	_ =	shalt  }
0x5d: {  	_ =	shalt  }
0x5e: {  	_ =	shalt  }
0x5f: {  	_ =	shalt  }
0x60: {  	_ =	shalt  }
0x61: {  	_ =	shalt  }
0x62: {  	_ =	shalt  }
0x63: {  	_ =	shalt  }
0x64: {  	_ =	shalt  }
0x65: {  	_ =	shalt  }
0x66: {  	_ =	shalt  }
0x67: {  	_ =	shalt  }
0x68: {  	_ =	shalt  }
0x69: {  	_ =	shalt  }
0x6a: {  	_ =	shalt  }
0x6b: {  	_ =	shalt  }
0x6c: {  	_ =	shalt  }
0x6d: {  	_ =	shalt  }
0x6e: {  	_ =	shalt  }
0x6f: {  	_ =	shalt  }
0x70: {  	_ =	shalt  }
0x71: {  	_ =	shalt  }
0x72: {  	_ =	shalt  }
0x73: {  	_ =	shalt  }
0x74: {  	_ =	shalt  }
0x75: {  	_ =	shalt  }
0x76: {  	_ =	shalt  }
0x77: {  	_ =	shalt  }
0x78: {  	_ =	shalt  }
0x79: {  	_ =	shalt  }
0x7a: {  	_ =	shalt  }
0x7b: {  	_ =	shalt  }
0x7c: {  	_ =	shalt  }
0x7d: {  	_ =	shalt  }
0x7e: {  	_ =	shalt  }
0x7f: {  	_ =	shalt  }
0x80: {  	_ =	shalt  }
0x81: {  	_ =	shalt  }
0x82: {  	_ =	shalt  }
0x83: {  	_ =	shalt  }
0x84: {  	_ =	shalt  }
0x85: {  	_ =	shalt  }
0x86: {  	_ =	shalt  }
0x87: {  	_ =	shalt  }
.Lfunc_end0:
.L_simem_size_0:
called_computation.1_lowered:
.L_overlay_start_0:
0x88: {  	s2 =	sld [smem:$0x3FD9]  }
0x89: {  	s3 =	sld [smem:$0x3FFE];
	_ =	sdelay $0x1  }
0x8a: {  	s1 =	srdreg.scid  }
0x8b: {  	s0 =	sand.u32 $0x1, s1  }
0x8c: {  	s17 =	sshll.u32 s0, $0xA;
	s2 =	sadd.s32 s3, s2  }
0x8d: {  	s2 =	sadd.s32 s2, s17  }
0x8e: {  	[smem:$0x3FC0] =	sst s2  }
0x8f: {  	_ = 	snop  }
0x90: {  	s2 =	sld [smem:$0x3FD0];
	(tm) =	ssettm $0x1  }
0x91: {  	s18 =	sld [smem:$0x3FFB];
	_ =	sdelay $0x3  }
0x92: {  	_ =	strace s18  }
0x93: {  	s3 =	sld [smem:$0x3FFC];
	_ =	sdelay $0x3  }
0x94: {  	_ =	strace s3  }
0x95: {  	s3 =	sld [smem:$0x3FFD];
	_ =	sdelay $0x3  }
0x96: {  	_ =	strace s3  }
0x97: {  	_ =	strace $0x8FFFFFFF  }
0x98: {  	s19 =	sld [smem:$0x3FDB];
	_ =	sdelay $0x1  }
0x99: {  	s4 =	simm.s32 $_scs_section_size  }
0x9a: {  	s5 =	simm.s32 $_size__tile_overlayer_lowered;
	s6 =	simm.s32 $_tile_overlayer_lowered  }
0x9b: {  	s22 =	simm.s32 $0x1BFF;
	s21 =	sshll.u32 s6, $0x1;
	s3 =	sadd.s32 s4, s19  }
0x9c: {  	s7 =	simm.s32 $0x0;
	s20 =	sshll.u32 s5, $0x1;
	s5 =	sadd.s32 s21, s3  }
0x9d: {  	[timem:s7], [sflag:s22] =	dma.local [hbm:s5], s20  }
0x9e: {  	_ =	swait.ge [sflag:s22], s20  }
0x9f: {  	s4 =	ssub.s32 $0x0, s20;
	[sflag:s22] =	ssyncset.done $0x0  }
0xa0: {  	[sflag:s22] =	ssyncadd.s32 s4;
	_ =	sdelay $0x1  }
0xa1: {  	s23 =	simm.s32 $0x1B8B  }
0xa2: {  	_ =	swait.ge [sflag:s23], $0x1  }
0xa3: {  	[sflag:s23] =	ssyncset.done $0x0  }
0xa4: {  	s25 =	simm.s32 $0x1B8E;
	s24 =	sld [smem:$0x3FFE];
	[sflag:s23] =	ssyncadd.s32 $0xFFFFFFFF  }
0xa5: {  	s26 =	simm.s32 $execute0_lowered;
	[smem:$0x3FD2] =	sst s25  }
0xa6: {  	s5 =	sshll.u32 s26, $0x1;
	_ =	strace $0x80000049;
	[dreg:$0x1] =	wrdreg $0xFFFFFFFF  }
0xa7: {  	s28 =	simm.s32 $_size_execute0_lowered;
	s3 =	sadd.s32 s3, s5;
	[dreg:$0x0] =	wrdreg $0x0  }
0xa8: {  	s5 =	sshll.u32 s28, $0x1;
	[dreg:$0x2] =	wrdreg s3  }
0xa9: {  	[dreg:$0x3] =	wrdreg s5  }
0xaa: {  	[dreg:$0x4] =	wrdreg $0xC0  }
0xab: {  	_ =	task [dreg:s7], $0x5FFFF  }
0xac: {  	[dreg:$0x1] =	wrdreg $0xFFFFFFFF  }
0xad: {  	[dreg:$0x0] =	wrdreg $0x60  }
0xae: {  	[dreg:$0x2] =	wrdreg s24  }
0xaf: {  	[dreg:$0x3] =	wrdreg s2  }
0xb0: {  	[dreg:$0x4] =	wrdreg $0x19000  }
0xb1: {  	[dreg:$0x5] =	wrdreg $0x0  }
0xb2: {  	[dreg:$0x6] =	wrdreg $0x9  }
0xb3: {  	_ =	task.clear_ibuf [dreg:s7], $0x7FFFF;
	_ =	strace $0x90000049  }
0xb4: {  	s29 =	simm.s32 $0x9;
	_ =	strace $0x8000004B  }
0xb5: {  	_ =	swait.ge [sflag:s29], $0x1  }
0xb6: {  	[sflag:s29] =	ssyncadd.s32 $0xFFFFFFFF  }
0xb7: {  	_ =	strace $0x9000004B  }
0xb8: {  	_ =	sfence  }
0xb9: {  	s30 =	sld [smem:$0x0];
	_ =	sdelay $0x2  }
0xba: {  	s31 =	sshll.u32 s1, $0xD;
	s1 =	sshrl.u32 s1, $0x2  }
0xbb: {  	s3 =	sand.u32 $0x4000, s31;
	s1 =	sadd.s32 s1, s30  }
0xbc: {  	s0 =	sor.u32 s3, s0;
	s1 =	sshll.u32 s1, $0x11  }
0xbd: {  	s0 =	sor.u32 s1, s0  }
0xbe: {  	s0 =	sadd.s32 $0x8F2B, s0  }
0xbf: {  	[sflag:s0] =	ssyncadd.remote.s32 $0x1  }
0xc0: {  	_ =	sfence.sel $0xFFFF  }
0xc1: {  	[dreg:$0x0] =	wrdreg $0xFFFFFFFF;
	(pc) =	sbr.abs _section_cstart, $3  }
0xc2: {  	[dreg:$0x1] =	wrdreg $0xFFFFFFFF  }
0xc3: {  	_ =	task.clear_ibuf [dreg:s7], $0x2FFFF;
	_ =	strace $0x9FFFFFFF  }
0xc4: {  	(tm) =	ssettm $0x7FFFFFFF  }
0xc5: {  	_ =	shalt  }
tec
execute0_lowered:
.L_overlay_start_1:
0x0: {  	(tag) =	ssettag $0x1  }
0x1: {  	s0 =	rddreg [dreg:$0x0]  }
0x2: {  	s1 =	rddreg [dreg:$0x1]  }
0x3: {  	s2 =	rddreg [dreg:$0x2]  }
0x4: {  	s3 =	rddreg [dreg:$0x3];
	s4 =	simm.s32 $0x0  }
0x5: {  	s13 =	stileid.u32;
	s5 =	srdreg.scid;
	s28 =	simm.s32 $0xFA0  }
0x6: {  	s29 =	simm.s32 $0x7200;
	s30 =	simm.s32 $0x3;
	s31 =	simm.s32 $0x2  }
0x7: {  	[smem:$0x7FF] =	sst s4;
	s7 =	smul.u32 $0x1900, s13;
	s9 =	sand.u32 $0x1, s5  }
0x8: {  	s15 =	sshll.u32 s13, $0x1;
	s5 =	sadd.s32 $0x2E00, s0;
	s13 =	smul.u32 $0x61A80, s13  }
0x9: {  	_ =	strace $0x8000004A;
	s8 =	ssub.s32 $0x2, s9;
	s18 =	smul.u32 $0x19000, s9  }
0xa: {  	s16 =	sor.u32 s9, s15;
	s9 =	smul.u32 $0x30D40, s9;
	s6 =	sshrl.u32 s7, $0x3  }
0xb: {  	s11 =	sshrl.u32 s8, $0x1;
	s12 =	smul.u32 $0x30D40, s16;
	s21 =	sadd.s32 s7, s3  }
0xc: {  	s10 =	sadd.s32 s6, s0;
	s6 =	sadd.s32 $0xC6400, s0;
	s17 =	ssub.s32 s8, s11  }
0xd: {  	s8 =	sadd.s32 s7, s2;
	[dreg:$0x7] =	wrdreg s21;
	s7 =	sadd.s32 s7, s18  }
0xe: {  	s9 =	sadd.s32 s9, s13;
	s21 =	simm.s32 $0x5;
	s19 =	sadd.s32 $0x189A00, s10  }
0xf: {  	s10 =	sadd.s32 $0x18CC00, s10;
	s20 =	sshrl.u32 s12, $0x3;
	s7 =	sshrl.u32 s7, $0x3  }
0x10: {  	s25 =	sadd.s32 $0xFA0, s9;
	s0 =	smax.u32 s17, $0x1;
	[dreg:$0x5] =	wrdreg s19  }
0x11: {  	s17 =	sadd.s32 $0x1F40, s9;
	[dreg:$0x6] =	wrdreg s10;
	s22 =	sadd.s32 s5, s20  }
0x12: {  	s23 =	sadd.s32 s6, s20;
	s1 =	sadd.s32 s1, s7;
	[dreg:$0xb] =	wrdreg s0  }
0x13: {  	s24 =	sadd.s32 $0x5FB4, s20;
	s26 =	sshrl.u32 s25, $0x3;
	[dreg:$0x8] =	wrdreg s22  }
0x14: {  	s20 =	simm.s32 $0x9200;
	s25 =	simm.s32 $0x6200;
	[dreg:$0x9] =	wrdreg s23  }
0x15: {  	s0 =	simm.s32 $0x8200;
	s7 =	simm.s32 $0x0;
	[dreg:$0xa] =	wrdreg s1  }
0x16: {  	s15 =	sadd.s32 s5, s24;
	s16 =	sadd.s32 s6, s24;
	s18 =	sadd.s32 s26, s6  }
0x17: {  	s19 =	sadd.s32 s26, s5;
	s22 =	simm.s32 $0x3200;
	s23 =	simm.s32 $0x5200  }
0x18: {  	s24 =	simm.s32 $0x4200;
	s26 =	simm.s32 $0x1;
	s1 =	simm.s32 $0x4  }
.LBB2_1:
0x19: {  	s9 =	rddreg [dreg:$0x5]  }
0x1a: {  	[tilespmem:s20], [sflag:$0x5] =	stream.linear.gather [hbm4b:s9+s4], $0x1900, $0x38;
	[tilespmem:$0xAB00] =	vst v63  }
0x1b: {  	_ =	swait.ge [sflag:s21], $0x1900  }
0x1c: {  	[sflag:s21] =	ssyncset.done $0x0  }
0x1d: {  	[sflag:s21] =	ssyncadd.s32 $0xFFFFE700  }
0x1e: {  	[spmem:s8] =	stream.linear.scatter [tilespmem:s20], [sflag:$0x5], $0x1900, $0x38;
	[tilespmem:$0xAB00] =	vst v63  }
0x1f: {  	_ =	swait.ge [sflag:s21], $0x1900  }
0x20: {  	[sflag:s21] =	ssyncset.done $0x0  }
0x21: {  	s13 =	rddreg [dreg:$0x6];
	[sflag:s21] =	ssyncadd.s32 $0xFFFFE700  }
0x22: {  	[tilespmem:s20], [sflag:$0x5] =	stream.linear.gather [hbm4b:s13+s4], $0x1900, $0x38;
	[tilespmem:$0xAB00] =	vst v63  }
0x23: {  	_ =	swait.ge [sflag:s21], $0x1900  }
0x24: {  	[sflag:s21] =	ssyncset.done $0x0  }
0x25: {  	s14 =	rddreg [dreg:$0x7];
	[sflag:s21] =	ssyncadd.s32 $0xFFFFE700  }
0x26: {  	[spmem:s14] =	stream.linear.scatter [tilespmem:s20], [sflag:$0x5], $0x1900, $0x38;
	[tilespmem:$0xAB00] =	vst v63  }
0x27: {  	_ =	swait.ge [sflag:s21], $0x1900  }
0x28: {  	[sflag:s21] =	ssyncset.done $0x0  }
0x29: {  	[sflag:s21] =	ssyncadd.s32 $0xFFFFE700  }
0x2a: {  	[bflag:$0x0] =	sbarrier.arrive $0xFFFF  }
0x2b: {  	s10 =	rddreg [dreg:$0x8]  }
0x2c: {  	[tilespmem:s22], [sflag:$0x1] =	stream.linear.gather [hbm4b:s10+s4], $0xFA0, $0x38;
	[tilespmem:$0xAB00] =	vst v63  }
0x2d: {  	s11 =	rddreg [dreg:$0x9]  }
0x2e: {  	[tilespmem:s23], [sflag:$0x1] =	stream.linear.gather [hbm4b:s11+s4], $0xFA0, $0x38;
	[tilespmem:$0xAB00] =	vst v63  }
0x2f: {  	s12 =	sadd.s32 $0x0, s19  }
0x30: {  	[tilespmem:s24], [sflag:$0x2] =	stream.linear.gather [hbm4b:s12+s4], $0xFA0, $0x38;
	[tilespmem:$0xAB00] =	vst v63  }
0x31: {  	s13 =	sadd.s32 $0x0, s18  }
0x32: {  	[tilespmem:s25], [sflag:$0x2] =	stream.linear.gather [hbm4b:s13+s4], $0xFA0, $0x38;
	[tilespmem:$0xAB00] =	vst v63  }
0x33: {  	_ =	swait.ge [sflag:s26], $0xFA0  }
0x34: {  	[sflag:s26] =	ssyncset.done $0x0  }
0x35: {  	[sflag:s26] =	ssyncadd.s32 $0xFFFFF060  }
0x36: {  	_ =	swait.ge [sflag:s26], $0xFA0  }
0x37: {  	[sflag:s26] =	ssyncset.done $0x0  }
0x38: {  	[sflag:s26] =	ssyncadd.s32 $0xFFFFF060  }
0x39: {  	[tilespmem:s29], [sflag:$0x3] =	stream.indirect.gather [spmem:s3], $0x1, s22, s28, $0xb8;
	[tilespmem:$0xAB00] =	vst v63  }
0x3a: {  	_ =	swait.ge [sflag:s30], $0xFA0  }
0x3b: {  	[sflag:s30] =	ssyncset.done $0x0  }
0x3c: {  	[sflag:s30] =	ssyncadd.s32 $0xFFFFF060  }
0x3d: {  	[spmem:s2] =	stream.indirect.scatter.add.f32 [tilespmem:s29], [sflag:$0x3], $0x1, s23, s28, $0xb8;
	[tilespmem:$0xAB00] =	vst v63  }
0x3e: {  	_ =	swait.ge [sflag:s30], $0xFA0  }
0x3f: {  	s14 =	sshrl.u32 s17, $0x3;
	[sflag:s30] =	ssyncset.done $0x0  }
0x40: {  	s10 =	sadd.s32 s5, s14;
	[sflag:s30] =	ssyncadd.s32 $0xFFFFF060  }
0x41: {  	[tilespmem:s22], [sflag:$0x1] =	stream.linear.gather [hbm4b:s10+s4], $0xFA0, $0x38;
	[tilespmem:$0xAB00] =	vst v63  }
0x42: {  	s9 =	sadd.s32 s6, s14  }
0x43: {  	[tilespmem:s23], [sflag:$0x1] =	stream.linear.gather [hbm4b:s9+s4], $0xFA0, $0x38;
	[tilespmem:$0xAB00] =	vst v63  }
0x44: {  	_ =	swait.ge [sflag:s31], $0xFA0  }
0x45: {  	[sflag:s31] =	ssyncset.done $0x0  }
0x46: {  	[sflag:s31] =	ssyncadd.s32 $0xFFFFF060  }
0x47: {  	_ =	swait.ge [sflag:s31], $0xFA0  }
0x48: {  	[sflag:s31] =	ssyncset.done $0x0  }
0x49: {  	[sflag:s31] =	ssyncadd.s32 $0xFFFFF060  }
0x4a: {  	[tilespmem:s0], [sflag:$0x4] =	stream.indirect.gather [spmem:s3], $0x1, s24, s28, $0xb8;
	[tilespmem:$0xAB00] =	vst v63  }
0x4b: {  	_ =	swait.ge [sflag:s1], $0xFA0  }
0x4c: {  	[sflag:s1] =	ssyncset.done $0x0  }
0x4d: {  	[sflag:s1] =	ssyncadd.s32 $0xFFFFF060  }
0x4e: {  	[spmem:s2] =	stream.indirect.scatter.add.f32 [tilespmem:s0], [sflag:$0x4], $0x1, s25, s28, $0xb8;
	[tilespmem:$0xAB00] =	vst v63  }
0x4f: {  	s11 =	simm.s32 $0x7D0;
	_ =	swait.ge [sflag:s1], $0xFA0  }
0x50: {  	s10 =	simm.s32 $0x3E8;
	s9 =	sadd.s32 $0x1F40, s17;
	[sflag:s1] =	ssyncset.done $0x0  }
.LBB2_2:
0x51: {  	s13 =	sadd.s32 s10, s19  }
0x52: {  	[sflag:s1] =	ssyncadd.s32 $0xFFFFF060;
	s14 =	smov.u32 s11;
	s12 =	sadd.s32 $0x3E8, s11  }
0x53: {  	[tilespmem:s24], [sflag:$0x2] =	stream.linear.gather [hbm4b:s13+s4], $0xFA0, $0x38;
	[tilespmem:$0xAB00] =	vst v63  }
0x54: {  	p0 =	sne.s32 s11, $0x59D8;
	s11 =	sadd.s32 s10, s18;
	s10 =	smov.u32 s14  }
0x55: {  	[tilespmem:s25], [sflag:$0x2] =	stream.linear.gather [hbm4b:s11+s4], $0xFA0, $0x38;
	[tilespmem:$0xAB00] =	vst v63  }
0x56: {  	_ =	swait.ge [sflag:s26], $0xFA0  }
0x57: {  	[sflag:s26] =	ssyncset.done $0x0  }
0x58: {  	[sflag:s26] =	ssyncadd.s32 $0xFFFFF060  }
0x59: {  	_ =	swait.ge [sflag:s26], $0xFA0  }
0x5a: {  	[sflag:s26] =	ssyncset.done $0x0  }
0x5b: {  	[sflag:s26] =	ssyncadd.s32 $0xFFFFF060  }
0x5c: {  	[tilespmem:s29], [sflag:$0x3] =	stream.indirect.gather [spmem:s3], $0x1, s22, s28, $0xb8;
	[tilespmem:$0xAB00] =	vst v63  }
0x5d: {  	_ =	swait.ge [sflag:s30], $0xFA0  }
0x5e: {  	[sflag:s30] =	ssyncset.done $0x0  }
0x5f: {  	[sflag:s30] =	ssyncadd.s32 $0xFFFFF060  }
0x60: {  	[spmem:s2] =	stream.indirect.scatter.add.f32 [tilespmem:s29], [sflag:$0x3], $0x1, s23, s28, $0xb8;
	[tilespmem:$0xAB00] =	vst v63  }
0x61: {  	_ =	swait.ge [sflag:s30], $0xFA0  }
0x62: {  	s11 =	sshrl.u32 s9, $0x3;
	[sflag:s30] =	ssyncset.done $0x0  }
0x63: {  	s13 =	sadd.s32 s5, s11;
	[sflag:s30] =	ssyncadd.s32 $0xFFFFF060  }
0x64: {  	[tilespmem:s22], [sflag:$0x1] =	stream.linear.gather [hbm4b:s13+s4], $0xFA0, $0x38;
	[tilespmem:$0xAB00] =	vst v63  }
0x65: {  	s11 =	sadd.s32 s6, s11  }
0x66: {  	[tilespmem:s23], [sflag:$0x1] =	stream.linear.gather [hbm4b:s11+s4], $0xFA0, $0x38;
	[tilespmem:$0xAB00] =	vst v63  }
0x67: {  	_ =	swait.ge [sflag:s31], $0xFA0  }
0x68: {  	[sflag:s31] =	ssyncset.done $0x0  }
0x69: {  	[sflag:s31] =	ssyncadd.s32 $0xFFFFF060  }
0x6a: {  	_ =	swait.ge [sflag:s31], $0xFA0  }
0x6b: {  	[sflag:s31] =	ssyncset.done $0x0  }
0x6c: {  	[sflag:s31] =	ssyncadd.s32 $0xFFFFF060  }
0x6d: {  	[tilespmem:s0], [sflag:$0x4] =	stream.indirect.gather [spmem:s3], $0x1, s24, s28, $0xb8;
	[tilespmem:$0xAB00] =	vst v63  }
0x6e: {  	_ =	swait.ge [sflag:s1], $0xFA0  }
.Ltmp0:
0x6f: {  	[sflag:s1] =	ssyncset.done $0x0;
	(pc) =	sbr.rel @p0 .LBB2_2-.Ltmp0, $4  }
0x70: {  	[sflag:s1] =	ssyncadd.s32 $0xFFFFF060  }
0x71: {  	[spmem:s2] =	stream.indirect.scatter.add.f32 [tilespmem:s0], [sflag:$0x4], $0x1, s25, s28, $0xb8;
	[tilespmem:$0xAB00] =	vst v63  }
0x72: {  	_ =	swait.ge [sflag:s1], $0xFA0  }
0x73: {  	s9 =	sadd.s32 $0x1F40, s9;
	s11 =	smov.u32 s12;
	[sflag:s1] =	ssyncset.done $0x0  }
0x74: {  	s11 =	sadd.s32 s10, s19;
	[sflag:s1] =	ssyncadd.s32 $0xFFFFF060  }
0x75: {  	[tilespmem:s24], [sflag:$0x2] =	stream.linear.gather [hbm4b:s11+s4], $0xFA0, $0x38;
	[tilespmem:$0xAB00] =	vst v63  }
0x76: {  	s11 =	sadd.s32 s10, s18  }
0x77: {  	[tilespmem:s25], [sflag:$0x2] =	stream.linear.gather [hbm4b:s11+s4], $0xFA0, $0x38;
	[tilespmem:$0xAB00] =	vst v63  }
0x78: {  	_ =	swait.ge [sflag:s26], $0xFA0  }
0x79: {  	[sflag:s26] =	ssyncset.done $0x0  }
0x7a: {  	[sflag:s26] =	ssyncadd.s32 $0xFFFFF060  }
0x7b: {  	_ =	swait.ge [sflag:s26], $0xFA0  }
0x7c: {  	[sflag:s26] =	ssyncset.done $0x0  }
0x7d: {  	[sflag:s26] =	ssyncadd.s32 $0xFFFFF060  }
0x7e: {  	[tilespmem:s29], [sflag:$0x3] =	stream.indirect.gather [spmem:s3], $0x1, s22, s28, $0xb8;
	[tilespmem:$0xAB00] =	vst v63  }
0x7f: {  	_ =	swait.ge [sflag:s30], $0xFA0  }
0x80: {  	[sflag:s30] =	ssyncset.done $0x0  }
0x81: {  	[sflag:s30] =	ssyncadd.s32 $0xFFFFF060  }
0x82: {  	[spmem:s2] =	stream.indirect.scatter.add.f32 [tilespmem:s29], [sflag:$0x3], $0x1, s23, s28, $0xb8;
	[tilespmem:$0xAB00] =	vst v63  }
0x83: {  	_ =	swait.ge [sflag:s30], $0xFA0  }
0x84: {  	s9 =	sshrl.u32 s9, $0x3;
	[sflag:s30] =	ssyncset.done $0x0  }
0x85: {  	s12 =	sadd.s32 s5, s9;
	[sflag:s30] =	ssyncadd.s32 $0xFFFFF060  }
0x86: {  	[tilespmem:s22], [sflag:$0x1] =	stream.linear.gather [hbm4b:s12+s4], $0xFA0, $0x38;
	[tilespmem:$0xAB00] =	vst v63  }
0x87: {  	s9 =	sadd.s32 s6, s9  }
0x88: {  	[tilespmem:s23], [sflag:$0x1] =	stream.linear.gather [hbm4b:s9+s4], $0xFA0, $0x38;
	[tilespmem:$0xAB00] =	vst v63  }
0x89: {  	_ =	swait.ge [sflag:s31], $0xFA0  }
0x8a: {  	[sflag:s31] =	ssyncset.done $0x0  }
0x8b: {  	[sflag:s31] =	ssyncadd.s32 $0xFFFFF060  }
0x8c: {  	_ =	swait.ge [sflag:s31], $0xFA0  }
0x8d: {  	[sflag:s31] =	ssyncset.done $0x0  }
0x8e: {  	[sflag:s31] =	ssyncadd.s32 $0xFFFFF060  }
0x8f: {  	[tilespmem:s0], [sflag:$0x4] =	stream.indirect.gather [spmem:s3], $0x1, s24, s28, $0xb8;
	[tilespmem:$0xAB00] =	vst v63  }
0x90: {  	_ =	swait.ge [sflag:s1], $0xFA0  }
0x91: {  	[sflag:s1] =	ssyncset.done $0x0  }
0x92: {  	[sflag:s1] =	ssyncadd.s32 $0xFFFFF060  }
0x93: {  	[spmem:s2] =	stream.indirect.scatter.add.f32 [tilespmem:s0], [sflag:$0x4], $0x1, s25, s28, $0xb8;
	[tilespmem:$0xAB00] =	vst v63  }
0x94: {  	_ =	swait.ge [sflag:s1], $0xFA0  }
0x95: {  	[sflag:s1] =	ssyncset.done $0x0  }
0x96: {  	[sflag:s1] =	ssyncadd.s32 $0xFFFFF060  }
0x97: {  	[tilespmem:s24], [sflag:$0x2] =	stream.linear.gather [hbm4b:s15+s4], $0xFA0, $0x38;
	[tilespmem:$0xAB00] =	vst v63  }
0x98: {  	_ = 	snop  }
0x99: {  	[tilespmem:s25], [sflag:$0x2] =	stream.linear.gather [hbm4b:s16+s4], $0xFA0, $0x38;
	[tilespmem:$0xAB00] =	vst v63  }
0x9a: {  	_ =	swait.ge [sflag:s26], $0xFA0  }
0x9b: {  	[sflag:s26] =	ssyncset.done $0x0  }
0x9c: {  	[sflag:s26] =	ssyncadd.s32 $0xFFFFF060  }
0x9d: {  	_ =	swait.ge [sflag:s26], $0xFA0  }
0x9e: {  	[sflag:s26] =	ssyncset.done $0x0  }
0x9f: {  	[sflag:s26] =	ssyncadd.s32 $0xFFFFF060  }
0xa0: {  	[tilespmem:s29], [sflag:$0x3] =	stream.indirect.gather [spmem:s3], $0x1, s22, s28, $0xb8;
	[tilespmem:$0xAB00] =	vst v63  }
0xa1: {  	_ =	swait.ge [sflag:s30], $0xFA0  }
0xa2: {  	[sflag:s30] =	ssyncset.done $0x0  }
0xa3: {  	[sflag:s30] =	ssyncadd.s32 $0xFFFFF060  }
0xa4: {  	[spmem:s2] =	stream.indirect.scatter.add.f32 [tilespmem:s29], [sflag:$0x3], $0x1, s23, s28, $0xb8;
	[tilespmem:$0xAB00] =	vst v63  }
0xa5: {  	_ =	swait.ge [sflag:s30], $0xFA0  }
0xa6: {  	[sflag:s30] =	ssyncset.done $0x0  }
0xa7: {  	[sflag:s30] =	ssyncadd.s32 $0xFFFFF060  }
0xa8: {  	_ =	swait.ge [sflag:s31], $0xFA0  }
0xa9: {  	[sflag:s31] =	ssyncset.done $0x0  }
0xaa: {  	[sflag:s31] =	ssyncadd.s32 $0xFFFFF060  }
0xab: {  	_ =	swait.ge [sflag:s31], $0xFA0  }
0xac: {  	[sflag:s31] =	ssyncset.done $0x0  }
0xad: {  	[sflag:s31] =	ssyncadd.s32 $0xFFFFF060  }
0xae: {  	[tilespmem:s0], [sflag:$0x4] =	stream.indirect.gather [spmem:s3], $0x1, s24, s28, $0xb8;
	[tilespmem:$0xAB00] =	vst v63  }
0xaf: {  	_ =	swait.ge [sflag:s1], $0xFA0  }
0xb0: {  	[sflag:s1] =	ssyncset.done $0x0  }
0xb1: {  	[sflag:s1] =	ssyncadd.s32 $0xFFFFF060  }
0xb2: {  	[spmem:s2] =	stream.indirect.scatter.add.f32 [tilespmem:s0], [sflag:$0x4], $0x1, s25, s28, $0xb8;
	[tilespmem:$0xAB00] =	vst v63  }
0xb3: {  	_ =	swait.ge [sflag:s1], $0xFA0  }
0xb4: {  	[sflag:s1] =	ssyncset.done $0x0  }
0xb5: {  	[sflag:s1] =	ssyncadd.s32 $0xFFFFF060  }
0xb6: {  	[bflag:$0x0] =	sbarrier.arrive $0xFFFF  }
0xb7: {  	[tilespmem:s20], [sflag:$0x5] =	stream.linear.gather [spmem:s8], $0x1900, $0x38;
	[tilespmem:$0xAB00] =	vst v63  }
0xb8: {  	_ =	swait.ge [sflag:s21], $0x1900  }
0xb9: {  	[sflag:s21] =	ssyncset.done $0x0  }
0xba: {  	s13 =	rddreg [dreg:$0xa];
	[sflag:s21] =	ssyncadd.s32 $0xFFFFE700  }
0xbb: {  	[hbm4b:s13+s4] =	stream.linear.scatter [tilespmem:s20], [sflag:$0x5], $0x1900, $0x38;
	[tilespmem:$0xAB00] =	vst v63  }
0xbc: {  	_ =	swait.ge [sflag:s21], $0x1900  }
0xbd: {  	s7 =	sadd.s32 $0x1, s7;
	s14 =	rddreg [dreg:$0xb]  }
0xbe: {  	p0 =	sne.s32 s7, s14  }
.Ltmp1:
0xbf: {  	_ = 	snop;
	(pc) =	sbr.rel @p0 .LBB2_1-.Ltmp1, $3  }
0xc0: {  	_ =	sdelay $0x1  }
0xc1: {  	[sflag:s21] =	ssyncset.done $0x0  }
0xc2: {  	[sflag:s21] =	ssyncadd.s32 $0xFFFFE700  }
0xc3: {  	_ =	sfence.sel $0x180000  }
0xc4: {  	[bflag:$0x0] =	sbarrier.arrive $0xFFFF  }
0xc5: {  	_ =	strace $0x9000004A  }
0xc6: {  	s0 =	stileid.u32;
	[bflag:$0x2] =	sbarrier.arrive $0xFFFF  }
0xc7: {  	p0 =	sne.s32 s0, $0x0;
	s0 =	rddreg [dreg:$0x4]  }
0xc8: {  	s0 =	sadd.s32 @!p0 $0x100000, s0  }
0xc9: {  	[sflag:s0] =	ssyncadd.tile.s32 @!p0 $0x1;
	_ =	shalt  }
.Lfunc_end2:
_tile_overlayer_lowered:
.L_overlay_start_2:
0xca: {  	(tag) =	ssettag $0x2  }
0xcb: {  	s0 =	rddreg [dreg:$0x0];
	s2 =	stileid.u32  }
0xcc: {  	s1 =	rddreg [dreg:$0x1];
	p0 =	sne.s32 s2, $0x0  }
0xcd: {  	s3 =	rddreg [dreg:$0x2];
	[bflag:$0x3] =	sbarrier.arrive $0xFFFF;
	s2 =	simm.s32 @!p0 $0x1C05  }
0xce: {  	[timem:s3], [sflag:s2] =	dma.local @!p0 [hbm:s0], s1  }
0xcf: {  	s0 =	simm.s32 @!p0 $0x5  }
0xd0: {  	_ =	swait.ge @!p0 [sflag:s0], s1  }
0xd1: {  	s1 =	ssub.s32 @!p0 $0x0, s1;
	[sflag:s0] =	ssyncset.done @!p0 $0x0  }
0xd2: {  	[sflag:s0] =	ssyncadd.s32 @!p0 s1  }
0xd3: {  	[bflag:$0x3] =	sbarrier.arrive $0xFFFF  }
0xd4: {  	_ =	shalt  }

// kernel: kernel.16.cloned.1.call-start
scs
__scs_entry_jumppad:
0x0: {  	(pc) =	sbr.rel $0x88, $3  }
0x1: {  	(tag) =	ssettag $0x0;
	lr =	simm.s32 $0x1  }
0x2: {  	[smem:$0x3F99] =	sst lr;
	_ =	strace $0xD0000000  }
0x3: {  	_ = 	snop  }
0x4: {  	_ = 	snop  }
0x5: {  	_ = 	snop  }
0x6: {  	_ = 	snop  }
0x7: {  	_ = 	snop  }
__scs_overlays_trampoline_lowered:
0x8: {  	[smem:$0x3FA8] =	sst s0  }
0x9: {  	[smem:$0x3FA9] =	sst s1  }
0xa: {  	[smem:$0x3FAA] =	sst s2  }
0xb: {  	[smem:$0x3FAB] =	sst s3  }
0xc: {  	[smem:$0x3FAC] =	sst s4  }
0xd: {  	[smem:$0x3FAD] =	sst s5  }
0xe: {  	[smem:$0x3FAE] =	sst s6  }
0xf: {  	[smem:$0x3FAF] =	sst s7  }
0x10: {  	[smem:$0x3FB0] =	sst s8  }
0x11: {  	[smem:$0x3FB1] =	sst s9;
	s0 =	simm.s32 @!p0 $0x0  }
0x12: {  	s1 =	sld [smem:$0x3F97];
	s0 =	simm.s32 @p0 $0x1  }
0x13: {  	[smem:$0x3FB2] =	sst s0;
	s0 =	simm.s32 @!p1 $0x0  }
0x14: {  	s2 =	sld [smem:$0x3F96];
	s0 =	simm.s32 @p1 $0x1  }
0x15: {  	[smem:$0x3FB3] =	sst s0;
	s0 =	simm.s32 @!p2 $0x0  }
0x16: {  	s3 =	sld [smem:$0x3FDB];
	s0 =	simm.s32 @p2 $0x1  }
0x17: {  	s4 =	simm.s32 $0x1BF5;
	[smem:$0x3FB5] =	sst s0  }
0x18: {  	s0 =	sld [smem:$0x3F98];
	_ =	swait.ge [sflag:s4], $0x0  }
0x19: {  	s7 =	sld [smem:$0x3F99]  }
0x1a: {  	s8 =	sadd.s32 $0xFFFFE003, lr  }
0x1b: {  	s9 =	sadd.s32 $0xFFFFFEF7, lr;
	s5 =	simm.s32 $0xFFFFFFFF;
	p2 =	slt.u32 s8, $0xFFFFF086  }
0x1c: {  	p1 =	slt.u32 s9, $0xF7A;
	s5 =	simm.s32 @!p2 $0x0  }
0x1d: {  	s5 =	simm.s32 @p1 $0x1;
	p0 =	seq.s32 s7, s2  }
0x1e: {  	s7 =	smul.u32 @!p0 $0xF7A, s2;
	p2 =	seq.s32 @!p0 s5, $0x0  }
0x1f: {  	s9 =	smul.u32 $0xF7A, s1;
	s8 =	simm.s32 @!p0 $0x1BF5;
	p2 =	por !p2, p0  }
0x20: {  	[sflag:s8] =	ssyncset.s32 @!p0 $0xFFFFF086;
	s6 =	sadd.s32 @!p0 s3, s7;
	s7 =	simm.s32 @!p0 $0x108  }
0x21: {  	s3 =	sadd.s32 s3, s9;
	s6 =	sadd.s32 @!p0 $0x88, s6;
	s7 =	simm.s32 @p2 $0x1082  }
0x22: {  	[simem:s7], [sflag:s8] =	dma.local @!p0 [hbm:s6], $0xF7A  }
0x23: {  	s9 =	sor.u32 $0xD0000000, s2;
	s6 =	simm.s32 $0x108;
	_ =	swait.ge @!p0 [sflag:s8], $0x0  }
0x24: {  	s3 =	sadd.s32 $0x88, s3;
	s6 =	simm.s32 @!p1 $0x1082;
	[sflag:s4] =	ssyncset.s32 $0xFFFFF086  }
0x25: {  	[simem:s6], [sflag:s4] =	dma.local [hbm:s3], $0xF7A  }
0x26: {  	[smem:$0x3F99] =	sst s1;
	(tag) =	ssettag s2;
	_ =	strace s9  }
0x27: {  	s1 =	sld [smem:$0x3FA9]  }
0x28: {  	s2 =	sld [smem:$0x3FAA]  }
0x29: {  	s4 =	sld [smem:$0x3FAC]  }
0x2a: {  	p0 =	seq.s32 s5, $0x0;
	s5 =	sld [smem:$0x3FAD]  }
0x2b: {  	s6 =	sld [smem:$0x3FAE]  }
0x2c: {  	s7 =	sld [smem:$0x3FAF]  }
0x2d: {  	s3 =	simm.s32 $0x108;
	s8 =	sld [smem:$0x3FB0]  }
0x2e: {  	s3 =	simm.s32 @!p0 $0x1082;
	s9 =	sld [smem:$0x3FB1]  }
0x2f: {  	lr =	sadd.s32 s0, s3;
	s0 =	sld [smem:$0x3FA8]  }
0x30: {  	s3 =	sld [smem:$0x3FAB]  }
0x31: {  	[smem:$0x3FB4] =	sst s10  }
0x32: {  	s10 =	sld [smem:$0x3FB2];
	_ =	sdelay $0x3  }
0x33: {  	p0 =	seq.s32 s10, $0x1;
	s10 =	sld [smem:$0x3FB4];
	_ =	sdelay $0x3  }
0x34: {  	[smem:$0x3FB4] =	sst s10  }
0x35: {  	s10 =	sld [smem:$0x3FB3];
	_ =	sdelay $0x3  }
0x36: {  	p1 =	seq.s32 s10, $0x1;
	s10 =	sld [smem:$0x3FB4];
	_ =	sdelay $0x3  }
0x37: {  	[smem:$0x3FB4] =	sst s10  }
0x38: {  	s10 =	sld [smem:$0x3FB5]  }
0x39: {  	_ = 	snop;
	(pc) =	sbr.ind lr, $3  }
0x3a: {  	_ = 	snop  }
0x3b: {  	_ = 	snop  }
0x3c: {  	p2 =	seq.s32 s10, $0x1;
	s10 =	sld [smem:$0x3FB4]  }
0x3d: {  	_ =	shalt  }
0x3e: {  	_ =	shalt  }
0x3f: {  	_ =	shalt  }
0x40: {  	_ =	shalt  }
0x41: {  	_ =	shalt  }
0x42: {  	_ =	shalt  }
0x43: {  	_ =	shalt  }
0x44: {  	_ =	shalt  }
0x45: {  	_ =	shalt  }
0x46: {  	_ =	shalt  }
0x47: {  	_ =	shalt  }
0x48: {  	_ =	shalt  }
0x49: {  	_ =	shalt  }
0x4a: {  	_ =	shalt  }
0x4b: {  	_ =	shalt  }
0x4c: {  	_ =	shalt  }
0x4d: {  	_ =	shalt  }
0x4e: {  	_ =	shalt  }
0x4f: {  	_ =	shalt  }
0x50: {  	_ =	shalt  }
0x51: {  	_ =	shalt  }
0x52: {  	_ =	shalt  }
0x53: {  	_ =	shalt  }
0x54: {  	_ =	shalt  }
0x55: {  	_ =	shalt  }
0x56: {  	_ =	shalt  }
0x57: {  	_ =	shalt  }
0x58: {  	_ =	shalt  }
0x59: {  	_ =	shalt  }
0x5a: {  	_ =	shalt  }
0x5b: {  	_ =	shalt  }
0x5c: {  	_ =	shalt  }
0x5d: {  	_ =	shalt  }
0x5e: {  	_ =	shalt  }
0x5f: {  	_ =	shalt  }
0x60: {  	_ =	shalt  }
0x61: {  	_ =	shalt  }
0x62: {  	_ =	shalt  }
0x63: {  	_ =	shalt  }
0x64: {  	_ =	shalt  }
0x65: {  	_ =	shalt  }
0x66: {  	_ =	shalt  }
0x67: {  	_ =	shalt  }
0x68: {  	_ =	shalt  }
0x69: {  	_ =	shalt  }
0x6a: {  	_ =	shalt  }
0x6b: {  	_ =	shalt  }
0x6c: {  	_ =	shalt  }
0x6d: {  	_ =	shalt  }
0x6e: {  	_ =	shalt  }
0x6f: {  	_ =	shalt  }
0x70: {  	_ =	shalt  }
0x71: {  	_ =	shalt  }
0x72: {  	_ =	shalt  }
0x73: {  	_ =	shalt  }
0x74: {  	_ =	shalt  }
0x75: {  	_ =	shalt  }
0x76: {  	_ =	shalt  }
0x77: {  	_ =	shalt  }
0x78: {  	_ =	shalt  }
0x79: {  	_ =	shalt  }
0x7a: {  	_ =	shalt  }
0x7b: {  	_ =	shalt  }
0x7c: {  	_ =	shalt  }
0x7d: {  	_ =	shalt  }
0x7e: {  	_ =	shalt  }
0x7f: {  	_ =	shalt  }
0x80: {  	_ =	shalt  }
0x81: {  	_ =	shalt  }
0x82: {  	_ =	shalt  }
0x83: {  	_ =	shalt  }
0x84: {  	_ =	shalt  }
0x85: {  	_ =	shalt  }
0x86: {  	_ =	shalt  }
0x87: {  	_ =	shalt  }
.Lfunc_end0:
.L_simem_size_0:
called_computation.2_lowered:
.L_overlay_start_0:
0x88: {  	s2 =	sld [smem:$0x3FD9]  }
0x89: {  	s3 =	sld [smem:$0x3FFE];
	_ =	sdelay $0x1  }
0x8a: {  	s1 =	srdreg.scid  }
0x8b: {  	s0 =	sand.u32 $0x1, s1  }
0x8c: {  	s17 =	sshll.u32 s0, $0xA;
	s2 =	sadd.s32 s3, s2  }
0x8d: {  	s2 =	sadd.s32 s2, s17  }
0x8e: {  	[smem:$0x3FC0] =	sst s2  }
0x8f: {  	_ = 	snop  }
0x90: {  	s2 =	sld [smem:$0x3FD0];
	(tm) =	ssettm $0x1  }
0x91: {  	s18 =	sld [smem:$0x3FFB];
	_ =	sdelay $0x3  }
0x92: {  	_ =	strace s18  }
0x93: {  	s3 =	sld [smem:$0x3FFC];
	_ =	sdelay $0x3  }
0x94: {  	_ =	strace s3  }
0x95: {  	s3 =	sld [smem:$0x3FFD];
	_ =	sdelay $0x3  }
0x96: {  	_ =	strace s3  }
0x97: {  	_ =	strace $0x8FFFFFFF  }
0x98: {  	s19 =	sld [smem:$0x3FDB];
	_ =	sdelay $0x1  }
0x99: {  	s4 =	simm.s32 $_scs_section_size  }
0x9a: {  	s5 =	simm.s32 $_size__tile_overlayer_lowered;
	s6 =	simm.s32 $_tile_overlayer_lowered  }
0x9b: {  	s22 =	simm.s32 $0x1BFF;
	s21 =	sshll.u32 s6, $0x1;
	s3 =	sadd.s32 s4, s19  }
0x9c: {  	s7 =	simm.s32 $0x0;
	s20 =	sshll.u32 s5, $0x1;
	s5 =	sadd.s32 s21, s3  }
0x9d: {  	[timem:s7], [sflag:s22] =	dma.local [hbm:s5], s20  }
0x9e: {  	_ =	swait.ge [sflag:s22], s20  }
0x9f: {  	s4 =	ssub.s32 $0x0, s20;
	[sflag:s22] =	ssyncset.done $0x0  }
0xa0: {  	[sflag:s22] =	ssyncadd.s32 s4;
	_ =	sdelay $0x1  }
0xa1: {  	s23 =	simm.s32 $0x1B8B  }
0xa2: {  	_ =	swait.ge [sflag:s23], $0x1  }
0xa3: {  	[sflag:s23] =	ssyncset.done $0x0  }
0xa4: {  	s25 =	simm.s32 $0x1B8E;
	s24 =	sld [smem:$0x3FFE];
	[sflag:s23] =	ssyncadd.s32 $0xFFFFFFFF  }
0xa5: {  	s26 =	simm.s32 $execute0_lowered;
	[smem:$0x3FD2] =	sst s25  }
0xa6: {  	s5 =	sshll.u32 s26, $0x1;
	_ =	strace $0x8000004C;
	[dreg:$0x1] =	wrdreg $0xFFFFFFFF  }
0xa7: {  	s28 =	simm.s32 $_size_execute0_lowered;
	s3 =	sadd.s32 s3, s5;
	[dreg:$0x0] =	wrdreg $0x0  }
0xa8: {  	s5 =	sshll.u32 s28, $0x1;
	[dreg:$0x2] =	wrdreg s3  }
0xa9: {  	[dreg:$0x3] =	wrdreg s5  }
0xaa: {  	[dreg:$0x4] =	wrdreg $0xC0  }
0xab: {  	_ =	task [dreg:s7], $0x5FFFF  }
0xac: {  	[dreg:$0x1] =	wrdreg $0xFFFFFFFF  }
0xad: {  	[dreg:$0x0] =	wrdreg $0x60  }
0xae: {  	[dreg:$0x2] =	wrdreg s24  }
0xaf: {  	[dreg:$0x3] =	wrdreg s2  }
0xb0: {  	[dreg:$0x4] =	wrdreg $0x4B000  }
0xb1: {  	[dreg:$0x5] =	wrdreg $0x64000  }
0xb2: {  	[dreg:$0x6] =	wrdreg $0x7D000  }
0xb3: {  	[dreg:$0x7] =	wrdreg $0x0  }
0xb4: {  	[dreg:$0x8] =	wrdreg $0x19000  }
0xb5: {  	[dreg:$0x9] =	wrdreg $0x32000  }
0xb6: {  	[dreg:$0xa] =	wrdreg $0x9  }
0xb7: {  	_ =	task.clear_ibuf [dreg:s7], $0xBFFFF;
	_ =	strace $0x9000004C  }
0xb8: {  	s29 =	simm.s32 $0x9;
	_ =	strace $0x8000004E  }
0xb9: {  	_ =	swait.ge [sflag:s29], $0x1  }
0xba: {  	[sflag:s29] =	ssyncadd.s32 $0xFFFFFFFF  }
0xbb: {  	_ =	strace $0x9000004E  }
0xbc: {  	_ =	sfence  }
0xbd: {  	s30 =	sld [smem:$0x0];
	_ =	sdelay $0x2  }
0xbe: {  	s31 =	sshll.u32 s1, $0xD;
	s1 =	sshrl.u32 s1, $0x2  }
0xbf: {  	s3 =	sand.u32 $0x4000, s31;
	s1 =	sadd.s32 s1, s30  }
0xc0: {  	s0 =	sor.u32 s3, s0;
	s1 =	sshll.u32 s1, $0x11  }
0xc1: {  	s0 =	sor.u32 s1, s0  }
0xc2: {  	s0 =	sadd.s32 $0x8F2B, s0  }
0xc3: {  	[sflag:s0] =	ssyncadd.remote.s32 $0x1  }
0xc4: {  	_ =	sfence.sel $0xFFFF  }
0xc5: {  	[dreg:$0x0] =	wrdreg $0xFFFFFFFF;
	(pc) =	sbr.abs _section_cstart, $3  }
0xc6: {  	[dreg:$0x1] =	wrdreg $0xFFFFFFFF  }
0xc7: {  	_ =	task.clear_ibuf [dreg:s7], $0x2FFFF;
	_ =	strace $0x9FFFFFFF  }
0xc8: {  	(tm) =	ssettm $0x7FFFFFFF  }
0xc9: {  	_ =	shalt  }
tec
execute0_lowered:
.L_overlay_start_1:
0x0: {  	(tag) =	ssettag $0x1  }
0x1: {  	s0 =	rddreg [dreg:$0x0]  }
0x2: {  	s4 =	rddreg [dreg:$0x1]  }
0x3: {  	s1 =	rddreg [dreg:$0x2]  }
0x4: {  	s2 =	rddreg [dreg:$0x3]  }
0x5: {  	s3 =	rddreg [dreg:$0x4]  }
0x6: {  	s5 =	rddreg [dreg:$0x5]  }
0x7: {  	s6 =	rddreg [dreg:$0x6]  }
0x8: {  	s7 =	rddreg [dreg:$0x7];
	s19 =	stileid.u32;
	s8 =	simm.s32 $0x0  }
0x9: {  	s9 =	srdreg.scid;
	s31 =	simm.s32 $0x9600;
	s30 =	simm.s32 $0x0  }
0xa: {  	s11 =	smul.u32 $0x1900, s19;
	[smem:$0x7FF] =	sst s8;
	s12 =	sand.u32 $0x1, s9  }
0xb: {  	s9 =	sadd.s32 $0x2E00, s0;
	s10 =	sadd.s32 $0xC6400, s0;
	s16 =	smul.u32 $0x61A80, s19  }
0xc: {  	s19 =	sshll.u32 s19, $0x1;
	_ =	strace $0x8000004D;
	s15 =	ssub.s32 $0x2, s12  }
0xd: {  	s13 =	smul.u32 $0x19000, s12;
	s18 =	sshrl.u32 s11, $0x3;
	s17 =	sshrl.u32 s15, $0x1  }
0xe: {  	s26 =	sadd.s32 s11, s1;
	s28 =	sadd.s32 s11, s2;
	s23 =	sadd.s32 s11, s5  }
0xf: {  	s29 =	sadd.s32 s11, s3;
	s14 =	sadd.s32 s18, s0;
	[dreg:$0x10] =	wrdreg s23  }
0x10: {  	s13 =	sadd.s32 s11, s13;
	s18 =	smul.u32 $0x30D40, s12;
	[dreg:$0xc] =	wrdreg s26  }
0x11: {  	s15 =	ssub.s32 s15, s17;
	s12 =	sor.u32 s12, s19;
	[dreg:$0xd] =	wrdreg s28  }
0x12: {  	[dreg:$0xe] =	wrdreg s29;
	s13 =	sshrl.u32 s13, $0x3;
	s20 =	sadd.s32 $0x189A00, s14  }
0x13: {  	s22 =	sadd.s32 $0x193000, s14;
	s12 =	smul.u32 $0x30D40, s12;
	s19 =	sadd.s32 $0x18CC00, s14  }
0x14: {  	s0 =	sadd.s32 s13, s0;
	[dreg:$0xb] =	wrdreg s20;
	s16 =	sadd.s32 s18, s16  }
0x15: {  	[dreg:$0xf] =	wrdreg s22;
	s4 =	sadd.s32 s4, s13;
	s18 =	sadd.s32 s11, s6  }
0x16: {  	[dreg:$0x14] =	wrdreg s19;
	s20 =	sadd.s32 s11, s7;
	s13 =	simm.s32 $0x13600  }
0x17: {  	s11 =	simm.s32 $0xC600;
	s19 =	simm.s32 $0xF600;
	[dreg:$0x11] =	wrdreg s4  }
0x18: {  	s21 =	sadd.s32 $0xFA0, s16;
	[dreg:$0x13] =	wrdreg s18;
	s23 =	sadd.s32 $0x196200, s0  }
0x19: {  	[dreg:$0x15] =	wrdreg s20;
	s0 =	sadd.s32 $0x19C600, s0;
	s18 =	simm.s32 $0xE600  }
0x1a: {  	s20 =	simm.s32 $0x3;
	s17 =	sshrl.u32 s21, $0x3;
	[dreg:$0x18] =	wrdreg s23  }
0x1b: {  	s21 =	sshrl.u32 s12, $0x3;
	[dreg:$0x19] =	wrdreg s0;
	s24 =	sadd.s32 s17, s10  }
0x1c: {  	s25 =	sadd.s32 s17, s9;
	s17 =	sadd.s32 $0x18FE00, s14;
	[dreg:$0x9] =	wrdreg s24  }
0x1d: {  	s0 =	simm.s32 $0xB600;
	s23 =	simm.s32 $0x11600;
	[dreg:$0x12] =	wrdreg s17  }
0x1e: {  	s22 =	sadd.s32 s9, s21;
	s4 =	sadd.s32 s10, s21;
	[dreg:$0xa] =	wrdreg s25  }
0x1f: {  	s14 =	simm.s32 $0x5;
	s21 =	simm.s32 $0x2;
	[dreg:$0x16] =	wrdreg s22  }
0x20: {  	[dreg:$0x17] =	wrdreg s4;
	s24 =	smax.u32 s15, $0x1;
	s25 =	sadd.s32 $0x1F40, s16  }
0x21: {  	s4 =	simm.s32 $0xA600;
	s15 =	simm.s32 $0x1;
	s16 =	simm.s32 $0xFA0  }
0x22: {  	s17 =	simm.s32 $0xD600;
	s22 =	simm.s32 $0x10600;
	[dreg:$0x1a] =	wrdreg s24  }
0x23: {  	[dreg:$0x1b] =	wrdreg s25;
	s24 =	simm.s32 $0x12600;
	s25 =	simm.s32 $0x4  }
.LBB2_1:
0x24: {  	[dreg:$0x1c] =	wrdreg s30  }
0x25: {  	s12 =	rddreg [dreg:$0xb]  }
0x26: {  	[tilespmem:s13], [sflag:$0x5] =	stream.linear.gather [hbm4b:s12+s8], $0x1900, $0x38;
	[tilespmem:$0x14F00] =	vst v63  }
0x27: {  	_ =	swait.ge [sflag:s14], $0x1900  }
0x28: {  	[sflag:s14] =	ssyncset.done $0x0  }
0x29: {  	[sflag:s14] =	ssyncadd.s32 $0xFFFFE700  }
0x2a: {  	[spmem:s26] =	stream.linear.scatter [tilespmem:s13], [sflag:$0x5], $0x1900, $0x38;
	[tilespmem:$0x14F00] =	vst v63  }
0x2b: {  	_ =	swait.ge [sflag:s14], $0x1900  }
0x2c: {  	[sflag:s14] =	ssyncset.done $0x0  }
0x2d: {  	[sflag:s14] =	ssyncadd.s32 $0xFFFFE700  }
0x2e: {  	[spmem:s28] =	stream.linear.scatter [tilespmem:s13], [sflag:$0x5], $0x1900, $0x38;
	[tilespmem:$0x14F00] =	vst v63  }
0x2f: {  	_ =	swait.ge [sflag:s14], $0x1900  }
0x30: {  	[sflag:s14] =	ssyncset.done $0x0  }
0x31: {  	[sflag:s14] =	ssyncadd.s32 $0xFFFFE700  }
0x32: {  	[spmem:s29] =	stream.linear.scatter [tilespmem:s13], [sflag:$0x5], $0x1900, $0x38;
	[tilespmem:$0x14F00] =	vst v63  }
0x33: {  	_ =	swait.ge [sflag:s14], $0x1900  }
0x34: {  	[sflag:s14] =	ssyncset.done $0x0  }
0x35: {  	s26 =	rddreg [dreg:$0xf];
	[sflag:s14] =	ssyncadd.s32 $0xFFFFE700  }
0x36: {  	[tilespmem:s13], [sflag:$0x5] =	stream.linear.gather [hbm4b:s26+s8], $0x1900, $0x38;
	[tilespmem:$0x14F00] =	vst v63  }
0x37: {  	_ =	swait.ge [sflag:s14], $0x1900  }
0x38: {  	[sflag:s14] =	ssyncset.done $0x0  }
0x39: {  	s29 =	rddreg [dreg:$0x10];
	[sflag:s14] =	ssyncadd.s32 $0xFFFFE700  }
0x3a: {  	[spmem:s29] =	stream.linear.scatter [tilespmem:s13], [sflag:$0x5], $0x1900, $0x38;
	[tilespmem:$0x14F00] =	vst v63  }
0x3b: {  	_ =	swait.ge [sflag:s14], $0x1900  }
0x3c: {  	[sflag:s14] =	ssyncset.done $0x0  }
0x3d: {  	s30 =	rddreg [dreg:$0x12];
	[sflag:s14] =	ssyncadd.s32 $0xFFFFE700  }
0x3e: {  	[tilespmem:s13], [sflag:$0x5] =	stream.linear.gather [hbm4b:s30+s8], $0x1900, $0x38;
	[tilespmem:$0x14F00] =	vst v63  }
0x3f: {  	_ =	swait.ge [sflag:s14], $0x1900  }
0x40: {  	[sflag:s14] =	ssyncset.done $0x0  }
0x41: {  	s26 =	rddreg [dreg:$0x13];
	[sflag:s14] =	ssyncadd.s32 $0xFFFFE700  }
0x42: {  	[spmem:s26] =	stream.linear.scatter [tilespmem:s13], [sflag:$0x5], $0x1900, $0x38;
	[tilespmem:$0x14F00] =	vst v63  }
0x43: {  	_ =	swait.ge [sflag:s14], $0x1900  }
0x44: {  	[sflag:s14] =	ssyncset.done $0x0  }
0x45: {  	s29 =	rddreg [dreg:$0x14];
	[sflag:s14] =	ssyncadd.s32 $0xFFFFE700  }
0x46: {  	[tilespmem:s13], [sflag:$0x5] =	stream.linear.gather [hbm4b:s29+s8], $0x1900, $0x38;
	[tilespmem:$0x14F00] =	vst v63  }
0x47: {  	_ =	swait.ge [sflag:s14], $0x1900  }
0x48: {  	[sflag:s14] =	ssyncset.done $0x0  }
0x49: {  	s30 =	rddreg [dreg:$0x15];
	[sflag:s14] =	ssyncadd.s32 $0xFFFFE700  }
0x4a: {  	[spmem:s30] =	stream.linear.scatter [tilespmem:s13], [sflag:$0x5], $0x1900, $0x38;
	[tilespmem:$0x14F00] =	vst v63  }
0x4b: {  	_ =	swait.ge [sflag:s14], $0x1900  }
0x4c: {  	[sflag:s14] =	ssyncset.done $0x0  }
0x4d: {  	[sflag:s14] =	ssyncadd.s32 $0xFFFFE700  }
0x4e: {  	[bflag:$0x0] =	sbarrier.arrive $0xFFFF  }
0x4f: {  	s13 =	rddreg [dreg:$0x16]  }
0x50: {  	s14 =	rddreg [dreg:$0xa]  }
0x51: {  	[tilespmem:s31], [sflag:$0x1] =	stream.linear.gather [hbm4b:s13+s8], $0xFA0, $0x38;
	[tilespmem:$0x14F00] =	vst v63  }
0x52: {  	s26 =	rddreg [dreg:$0x17]  }
0x53: {  	[tilespmem:s0], [sflag:$0x1] =	stream.linear.gather [hbm4b:s26+s8], $0xFA0, $0x38;
	[tilespmem:$0x14F00] =	vst v63  }
0x54: {  	s29 =	rddreg [dreg:$0x9];
	s12 =	sadd.s32 $0x0, s14  }
0x55: {  	[tilespmem:s4], [sflag:$0x2] =	stream.linear.gather [hbm4b:s12+s8], $0xFA0, $0x38;
	[tilespmem:$0x14F00] =	vst v63  }
0x56: {  	s30 =	sadd.s32 $0x0, s29  }
0x57: {  	[tilespmem:s11], [sflag:$0x2] =	stream.linear.gather [hbm4b:s30+s8], $0xFA0, $0x38;
	[tilespmem:$0x14F00] =	vst v63  }
0x58: {  	_ =	swait.ge [sflag:s15], $0xFA0  }
0x59: {  	[sflag:s15] =	ssyncset.done $0x0  }
0x5a: {  	[sflag:s15] =	ssyncadd.s32 $0xFFFFF060  }
0x5b: {  	_ =	swait.ge [sflag:s15], $0xFA0  }
0x5c: {  	[sflag:s15] =	ssyncset.done $0x0  }
0x5d: {  	[sflag:s15] =	ssyncadd.s32 $0xFFFFF060  }
0x5e: {  	[tilespmem:s17], [sflag:$0x3] =	stream.indirect.gather [spmem:s5], $0x1, s31, s16, $0xb8;
	[tilespmem:$0x14F00] =	vst v63  }
0x5f: {  	_ = 	snop  }
0x60: {  	[tilespmem:s18], [sflag:$0x3] =	stream.indirect.gather [spmem:s6], $0x1, s31, s16, $0xb8;
	[tilespmem:$0x14F00] =	vst v63  }
0x61: {  	_ = 	snop  }
0x62: {  	[tilespmem:s19], [sflag:$0x3] =	stream.indirect.gather [spmem:s7], $0x1, s31, s16, $0xb8;
	[tilespmem:$0x14F00] =	vst v63  }
0x63: {  	_ =	swait.ge [sflag:s20], $0xFA0  }
0x64: {  	[sflag:s20] =	ssyncset.done $0x0  }
0x65: {  	[sflag:s20] =	ssyncadd.s32 $0xFFFFF060  }
0x66: {  	_ =	swait.ge [sflag:s20], $0xFA0  }
0x67: {  	[sflag:s20] =	ssyncset.done $0x0  }
0x68: {  	[sflag:s20] =	ssyncadd.s32 $0xFFFFF060  }
0x69: {  	_ =	swait.ge [sflag:s20], $0xFA0  }
0x6a: {  	[sflag:s20] =	ssyncset.done $0x0  }
0x6b: {  	[sflag:s20] =	ssyncadd.s32 $0xFFFFF060  }
0x6c: {  	[spmem:s1] =	stream.indirect.scatter.add.f32 [tilespmem:s17], [sflag:$0x3], $0x1, s0, s16, $0xb8;
	[tilespmem:$0x14F00] =	vst v63  }
0x6d: {  	_ = 	snop  }
0x6e: {  	[spmem:s2] =	stream.indirect.scatter.add.f32 [tilespmem:s18], [sflag:$0x3], $0x1, s0, s16, $0xb8;
	[tilespmem:$0x14F00] =	vst v63  }
0x6f: {  	_ = 	snop  }
0x70: {  	[spmem:s3] =	stream.indirect.scatter.add.f32 [tilespmem:s19], [sflag:$0x3], $0x1, s0, s16, $0xb8;
	[tilespmem:$0x14F00] =	vst v63  }
0x71: {  	_ =	swait.ge [sflag:s20], $0xFA0  }
0x72: {  	[sflag:s20] =	ssyncset.done $0x0  }
0x73: {  	[sflag:s20] =	ssyncadd.s32 $0xFFFFF060  }
0x74: {  	_ =	swait.ge [sflag:s20], $0xFA0  }
0x75: {  	[sflag:s20] =	ssyncset.done $0x0  }
0x76: {  	[sflag:s20] =	ssyncadd.s32 $0xFFFFF060  }
0x77: {  	_ =	swait.ge [sflag:s20], $0xFA0  }
0x78: {  	p0 =	por $0x0, $0x0;
	s28 =	rddreg [dreg:$0x1b]  }
0x79: {  	s13 =	simm.s32 @!p0 $0x9600;
	[sflag:s20] =	ssyncset.done $0x0;
	s12 =	sshrl.u32 @!p0 s28, $0x3  }
0x7a: {  	s26 =	simm.s32 @!p0 $0x0;
	[sflag:s20] =	ssyncadd.s32 $0xFFFFF060;
	s14 =	sadd.s32 @!p0 s9, s12  }
0x7b: {  	[tilespmem:s13], [sflag:$0x1] =	stream.linear.gather @!p0 [hbm4b:s14+s26], $0xFA0, $0x38;
	[tilespmem:$0x14F00] =	vst v63  }
0x7c: {  	s12 =	sadd.s32 @!p0 s10, s12;
	s13 =	simm.s32 @!p0 $0xB600  }
0x7d: {  	[tilespmem:s13], [sflag:$0x1] =	stream.linear.gather @!p0 [hbm4b:s12+s26], $0xFA0, $0x38;
	[tilespmem:$0x14F00] =	vst v63  }
0x7e: {  	_ =	swait.ge [sflag:s21], $0xFA0  }
0x7f: {  	[sflag:s21] =	ssyncset.done $0x0  }
0x80: {  	[sflag:s21] =	ssyncadd.s32 $0xFFFFF060  }
0x81: {  	_ =	swait.ge [sflag:s21], $0xFA0  }
0x82: {  	[sflag:s21] =	ssyncset.done $0x0  }
0x83: {  	[sflag:s21] =	ssyncadd.s32 $0xFFFFF060  }
0x84: {  	[tilespmem:s22], [sflag:$0x4] =	stream.indirect.gather [spmem:s5], $0x1, s4, s16, $0xb8;
	[tilespmem:$0x14F00] =	vst v63  }
0x85: {  	_ = 	snop  }
0x86: {  	[tilespmem:s23], [sflag:$0x4] =	stream.indirect.gather [spmem:s6], $0x1, s4, s16, $0xb8;
	[tilespmem:$0x14F00] =	vst v63  }
0x87: {  	_ = 	snop  }
0x88: {  	[tilespmem:s24], [sflag:$0x4] =	stream.indirect.gather [spmem:s7], $0x1, s4, s16, $0xb8;
	[tilespmem:$0x14F00] =	vst v63  }
0x89: {  	_ =	swait.ge [sflag:s25], $0xFA0  }
0x8a: {  	[sflag:s25] =	ssyncset.done $0x0  }
0x8b: {  	[sflag:s25] =	ssyncadd.s32 $0xFFFFF060  }
0x8c: {  	_ =	swait.ge [sflag:s25], $0xFA0  }
0x8d: {  	[sflag:s25] =	ssyncset.done $0x0  }
0x8e: {  	[sflag:s25] =	ssyncadd.s32 $0xFFFFF060  }
0x8f: {  	_ =	swait.ge [sflag:s25], $0xFA0  }
0x90: {  	[sflag:s25] =	ssyncset.done $0x0  }
0x91: {  	[sflag:s25] =	ssyncadd.s32 $0xFFFFF060  }
0x92: {  	[spmem:s1] =	stream.indirect.scatter.add.f32 [tilespmem:s22], [sflag:$0x4], $0x1, s11, s16, $0xb8;
	[tilespmem:$0x14F00] =	vst v63  }
0x93: {  	_ = 	snop  }
0x94: {  	[spmem:s2] =	stream.indirect.scatter.add.f32 [tilespmem:s23], [sflag:$0x4], $0x1, s11, s16, $0xb8;
	[tilespmem:$0x14F00] =	vst v63  }
0x95: {  	_ = 	snop  }
0x96: {  	[spmem:s3] =	stream.indirect.scatter.add.f32 [tilespmem:s24], [sflag:$0x4], $0x1, s11, s16, $0xb8;
	[tilespmem:$0x14F00] =	vst v63  }
0x97: {  	_ =	swait.ge [sflag:s25], $0xFA0  }
0x98: {  	[sflag:s25] =	ssyncset.done $0x0  }
0x99: {  	[sflag:s25] =	ssyncadd.s32 $0xFFFFF060  }
0x9a: {  	_ =	swait.ge [sflag:s25], $0xFA0  }
0x9b: {  	[sflag:s25] =	ssyncset.done $0x0  }
0x9c: {  	[sflag:s25] =	ssyncadd.s32 $0xFFFFF060  }
0x9d: {  	s14 =	simm.s32 $0x7D0;
	_ =	swait.ge [sflag:s25], $0xFA0  }
0x9e: {  	s12 =	simm.s32 $0x3E8;
	s26 =	rddreg [dreg:$0xa];
	[sflag:s25] =	ssyncset.done $0x0  }
.LBB2_2:
0x9f: {  	[sflag:s25] =	ssyncadd.s32 $0xFFFFF060;
	s29 =	rddreg [dreg:$0x9];
	s26 =	sadd.s32 s12, s26  }
0xa0: {  	[tilespmem:s4], [sflag:$0x2] =	stream.linear.gather [hbm4b:s26+s8], $0xFA0, $0x38;
	[tilespmem:$0x14F00] =	vst v63  }
0xa1: {  	s30 =	sadd.s32 s12, s29  }
0xa2: {  	[tilespmem:s11], [sflag:$0x2] =	stream.linear.gather [hbm4b:s30+s8], $0xFA0, $0x38;
	[tilespmem:$0x14F00] =	vst v63  }
0xa3: {  	_ =	swait.ge [sflag:s15], $0xFA0  }
0xa4: {  	[sflag:s15] =	ssyncset.done $0x0  }
0xa5: {  	[sflag:s15] =	ssyncadd.s32 $0xFFFFF060  }
0xa6: {  	_ =	swait.ge [sflag:s15], $0xFA0  }
0xa7: {  	[sflag:s15] =	ssyncset.done $0x0  }
0xa8: {  	[sflag:s15] =	ssyncadd.s32 $0xFFFFF060  }
0xa9: {  	[tilespmem:s17], [sflag:$0x3] =	stream.indirect.gather [spmem:s5], $0x1, s31, s16, $0xb8;
	[tilespmem:$0x14F00] =	vst v63  }
0xaa: {  	_ = 	snop  }
0xab: {  	[tilespmem:s18], [sflag:$0x3] =	stream.indirect.gather [spmem:s6], $0x1, s31, s16, $0xb8;
	[tilespmem:$0x14F00] =	vst v63  }
0xac: {  	_ = 	snop  }
0xad: {  	[tilespmem:s19], [sflag:$0x3] =	stream.indirect.gather [spmem:s7], $0x1, s31, s16, $0xb8;
	[tilespmem:$0x14F00] =	vst v63  }
0xae: {  	_ =	swait.ge [sflag:s20], $0xFA0  }
0xaf: {  	[sflag:s20] =	ssyncset.done $0x0  }
0xb0: {  	[sflag:s20] =	ssyncadd.s32 $0xFFFFF060  }
0xb1: {  	_ =	swait.ge [sflag:s20], $0xFA0  }
0xb2: {  	[sflag:s20] =	ssyncset.done $0x0  }
0xb3: {  	[sflag:s20] =	ssyncadd.s32 $0xFFFFF060  }
0xb4: {  	_ =	swait.ge [sflag:s20], $0xFA0  }
0xb5: {  	[sflag:s20] =	ssyncset.done $0x0  }
0xb6: {  	[sflag:s20] =	ssyncadd.s32 $0xFFFFF060  }
0xb7: {  	[spmem:s1] =	stream.indirect.scatter.add.f32 [tilespmem:s17], [sflag:$0x3], $0x1, s0, s16, $0xb8;
	[tilespmem:$0x14F00] =	vst v63  }
0xb8: {  	_ = 	snop  }
0xb9: {  	[spmem:s2] =	stream.indirect.scatter.add.f32 [tilespmem:s18], [sflag:$0x3], $0x1, s0, s16, $0xb8;
	[tilespmem:$0x14F00] =	vst v63  }
0xba: {  	_ = 	snop  }
0xbb: {  	[spmem:s3] =	stream.indirect.scatter.add.f32 [tilespmem:s19], [sflag:$0x3], $0x1, s0, s16, $0xb8;
	[tilespmem:$0x14F00] =	vst v63  }
0xbc: {  	_ =	swait.ge [sflag:s20], $0xFA0  }
0xbd: {  	[sflag:s20] =	ssyncset.done $0x0  }
0xbe: {  	[sflag:s20] =	ssyncadd.s32 $0xFFFFF060  }
0xbf: {  	_ =	swait.ge [sflag:s20], $0xFA0  }
0xc0: {  	[sflag:s20] =	ssyncset.done $0x0  }
0xc1: {  	s28 =	sadd.s32 $0x1F40, s28;
	s13 =	smov.u32 s14;
	[sflag:s20] =	ssyncadd.s32 $0xFFFFF060  }
0xc2: {  	p1 =	seq.s32 s12, $0x5DC0;
	s12 =	smov.u32 s13;
	_ =	swait.ge [sflag:s20], $0xFA0  }
0xc3: {  	s13 =	sshrl.u32 @!p1 s28, $0x3;
	s26 =	simm.s32 @!p1 $0x9600;
	[sflag:s20] =	ssyncset.done $0x0  }
0xc4: {  	s29 =	sadd.s32 @!p1 s9, s13;
	s30 =	simm.s32 @!p1 $0x0;
	[sflag:s20] =	ssyncadd.s32 $0xFFFFF060  }
0xc5: {  	[tilespmem:s26], [sflag:$0x1] =	stream.linear.gather @!p1 [hbm4b:s29+s30], $0xFA0, $0x38;
	[tilespmem:$0x14F00] =	vst v63  }
0xc6: {  	s13 =	sadd.s32 @!p1 s10, s13;
	s26 =	simm.s32 @!p1 $0xB600  }
0xc7: {  	[tilespmem:s26], [sflag:$0x1] =	stream.linear.gather @!p1 [hbm4b:s13+s30], $0xFA0, $0x38;
	[tilespmem:$0x14F00] =	vst v63  }
0xc8: {  	_ =	swait.ge [sflag:s21], $0xFA0  }
0xc9: {  	[sflag:s21] =	ssyncset.done $0x0  }
0xca: {  	[sflag:s21] =	ssyncadd.s32 $0xFFFFF060  }
0xcb: {  	_ =	swait.ge [sflag:s21], $0xFA0  }
0xcc: {  	[sflag:s21] =	ssyncset.done $0x0  }
0xcd: {  	[sflag:s21] =	ssyncadd.s32 $0xFFFFF060  }
0xce: {  	[tilespmem:s22], [sflag:$0x4] =	stream.indirect.gather [spmem:s5], $0x1, s4, s16, $0xb8;
	[tilespmem:$0x14F00] =	vst v63  }
0xcf: {  	_ = 	snop  }
0xd0: {  	[tilespmem:s23], [sflag:$0x4] =	stream.indirect.gather [spmem:s6], $0x1, s4, s16, $0xb8;
	[tilespmem:$0x14F00] =	vst v63  }
0xd1: {  	_ = 	snop  }
0xd2: {  	[tilespmem:s24], [sflag:$0x4] =	stream.indirect.gather [spmem:s7], $0x1, s4, s16, $0xb8;
	[tilespmem:$0x14F00] =	vst v63  }
0xd3: {  	_ =	swait.ge [sflag:s25], $0xFA0  }
0xd4: {  	[sflag:s25] =	ssyncset.done $0x0  }
0xd5: {  	[sflag:s25] =	ssyncadd.s32 $0xFFFFF060  }
0xd6: {  	_ =	swait.ge [sflag:s25], $0xFA0  }
0xd7: {  	[sflag:s25] =	ssyncset.done $0x0  }
0xd8: {  	[sflag:s25] =	ssyncadd.s32 $0xFFFFF060  }
0xd9: {  	_ =	swait.ge [sflag:s25], $0xFA0  }
0xda: {  	[sflag:s25] =	ssyncset.done $0x0  }
0xdb: {  	[sflag:s25] =	ssyncadd.s32 $0xFFFFF060  }
0xdc: {  	[spmem:s1] =	stream.indirect.scatter.add.f32 [tilespmem:s22], [sflag:$0x4], $0x1, s11, s16, $0xb8;
	[tilespmem:$0x14F00] =	vst v63  }
0xdd: {  	_ = 	snop  }
0xde: {  	[spmem:s2] =	stream.indirect.scatter.add.f32 [tilespmem:s23], [sflag:$0x4], $0x1, s11, s16, $0xb8;
	[tilespmem:$0x14F00] =	vst v63  }
0xdf: {  	_ = 	snop  }
0xe0: {  	[spmem:s3] =	stream.indirect.scatter.add.f32 [tilespmem:s24], [sflag:$0x4], $0x1, s11, s16, $0xb8;
	[tilespmem:$0x14F00] =	vst v63  }
0xe1: {  	_ =	swait.ge [sflag:s25], $0xFA0  }
0xe2: {  	s14 =	sadd.s32 $0x3E8, s14;
	[sflag:s25] =	ssyncset.done $0x0  }
0xe3: {  	p0 =	sne.s32 s14, $0x61A8;
	[sflag:s25] =	ssyncadd.s32 $0xFFFFF060  }
.Ltmp0:
0xe4: {  	_ =	swait.ge [sflag:s25], $0xFA0;
	(pc) =	sbr.rel @p0 .LBB2_2-.Ltmp0, $4  }
0xe5: {  	[sflag:s25] =	ssyncset.done $0x0  }
0xe6: {  	[sflag:s25] =	ssyncadd.s32 $0xFFFFF060  }
0xe7: {  	_ =	swait.ge [sflag:s25], $0xFA0  }
0xe8: {  	s26 =	rddreg [dreg:$0xa];
	[sflag:s25] =	ssyncset.done $0x0  }
0xe9: {  	s13 =	rddreg [dreg:$0x9];
	[sflag:s25] =	ssyncadd.s32 $0xFFFFF060;
	s14 =	sadd.s32 s12, s26  }
0xea: {  	[tilespmem:s4], [sflag:$0x2] =	stream.linear.gather [hbm4b:s14+s8], $0xFA0, $0x38;
	[tilespmem:$0x14F00] =	vst v63  }
0xeb: {  	s13 =	sadd.s32 s12, s13  }
0xec: {  	[tilespmem:s11], [sflag:$0x2] =	stream.linear.gather [hbm4b:s13+s8], $0xFA0, $0x38;
	[tilespmem:$0x14F00] =	vst v63  }
0xed: {  	_ =	swait.ge [sflag:s15], $0xFA0  }
0xee: {  	[sflag:s15] =	ssyncset.done $0x0  }
0xef: {  	[sflag:s15] =	ssyncadd.s32 $0xFFFFF060  }
0xf0: {  	_ =	swait.ge [sflag:s15], $0xFA0  }
0xf1: {  	[sflag:s15] =	ssyncset.done $0x0  }
0xf2: {  	[sflag:s15] =	ssyncadd.s32 $0xFFFFF060  }
0xf3: {  	[tilespmem:s17], [sflag:$0x3] =	stream.indirect.gather [spmem:s5], $0x1, s31, s16, $0xb8;
	[tilespmem:$0x14F00] =	vst v63  }
0xf4: {  	_ = 	snop  }
0xf5: {  	[tilespmem:s18], [sflag:$0x3] =	stream.indirect.gather [spmem:s6], $0x1, s31, s16, $0xb8;
	[tilespmem:$0x14F00] =	vst v63  }
0xf6: {  	_ = 	snop  }
0xf7: {  	[tilespmem:s19], [sflag:$0x3] =	stream.indirect.gather [spmem:s7], $0x1, s31, s16, $0xb8;
	[tilespmem:$0x14F00] =	vst v63  }
0xf8: {  	_ =	swait.ge [sflag:s20], $0xFA0  }
0xf9: {  	[sflag:s20] =	ssyncset.done $0x0  }
0xfa: {  	[sflag:s20] =	ssyncadd.s32 $0xFFFFF060  }
0xfb: {  	_ =	swait.ge [sflag:s20], $0xFA0  }
0xfc: {  	[sflag:s20] =	ssyncset.done $0x0  }
0xfd: {  	[sflag:s20] =	ssyncadd.s32 $0xFFFFF060  }
0xfe: {  	_ =	swait.ge [sflag:s20], $0xFA0  }
0xff: {  	[sflag:s20] =	ssyncset.done $0x0  }
0x100: {  	[sflag:s20] =	ssyncadd.s32 $0xFFFFF060  }
0x101: {  	[spmem:s1] =	stream.indirect.scatter.add.f32 [tilespmem:s17], [sflag:$0x3], $0x1, s0, s16, $0xb8;
	[tilespmem:$0x14F00] =	vst v63  }
0x102: {  	_ = 	snop  }
0x103: {  	[spmem:s2] =	stream.indirect.scatter.add.f32 [tilespmem:s18], [sflag:$0x3], $0x1, s0, s16, $0xb8;
	[tilespmem:$0x14F00] =	vst v63  }
0x104: {  	_ = 	snop  }
0x105: {  	[spmem:s3] =	stream.indirect.scatter.add.f32 [tilespmem:s19], [sflag:$0x3], $0x1, s0, s16, $0xb8;
	[tilespmem:$0x14F00] =	vst v63  }
0x106: {  	_ =	swait.ge [sflag:s20], $0xFA0  }
0x107: {  	[sflag:s20] =	ssyncset.done $0x0  }
0x108: {  	[sflag:s20] =	ssyncadd.s32 $0xFFFFF060  }
0x109: {  	_ =	swait.ge [sflag:s20], $0xFA0  }
0x10a: {  	[sflag:s20] =	ssyncset.done $0x0  }
0x10b: {  	[sflag:s20] =	ssyncadd.s32 $0xFFFFF060  }
0x10c: {  	p0 =	seq.s32 s12, $0x5DC0;
	s13 =	sadd.s32 $0x1F40, s28;
	_ =	swait.ge [sflag:s20], $0xFA0  }
0x10d: {  	s26 =	simm.s32 @!p0 $0x0;
	s12 =	sshrl.u32 @!p0 s13, $0x3;
	[sflag:s20] =	ssyncset.done $0x0  }
0x10e: {  	s13 =	simm.s32 @!p0 $0x9600;
	s14 =	sadd.s32 @!p0 s9, s12;
	[sflag:s20] =	ssyncadd.s32 $0xFFFFF060  }
0x10f: {  	[tilespmem:s13], [sflag:$0x1] =	stream.linear.gather @!p0 [hbm4b:s14+s26], $0xFA0, $0x38;
	[tilespmem:$0x14F00] =	vst v63  }
0x110: {  	s12 =	sadd.s32 @!p0 s10, s12;
	s13 =	simm.s32 @!p0 $0xB600  }
0x111: {  	[tilespmem:s13], [sflag:$0x1] =	stream.linear.gather @!p0 [hbm4b:s12+s26], $0xFA0, $0x38;
	[tilespmem:$0x14F00] =	vst v63  }
0x112: {  	_ =	swait.ge [sflag:s21], $0xFA0  }
0x113: {  	[sflag:s21] =	ssyncset.done $0x0  }
0x114: {  	[sflag:s21] =	ssyncadd.s32 $0xFFFFF060  }
0x115: {  	_ =	swait.ge [sflag:s21], $0xFA0  }
0x116: {  	[sflag:s21] =	ssyncset.done $0x0  }
0x117: {  	[sflag:s21] =	ssyncadd.s32 $0xFFFFF060  }
0x118: {  	[tilespmem:s22], [sflag:$0x4] =	stream.indirect.gather [spmem:s5], $0x1, s4, s16, $0xb8;
	[tilespmem:$0x14F00] =	vst v63  }
0x119: {  	_ = 	snop  }
0x11a: {  	[tilespmem:s23], [sflag:$0x4] =	stream.indirect.gather [spmem:s6], $0x1, s4, s16, $0xb8;
	[tilespmem:$0x14F00] =	vst v63  }
0x11b: {  	_ = 	snop  }
0x11c: {  	[tilespmem:s24], [sflag:$0x4] =	stream.indirect.gather [spmem:s7], $0x1, s4, s16, $0xb8;
	[tilespmem:$0x14F00] =	vst v63  }
0x11d: {  	_ =	swait.ge [sflag:s25], $0xFA0  }
0x11e: {  	[sflag:s25] =	ssyncset.done $0x0  }
0x11f: {  	[sflag:s25] =	ssyncadd.s32 $0xFFFFF060  }
0x120: {  	_ =	swait.ge [sflag:s25], $0xFA0  }
0x121: {  	[sflag:s25] =	ssyncset.done $0x0  }
0x122: {  	[sflag:s25] =	ssyncadd.s32 $0xFFFFF060  }
0x123: {  	_ =	swait.ge [sflag:s25], $0xFA0  }
0x124: {  	[sflag:s25] =	ssyncset.done $0x0  }
0x125: {  	[sflag:s25] =	ssyncadd.s32 $0xFFFFF060  }
0x126: {  	[spmem:s1] =	stream.indirect.scatter.add.f32 [tilespmem:s22], [sflag:$0x4], $0x1, s11, s16, $0xb8;
	[tilespmem:$0x14F00] =	vst v63  }
0x127: {  	_ = 	snop  }
0x128: {  	[spmem:s2] =	stream.indirect.scatter.add.f32 [tilespmem:s23], [sflag:$0x4], $0x1, s11, s16, $0xb8;
	[tilespmem:$0x14F00] =	vst v63  }
0x129: {  	_ = 	snop  }
0x12a: {  	[spmem:s3] =	stream.indirect.scatter.add.f32 [tilespmem:s24], [sflag:$0x4], $0x1, s11, s16, $0xb8;
	[tilespmem:$0x14F00] =	vst v63  }
0x12b: {  	_ =	swait.ge [sflag:s25], $0xFA0  }
0x12c: {  	[sflag:s25] =	ssyncset.done $0x0  }
0x12d: {  	[sflag:s25] =	ssyncadd.s32 $0xFFFFF060  }
0x12e: {  	_ =	swait.ge [sflag:s25], $0xFA0  }
0x12f: {  	[sflag:s25] =	ssyncset.done $0x0  }
0x130: {  	[sflag:s25] =	ssyncadd.s32 $0xFFFFF060  }
0x131: {  	_ =	swait.ge [sflag:s25], $0xFA0  }
0x132: {  	[sflag:s25] =	ssyncset.done $0x0  }
0x133: {  	[sflag:s25] =	ssyncadd.s32 $0xFFFFF060  }
0x134: {  	[bflag:$0x0] =	sbarrier.arrive $0xFFFF  }
0x135: {  	s14 =	simm.s32 $0x5;
	s13 =	simm.s32 $0x13600;
	s26 =	rddreg [dreg:$0xc]  }
0x136: {  	[tilespmem:s13], [sflag:$0x5] =	stream.linear.gather [spmem:s26], $0x1900, $0x38;
	[tilespmem:$0x14F00] =	vst v63  }
0x137: {  	_ =	swait.ge [sflag:s14], $0x1900  }
0x138: {  	[sflag:s14] =	ssyncset.done $0x0  }
0x139: {  	s12 =	rddreg [dreg:$0x11];
	[sflag:s14] =	ssyncadd.s32 $0xFFFFE700  }
0x13a: {  	[hbm4b:s12+s8] =	stream.linear.scatter [tilespmem:s13], [sflag:$0x5], $0x1900, $0x38;
	[tilespmem:$0x14F00] =	vst v63  }
0x13b: {  	_ =	swait.ge [sflag:s14], $0x1900  }
0x13c: {  	[sflag:s14] =	ssyncset.done $0x0  }
0x13d: {  	s28 =	rddreg [dreg:$0xd];
	[sflag:s14] =	ssyncadd.s32 $0xFFFFE700  }
0x13e: {  	[tilespmem:s13], [sflag:$0x5] =	stream.linear.gather [spmem:s28], $0x1900, $0x38;
	[tilespmem:$0x14F00] =	vst v63  }
0x13f: {  	_ =	swait.ge [sflag:s14], $0x1900  }
0x140: {  	[sflag:s14] =	ssyncset.done $0x0  }
0x141: {  	s12 =	rddreg [dreg:$0x18];
	[sflag:s14] =	ssyncadd.s32 $0xFFFFE700  }
0x142: {  	[hbm4b:s12+s8] =	stream.linear.scatter [tilespmem:s13], [sflag:$0x5], $0x1900, $0x38;
	[tilespmem:$0x14F00] =	vst v63  }
0x143: {  	_ =	swait.ge [sflag:s14], $0x1900  }
0x144: {  	[sflag:s14] =	ssyncset.done $0x0  }
0x145: {  	s29 =	rddreg [dreg:$0xe];
	[sflag:s14] =	ssyncadd.s32 $0xFFFFE700  }
0x146: {  	[tilespmem:s13], [sflag:$0x5] =	stream.linear.gather [spmem:s29], $0x1900, $0x38;
	[tilespmem:$0x14F00] =	vst v63  }
0x147: {  	_ =	swait.ge [sflag:s14], $0x1900  }
0x148: {  	[sflag:s14] =	ssyncset.done $0x0  }
0x149: {  	s12 =	rddreg [dreg:$0x19];
	[sflag:s14] =	ssyncadd.s32 $0xFFFFE700  }
0x14a: {  	[hbm4b:s12+s8] =	stream.linear.scatter [tilespmem:s13], [sflag:$0x5], $0x1900, $0x38;
	[tilespmem:$0x14F00] =	vst v63  }
0x14b: {  	_ =	swait.ge [sflag:s14], $0x1900  }
0x14c: {  	s30 =	rddreg [dreg:$0x1c]  }
0x14d: {  	s12 =	rddreg [dreg:$0x1a];
	s30 =	sadd.s32 $0x1, s30  }
0x14e: {  	p0 =	sne.s32 s30, s12  }
.Ltmp1:
0x14f: {  	_ = 	snop;
	(pc) =	sbr.rel @p0 .LBB2_1-.Ltmp1, $3  }
0x150: {  	_ =	sdelay $0x1  }
0x151: {  	[sflag:s14] =	ssyncset.done $0x0  }
0x152: {  	[sflag:s14] =	ssyncadd.s32 $0xFFFFE700  }
0x153: {  	_ =	sfence.sel $0x180000  }
0x154: {  	[bflag:$0x0] =	sbarrier.arrive $0xFFFF  }
0x155: {  	_ =	strace $0x9000004D  }
0x156: {  	s0 =	stileid.u32;
	[bflag:$0x2] =	sbarrier.arrive $0xFFFF  }
0x157: {  	p0 =	sne.s32 s0, $0x0;
	s0 =	rddreg [dreg:$0x8]  }
0x158: {  	s0 =	sadd.s32 @!p0 $0x100000, s0  }
0x159: {  	[sflag:s0] =	ssyncadd.tile.s32 @!p0 $0x1;
	_ =	shalt  }
.Lfunc_end2:
_tile_overlayer_lowered:
.L_overlay_start_2:
0x15a: {  	(tag) =	ssettag $0x2  }
0x15b: {  	s0 =	rddreg [dreg:$0x0];
	s2 =	stileid.u32  }
0x15c: {  	s1 =	rddreg [dreg:$0x1];
	p0 =	sne.s32 s2, $0x0  }
0x15d: {  	s3 =	rddreg [dreg:$0x2];
	[bflag:$0x3] =	sbarrier.arrive $0xFFFF;
	s2 =	simm.s32 @!p0 $0x1C05  }
0x15e: {  	[timem:s3], [sflag:s2] =	dma.local @!p0 [hbm:s0], s1  }
0x15f: {  	s0 =	simm.s32 @!p0 $0x5  }
0x160: {  	_ =	swait.ge @!p0 [sflag:s0], s1  }
0x161: {  	s1 =	ssub.s32 @!p0 $0x0, s1;
	[sflag:s0] =	ssyncset.done @!p0 $0x0  }
0x162: {  	[sflag:s0] =	ssyncadd.s32 @!p0 s1  }
0x163: {  	[bflag:$0x3] =	sbarrier.arrive $0xFFFF  }
0x164: {  	_ =	shalt  }

// kernel: kernel.19.cloned.1.call-start
scs
__scs_entry_jumppad:
0x0: {  	(pc) =	sbr.rel $0x88, $3  }
0x1: {  	(tag) =	ssettag $0x0;
	lr =	simm.s32 $0x1  }
0x2: {  	[smem:$0x3F99] =	sst lr;
	_ =	strace $0xD0000000  }
0x3: {  	_ = 	snop  }
0x4: {  	_ = 	snop  }
0x5: {  	_ = 	snop  }
0x6: {  	_ = 	snop  }
0x7: {  	_ = 	snop  }
__scs_overlays_trampoline_lowered:
0x8: {  	[smem:$0x3FA8] =	sst s0  }
0x9: {  	[smem:$0x3FA9] =	sst s1  }
0xa: {  	[smem:$0x3FAA] =	sst s2  }
0xb: {  	[smem:$0x3FAB] =	sst s3  }
0xc: {  	[smem:$0x3FAC] =	sst s4  }
0xd: {  	[smem:$0x3FAD] =	sst s5  }
0xe: {  	[smem:$0x3FAE] =	sst s6  }
0xf: {  	[smem:$0x3FAF] =	sst s7  }
0x10: {  	[smem:$0x3FB0] =	sst s8  }
0x11: {  	[smem:$0x3FB1] =	sst s9;
	s0 =	simm.s32 @!p0 $0x0  }
0x12: {  	s1 =	sld [smem:$0x3F97];
	s0 =	simm.s32 @p0 $0x1  }
0x13: {  	[smem:$0x3FB2] =	sst s0;
	s0 =	simm.s32 @!p1 $0x0  }
0x14: {  	s2 =	sld [smem:$0x3F96];
	s0 =	simm.s32 @p1 $0x1  }
0x15: {  	[smem:$0x3FB3] =	sst s0;
	s0 =	simm.s32 @!p2 $0x0  }
0x16: {  	s3 =	sld [smem:$0x3FDB];
	s0 =	simm.s32 @p2 $0x1  }
0x17: {  	s4 =	simm.s32 $0x1BF5;
	[smem:$0x3FB5] =	sst s0  }
0x18: {  	s0 =	sld [smem:$0x3F98];
	_ =	swait.ge [sflag:s4], $0x0  }
0x19: {  	s7 =	sld [smem:$0x3F99]  }
0x1a: {  	s8 =	sadd.s32 $0xFFFFE003, lr  }
0x1b: {  	s9 =	sadd.s32 $0xFFFFFEF7, lr;
	s5 =	simm.s32 $0xFFFFFFFF;
	p2 =	slt.u32 s8, $0xFFFFF086  }
0x1c: {  	p1 =	slt.u32 s9, $0xF7A;
	s5 =	simm.s32 @!p2 $0x0  }
0x1d: {  	s5 =	simm.s32 @p1 $0x1;
	p0 =	seq.s32 s7, s2  }
0x1e: {  	s7 =	smul.u32 @!p0 $0xF7A, s2;
	p2 =	seq.s32 @!p0 s5, $0x0  }
0x1f: {  	s9 =	smul.u32 $0xF7A, s1;
	s8 =	simm.s32 @!p0 $0x1BF5;
	p2 =	por !p2, p0  }
0x20: {  	[sflag:s8] =	ssyncset.s32 @!p0 $0xFFFFF086;
	s6 =	sadd.s32 @!p0 s3, s7;
	s7 =	simm.s32 @!p0 $0x108  }
0x21: {  	s3 =	sadd.s32 s3, s9;
	s6 =	sadd.s32 @!p0 $0x88, s6;
	s7 =	simm.s32 @p2 $0x1082  }
0x22: {  	[simem:s7], [sflag:s8] =	dma.local @!p0 [hbm:s6], $0xF7A  }
0x23: {  	s9 =	sor.u32 $0xD0000000, s2;
	s6 =	simm.s32 $0x108;
	_ =	swait.ge @!p0 [sflag:s8], $0x0  }
0x24: {  	s3 =	sadd.s32 $0x88, s3;
	s6 =	simm.s32 @!p1 $0x1082;
	[sflag:s4] =	ssyncset.s32 $0xFFFFF086  }
0x25: {  	[simem:s6], [sflag:s4] =	dma.local [hbm:s3], $0xF7A  }
0x26: {  	[smem:$0x3F99] =	sst s1;
	(tag) =	ssettag s2;
	_ =	strace s9  }
0x27: {  	s1 =	sld [smem:$0x3FA9]  }
0x28: {  	s2 =	sld [smem:$0x3FAA]  }
0x29: {  	s4 =	sld [smem:$0x3FAC]  }
0x2a: {  	p0 =	seq.s32 s5, $0x0;
	s5 =	sld [smem:$0x3FAD]  }
0x2b: {  	s6 =	sld [smem:$0x3FAE]  }
0x2c: {  	s7 =	sld [smem:$0x3FAF]  }
0x2d: {  	s3 =	simm.s32 $0x108;
	s8 =	sld [smem:$0x3FB0]  }
0x2e: {  	s3 =	simm.s32 @!p0 $0x1082;
	s9 =	sld [smem:$0x3FB1]  }
0x2f: {  	lr =	sadd.s32 s0, s3;
	s0 =	sld [smem:$0x3FA8]  }
0x30: {  	s3 =	sld [smem:$0x3FAB]  }
0x31: {  	[smem:$0x3FB4] =	sst s10  }
0x32: {  	s10 =	sld [smem:$0x3FB2];
	_ =	sdelay $0x3  }
0x33: {  	p0 =	seq.s32 s10, $0x1;
	s10 =	sld [smem:$0x3FB4];
	_ =	sdelay $0x3  }
0x34: {  	[smem:$0x3FB4] =	sst s10  }
0x35: {  	s10 =	sld [smem:$0x3FB3];
	_ =	sdelay $0x3  }
0x36: {  	p1 =	seq.s32 s10, $0x1;
	s10 =	sld [smem:$0x3FB4];
	_ =	sdelay $0x3  }
0x37: {  	[smem:$0x3FB4] =	sst s10  }
0x38: {  	s10 =	sld [smem:$0x3FB5]  }
0x39: {  	_ = 	snop;
	(pc) =	sbr.ind lr, $3  }
0x3a: {  	_ = 	snop  }
0x3b: {  	_ = 	snop  }
0x3c: {  	p2 =	seq.s32 s10, $0x1;
	s10 =	sld [smem:$0x3FB4]  }
0x3d: {  	_ =	shalt  }
0x3e: {  	_ =	shalt  }
0x3f: {  	_ =	shalt  }
0x40: {  	_ =	shalt  }
0x41: {  	_ =	shalt  }
0x42: {  	_ =	shalt  }
0x43: {  	_ =	shalt  }
0x44: {  	_ =	shalt  }
0x45: {  	_ =	shalt  }
0x46: {  	_ =	shalt  }
0x47: {  	_ =	shalt  }
0x48: {  	_ =	shalt  }
0x49: {  	_ =	shalt  }
0x4a: {  	_ =	shalt  }
0x4b: {  	_ =	shalt  }
0x4c: {  	_ =	shalt  }
0x4d: {  	_ =	shalt  }
0x4e: {  	_ =	shalt  }
0x4f: {  	_ =	shalt  }
0x50: {  	_ =	shalt  }
0x51: {  	_ =	shalt  }
0x52: {  	_ =	shalt  }
0x53: {  	_ =	shalt  }
0x54: {  	_ =	shalt  }
0x55: {  	_ =	shalt  }
0x56: {  	_ =	shalt  }
0x57: {  	_ =	shalt  }
0x58: {  	_ =	shalt  }
0x59: {  	_ =	shalt  }
0x5a: {  	_ =	shalt  }
0x5b: {  	_ =	shalt  }
0x5c: {  	_ =	shalt  }
0x5d: {  	_ =	shalt  }
0x5e: {  	_ =	shalt  }
0x5f: {  	_ =	shalt  }
0x60: {  	_ =	shalt  }
0x61: {  	_ =	shalt  }
0x62: {  	_ =	shalt  }
0x63: {  	_ =	shalt  }
0x64: {  	_ =	shalt  }
0x65: {  	_ =	shalt  }
0x66: {  	_ =	shalt  }
0x67: {  	_ =	shalt  }
0x68: {  	_ =	shalt  }
0x69: {  	_ =	shalt  }
0x6a: {  	_ =	shalt  }
0x6b: {  	_ =	shalt  }
0x6c: {  	_ =	shalt  }
0x6d: {  	_ =	shalt  }
0x6e: {  	_ =	shalt  }
0x6f: {  	_ =	shalt  }
0x70: {  	_ =	shalt  }
0x71: {  	_ =	shalt  }
0x72: {  	_ =	shalt  }
0x73: {  	_ =	shalt  }
0x74: {  	_ =	shalt  }
0x75: {  	_ =	shalt  }
0x76: {  	_ =	shalt  }
0x77: {  	_ =	shalt  }
0x78: {  	_ =	shalt  }
0x79: {  	_ =	shalt  }
0x7a: {  	_ =	shalt  }
0x7b: {  	_ =	shalt  }
0x7c: {  	_ =	shalt  }
0x7d: {  	_ =	shalt  }
0x7e: {  	_ =	shalt  }
0x7f: {  	_ =	shalt  }
0x80: {  	_ =	shalt  }
0x81: {  	_ =	shalt  }
0x82: {  	_ =	shalt  }
0x83: {  	_ =	shalt  }
0x84: {  	_ =	shalt  }
0x85: {  	_ =	shalt  }
0x86: {  	_ =	shalt  }
0x87: {  	_ =	shalt  }
.Lfunc_end0:
.L_simem_size_0:
called_computation.3_lowered:
.L_overlay_start_0:
0x88: {  	s2 =	sld [smem:$0x3FD9]  }
0x89: {  	s3 =	sld [smem:$0x3FFE];
	_ =	sdelay $0x1  }
0x8a: {  	s1 =	srdreg.scid  }
0x8b: {  	s0 =	sand.u32 $0x1, s1  }
0x8c: {  	s17 =	sshll.u32 s0, $0xA;
	s2 =	sadd.s32 s3, s2  }
0x8d: {  	s2 =	sadd.s32 s2, s17  }
0x8e: {  	[smem:$0x3FC0] =	sst s2  }
0x8f: {  	_ = 	snop  }
0x90: {  	s2 =	sld [smem:$0x3FD0];
	(tm) =	ssettm $0x1  }
0x91: {  	s18 =	sld [smem:$0x3FFB];
	_ =	sdelay $0x3  }
0x92: {  	_ =	strace s18  }
0x93: {  	s3 =	sld [smem:$0x3FFC];
	_ =	sdelay $0x3  }
0x94: {  	_ =	strace s3  }
0x95: {  	s3 =	sld [smem:$0x3FFD];
	_ =	sdelay $0x3  }
0x96: {  	_ =	strace s3  }
0x97: {  	_ =	strace $0x8FFFFFFF  }
0x98: {  	s19 =	sld [smem:$0x3FDB];
	_ =	sdelay $0x1  }
0x99: {  	s4 =	simm.s32 $_scs_section_size  }
0x9a: {  	s5 =	simm.s32 $_size__tile_overlayer_lowered;
	s6 =	simm.s32 $_tile_overlayer_lowered  }
0x9b: {  	s22 =	simm.s32 $0x1BFF;
	s21 =	sshll.u32 s6, $0x1;
	s3 =	sadd.s32 s4, s19  }
0x9c: {  	s7 =	simm.s32 $0x0;
	s20 =	sshll.u32 s5, $0x1;
	s5 =	sadd.s32 s21, s3  }
0x9d: {  	[timem:s7], [sflag:s22] =	dma.local [hbm:s5], s20  }
0x9e: {  	_ =	swait.ge [sflag:s22], s20  }
0x9f: {  	s4 =	ssub.s32 $0x0, s20;
	[sflag:s22] =	ssyncset.done $0x0  }
0xa0: {  	[sflag:s22] =	ssyncadd.s32 s4;
	_ =	sdelay $0x1  }
0xa1: {  	s23 =	simm.s32 $0x1B8B  }
0xa2: {  	_ =	swait.ge [sflag:s23], $0x1  }
0xa3: {  	[sflag:s23] =	ssyncset.done $0x0  }
0xa4: {  	s25 =	simm.s32 $0x1B8E;
	s24 =	sld [smem:$0x3FFE];
	[sflag:s23] =	ssyncadd.s32 $0xFFFFFFFF  }
0xa5: {  	s26 =	simm.s32 $execute0_lowered;
	[smem:$0x3FD2] =	sst s25  }
0xa6: {  	s5 =	sshll.u32 s26, $0x1;
	_ =	strace $0x8000004F;
	[dreg:$0x1] =	wrdreg $0xFFFFFFFF  }
0xa7: {  	s28 =	simm.s32 $_size_execute0_lowered;
	s3 =	sadd.s32 s3, s5;
	[dreg:$0x0] =	wrdreg $0x0  }
0xa8: {  	s5 =	sshll.u32 s28, $0x1;
	[dreg:$0x2] =	wrdreg s3  }
0xa9: {  	[dreg:$0x3] =	wrdreg s5  }
0xaa: {  	[dreg:$0x4] =	wrdreg $0xC0  }
0xab: {  	_ =	task [dreg:s7], $0x5FFFF  }
0xac: {  	[dreg:$0x1] =	wrdreg $0xFFFFFFFF  }
0xad: {  	[dreg:$0x0] =	wrdreg $0x60  }
0xae: {  	[dreg:$0x2] =	wrdreg s24  }
0xaf: {  	[dreg:$0x3] =	wrdreg s2  }
0xb0: {  	[dreg:$0x4] =	wrdreg $0x4B000  }
0xb1: {  	[dreg:$0x5] =	wrdreg $0x64000  }
0xb2: {  	[dreg:$0x6] =	wrdreg $0x7D000  }
0xb3: {  	[dreg:$0x7] =	wrdreg $0x0  }
0xb4: {  	[dreg:$0x8] =	wrdreg $0x19000  }
0xb5: {  	[dreg:$0x9] =	wrdreg $0x32000  }
0xb6: {  	[dreg:$0xa] =	wrdreg $0x9  }
0xb7: {  	_ =	task.clear_ibuf [dreg:s7], $0xBFFFF;
	_ =	strace $0x9000004F  }
0xb8: {  	s29 =	simm.s32 $0x9;
	_ =	strace $0x80000051  }
0xb9: {  	_ =	swait.ge [sflag:s29], $0x1  }
0xba: {  	[sflag:s29] =	ssyncadd.s32 $0xFFFFFFFF  }
0xbb: {  	_ =	strace $0x90000051  }
0xbc: {  	_ =	sfence  }
0xbd: {  	s30 =	sld [smem:$0x0];
	_ =	sdelay $0x2  }
0xbe: {  	s31 =	sshll.u32 s1, $0xD;
	s1 =	sshrl.u32 s1, $0x2  }
0xbf: {  	s3 =	sand.u32 $0x4000, s31;
	s1 =	sadd.s32 s1, s30  }
0xc0: {  	s0 =	sor.u32 s3, s0;
	s1 =	sshll.u32 s1, $0x11  }
0xc1: {  	s0 =	sor.u32 s1, s0  }
0xc2: {  	s0 =	sadd.s32 $0x8F2B, s0  }
0xc3: {  	[sflag:s0] =	ssyncadd.remote.s32 $0x1  }
0xc4: {  	_ =	sfence.sel $0xFFFF  }
0xc5: {  	[dreg:$0x0] =	wrdreg $0xFFFFFFFF;
	(pc) =	sbr.abs _section_cstart, $3  }
0xc6: {  	[dreg:$0x1] =	wrdreg $0xFFFFFFFF  }
0xc7: {  	_ =	task.clear_ibuf [dreg:s7], $0x2FFFF;
	_ =	strace $0x9FFFFFFF  }
0xc8: {  	(tm) =	ssettm $0x7FFFFFFF  }
0xc9: {  	_ =	shalt  }
tec
execute0_lowered:
.L_overlay_start_1:
0x0: {  	(tag) =	ssettag $0x1  }
0x1: {  	s0 =	rddreg [dreg:$0x0]  }
0x2: {  	s4 =	rddreg [dreg:$0x1]  }
0x3: {  	s1 =	rddreg [dreg:$0x2]  }
0x4: {  	s2 =	rddreg [dreg:$0x3]  }
0x5: {  	s3 =	rddreg [dreg:$0x4]  }
0x6: {  	s5 =	rddreg [dreg:$0x5]  }
0x7: {  	s6 =	rddreg [dreg:$0x6]  }
0x8: {  	s7 =	rddreg [dreg:$0x7];
	s19 =	stileid.u32;
	s8 =	simm.s32 $0x0  }
0x9: {  	s9 =	srdreg.scid;
	s31 =	simm.s32 $0x9600;
	s30 =	simm.s32 $0x0  }
0xa: {  	s11 =	smul.u32 $0x1900, s19;
	[smem:$0x7FF] =	sst s8;
	s12 =	sand.u32 $0x1, s9  }
0xb: {  	s9 =	sadd.s32 $0x2E00, s0;
	s10 =	sadd.s32 $0xC6400, s0;
	s16 =	smul.u32 $0x61A80, s19  }
0xc: {  	s19 =	sshll.u32 s19, $0x1;
	_ =	strace $0x80000050;
	s15 =	ssub.s32 $0x2, s12  }
0xd: {  	s13 =	smul.u32 $0x19000, s12;
	s18 =	sshrl.u32 s11, $0x3;
	s17 =	sshrl.u32 s15, $0x1  }
0xe: {  	s26 =	sadd.s32 s11, s1;
	s28 =	sadd.s32 s11, s2;
	s23 =	sadd.s32 s11, s5  }
0xf: {  	s29 =	sadd.s32 s11, s3;
	s14 =	sadd.s32 s18, s0;
	[dreg:$0x10] =	wrdreg s23  }
0x10: {  	s13 =	sadd.s32 s11, s13;
	s18 =	smul.u32 $0x30D40, s12;
	[dreg:$0xc] =	wrdreg s26  }
0x11: {  	s15 =	ssub.s32 s15, s17;
	s12 =	sor.u32 s12, s19;
	[dreg:$0xd] =	wrdreg s28  }
0x12: {  	[dreg:$0xe] =	wrdreg s29;
	s13 =	sshrl.u32 s13, $0x3;
	s20 =	sadd.s32 $0x189A00, s14  }
0x13: {  	s22 =	sadd.s32 $0x193000, s14;
	s12 =	smul.u32 $0x30D40, s12;
	s19 =	sadd.s32 $0x18CC00, s14  }
0x14: {  	s0 =	sadd.s32 s13, s0;
	[dreg:$0xb] =	wrdreg s20;
	s16 =	sadd.s32 s18, s16  }
0x15: {  	[dreg:$0xf] =	wrdreg s22;
	s4 =	sadd.s32 s4, s13;
	s18 =	sadd.s32 s11, s6  }
0x16: {  	[dreg:$0x14] =	wrdreg s19;
	s20 =	sadd.s32 s11, s7;
	s13 =	simm.s32 $0x13600  }
0x17: {  	s11 =	simm.s32 $0xC600;
	s19 =	simm.s32 $0xF600;
	[dreg:$0x11] =	wrdreg s4  }
0x18: {  	s21 =	sadd.s32 $0xFA0, s16;
	[dreg:$0x13] =	wrdreg s18;
	s23 =	sadd.s32 $0x196200, s0  }
0x19: {  	[dreg:$0x15] =	wrdreg s20;
	s0 =	sadd.s32 $0x19C600, s0;
	s18 =	simm.s32 $0xE600  }
0x1a: {  	s20 =	simm.s32 $0x3;
	s17 =	sshrl.u32 s21, $0x3;
	[dreg:$0x18] =	wrdreg s23  }
0x1b: {  	s21 =	sshrl.u32 s12, $0x3;
	[dreg:$0x19] =	wrdreg s0;
	s24 =	sadd.s32 s17, s10  }
0x1c: {  	s25 =	sadd.s32 s17, s9;
	s17 =	sadd.s32 $0x18FE00, s14;
	[dreg:$0x9] =	wrdreg s24  }
0x1d: {  	s0 =	simm.s32 $0xB600;
	s23 =	simm.s32 $0x11600;
	[dreg:$0x12] =	wrdreg s17  }
0x1e: {  	s22 =	sadd.s32 s9, s21;
	s4 =	sadd.s32 s10, s21;
	[dreg:$0xa] =	wrdreg s25  }
0x1f: {  	s14 =	simm.s32 $0x5;
	s21 =	simm.s32 $0x2;
	[dreg:$0x16] =	wrdreg s22  }
0x20: {  	[dreg:$0x17] =	wrdreg s4;
	s24 =	smax.u32 s15, $0x1;
	s25 =	sadd.s32 $0x1F40, s16  }
0x21: {  	s4 =	simm.s32 $0xA600;
	s15 =	simm.s32 $0x1;
	s16 =	simm.s32 $0xFA0  }
0x22: {  	s17 =	simm.s32 $0xD600;
	s22 =	simm.s32 $0x10600;
	[dreg:$0x1a] =	wrdreg s24  }
0x23: {  	[dreg:$0x1b] =	wrdreg s25;
	s24 =	simm.s32 $0x12600;
	s25 =	simm.s32 $0x4  }
.LBB2_1:
0x24: {  	[dreg:$0x1c] =	wrdreg s30  }
0x25: {  	s12 =	rddreg [dreg:$0xb]  }
0x26: {  	[tilespmem:s13], [sflag:$0x5] =	stream.linear.gather [hbm4b:s12+s8], $0x1900, $0x38;
	[tilespmem:$0x14F00] =	vst v63  }
0x27: {  	_ =	swait.ge [sflag:s14], $0x1900  }
0x28: {  	[sflag:s14] =	ssyncset.done $0x0  }
0x29: {  	[sflag:s14] =	ssyncadd.s32 $0xFFFFE700  }
0x2a: {  	[spmem:s26] =	stream.linear.scatter [tilespmem:s13], [sflag:$0x5], $0x1900, $0x38;
	[tilespmem:$0x14F00] =	vst v63  }
0x2b: {  	_ =	swait.ge [sflag:s14], $0x1900  }
0x2c: {  	[sflag:s14] =	ssyncset.done $0x0  }
0x2d: {  	[sflag:s14] =	ssyncadd.s32 $0xFFFFE700  }
0x2e: {  	[spmem:s28] =	stream.linear.scatter [tilespmem:s13], [sflag:$0x5], $0x1900, $0x38;
	[tilespmem:$0x14F00] =	vst v63  }
0x2f: {  	_ =	swait.ge [sflag:s14], $0x1900  }
0x30: {  	[sflag:s14] =	ssyncset.done $0x0  }
0x31: {  	[sflag:s14] =	ssyncadd.s32 $0xFFFFE700  }
0x32: {  	[spmem:s29] =	stream.linear.scatter [tilespmem:s13], [sflag:$0x5], $0x1900, $0x38;
	[tilespmem:$0x14F00] =	vst v63  }
0x33: {  	_ =	swait.ge [sflag:s14], $0x1900  }
0x34: {  	[sflag:s14] =	ssyncset.done $0x0  }
0x35: {  	s26 =	rddreg [dreg:$0xf];
	[sflag:s14] =	ssyncadd.s32 $0xFFFFE700  }
0x36: {  	[tilespmem:s13], [sflag:$0x5] =	stream.linear.gather [hbm4b:s26+s8], $0x1900, $0x38;
	[tilespmem:$0x14F00] =	vst v63  }
0x37: {  	_ =	swait.ge [sflag:s14], $0x1900  }
0x38: {  	[sflag:s14] =	ssyncset.done $0x0  }
0x39: {  	s29 =	rddreg [dreg:$0x10];
	[sflag:s14] =	ssyncadd.s32 $0xFFFFE700  }
0x3a: {  	[spmem:s29] =	stream.linear.scatter [tilespmem:s13], [sflag:$0x5], $0x1900, $0x38;
	[tilespmem:$0x14F00] =	vst v63  }
0x3b: {  	_ =	swait.ge [sflag:s14], $0x1900  }
0x3c: {  	[sflag:s14] =	ssyncset.done $0x0  }
0x3d: {  	s30 =	rddreg [dreg:$0x12];
	[sflag:s14] =	ssyncadd.s32 $0xFFFFE700  }
0x3e: {  	[tilespmem:s13], [sflag:$0x5] =	stream.linear.gather [hbm4b:s30+s8], $0x1900, $0x38;
	[tilespmem:$0x14F00] =	vst v63  }
0x3f: {  	_ =	swait.ge [sflag:s14], $0x1900  }
0x40: {  	[sflag:s14] =	ssyncset.done $0x0  }
0x41: {  	s26 =	rddreg [dreg:$0x13];
	[sflag:s14] =	ssyncadd.s32 $0xFFFFE700  }
0x42: {  	[spmem:s26] =	stream.linear.scatter [tilespmem:s13], [sflag:$0x5], $0x1900, $0x38;
	[tilespmem:$0x14F00] =	vst v63  }
0x43: {  	_ =	swait.ge [sflag:s14], $0x1900  }
0x44: {  	[sflag:s14] =	ssyncset.done $0x0  }
0x45: {  	s29 =	rddreg [dreg:$0x14];
	[sflag:s14] =	ssyncadd.s32 $0xFFFFE700  }
0x46: {  	[tilespmem:s13], [sflag:$0x5] =	stream.linear.gather [hbm4b:s29+s8], $0x1900, $0x38;
	[tilespmem:$0x14F00] =	vst v63  }
0x47: {  	_ =	swait.ge [sflag:s14], $0x1900  }
0x48: {  	[sflag:s14] =	ssyncset.done $0x0  }
0x49: {  	s30 =	rddreg [dreg:$0x15];
	[sflag:s14] =	ssyncadd.s32 $0xFFFFE700  }
0x4a: {  	[spmem:s30] =	stream.linear.scatter [tilespmem:s13], [sflag:$0x5], $0x1900, $0x38;
	[tilespmem:$0x14F00] =	vst v63  }
0x4b: {  	_ =	swait.ge [sflag:s14], $0x1900  }
0x4c: {  	[sflag:s14] =	ssyncset.done $0x0  }
0x4d: {  	[sflag:s14] =	ssyncadd.s32 $0xFFFFE700  }
0x4e: {  	[bflag:$0x0] =	sbarrier.arrive $0xFFFF  }
0x4f: {  	s13 =	rddreg [dreg:$0x16]  }
0x50: {  	s14 =	rddreg [dreg:$0xa]  }
0x51: {  	[tilespmem:s31], [sflag:$0x1] =	stream.linear.gather [hbm4b:s13+s8], $0xFA0, $0x38;
	[tilespmem:$0x14F00] =	vst v63  }
0x52: {  	s26 =	rddreg [dreg:$0x17]  }
0x53: {  	[tilespmem:s0], [sflag:$0x1] =	stream.linear.gather [hbm4b:s26+s8], $0xFA0, $0x38;
	[tilespmem:$0x14F00] =	vst v63  }
0x54: {  	s29 =	rddreg [dreg:$0x9];
	s12 =	sadd.s32 $0x0, s14  }
0x55: {  	[tilespmem:s4], [sflag:$0x2] =	stream.linear.gather [hbm4b:s12+s8], $0xFA0, $0x38;
	[tilespmem:$0x14F00] =	vst v63  }
0x56: {  	s30 =	sadd.s32 $0x0, s29  }
0x57: {  	[tilespmem:s11], [sflag:$0x2] =	stream.linear.gather [hbm4b:s30+s8], $0xFA0, $0x38;
	[tilespmem:$0x14F00] =	vst v63  }
0x58: {  	_ =	swait.ge [sflag:s15], $0xFA0  }
0x59: {  	[sflag:s15] =	ssyncset.done $0x0  }
0x5a: {  	[sflag:s15] =	ssyncadd.s32 $0xFFFFF060  }
0x5b: {  	_ =	swait.ge [sflag:s15], $0xFA0  }
0x5c: {  	[sflag:s15] =	ssyncset.done $0x0  }
0x5d: {  	[sflag:s15] =	ssyncadd.s32 $0xFFFFF060  }
0x5e: {  	[tilespmem:s17], [sflag:$0x3] =	stream.indirect.gather [spmem:s5], $0x1, s31, s16, $0xb8;
	[tilespmem:$0x14F00] =	vst v63  }
0x5f: {  	_ = 	snop  }
0x60: {  	[tilespmem:s18], [sflag:$0x3] =	stream.indirect.gather [spmem:s6], $0x1, s31, s16, $0xb8;
	[tilespmem:$0x14F00] =	vst v63  }
0x61: {  	_ = 	snop  }
0x62: {  	[tilespmem:s19], [sflag:$0x3] =	stream.indirect.gather [spmem:s7], $0x1, s31, s16, $0xb8;
	[tilespmem:$0x14F00] =	vst v63  }
0x63: {  	_ =	swait.ge [sflag:s20], $0xFA0  }
0x64: {  	[sflag:s20] =	ssyncset.done $0x0  }
0x65: {  	[sflag:s20] =	ssyncadd.s32 $0xFFFFF060  }
0x66: {  	_ =	swait.ge [sflag:s20], $0xFA0  }
0x67: {  	[sflag:s20] =	ssyncset.done $0x0  }
0x68: {  	[sflag:s20] =	ssyncadd.s32 $0xFFFFF060  }
0x69: {  	_ =	swait.ge [sflag:s20], $0xFA0  }
0x6a: {  	[sflag:s20] =	ssyncset.done $0x0  }
0x6b: {  	[sflag:s20] =	ssyncadd.s32 $0xFFFFF060  }
0x6c: {  	[spmem:s1] =	stream.indirect.scatter.add.f32 [tilespmem:s17], [sflag:$0x3], $0x1, s0, s16, $0xb8;
	[tilespmem:$0x14F00] =	vst v63  }
0x6d: {  	_ = 	snop  }
0x6e: {  	[spmem:s2] =	stream.indirect.scatter.add.f32 [tilespmem:s18], [sflag:$0x3], $0x1, s0, s16, $0xb8;
	[tilespmem:$0x14F00] =	vst v63  }
0x6f: {  	_ = 	snop  }
0x70: {  	[spmem:s3] =	stream.indirect.scatter.add.f32 [tilespmem:s19], [sflag:$0x3], $0x1, s0, s16, $0xb8;
	[tilespmem:$0x14F00] =	vst v63  }
0x71: {  	_ =	swait.ge [sflag:s20], $0xFA0  }
0x72: {  	[sflag:s20] =	ssyncset.done $0x0  }
0x73: {  	[sflag:s20] =	ssyncadd.s32 $0xFFFFF060  }
0x74: {  	_ =	swait.ge [sflag:s20], $0xFA0  }
0x75: {  	[sflag:s20] =	ssyncset.done $0x0  }
0x76: {  	[sflag:s20] =	ssyncadd.s32 $0xFFFFF060  }
0x77: {  	_ =	swait.ge [sflag:s20], $0xFA0  }
0x78: {  	p0 =	por $0x0, $0x0;
	s28 =	rddreg [dreg:$0x1b]  }
0x79: {  	s13 =	simm.s32 @!p0 $0x9600;
	[sflag:s20] =	ssyncset.done $0x0;
	s12 =	sshrl.u32 @!p0 s28, $0x3  }
0x7a: {  	s26 =	simm.s32 @!p0 $0x0;
	[sflag:s20] =	ssyncadd.s32 $0xFFFFF060;
	s14 =	sadd.s32 @!p0 s9, s12  }
0x7b: {  	[tilespmem:s13], [sflag:$0x1] =	stream.linear.gather @!p0 [hbm4b:s14+s26], $0xFA0, $0x38;
	[tilespmem:$0x14F00] =	vst v63  }
0x7c: {  	s12 =	sadd.s32 @!p0 s10, s12;
	s13 =	simm.s32 @!p0 $0xB600  }
0x7d: {  	[tilespmem:s13], [sflag:$0x1] =	stream.linear.gather @!p0 [hbm4b:s12+s26], $0xFA0, $0x38;
	[tilespmem:$0x14F00] =	vst v63  }
0x7e: {  	_ =	swait.ge [sflag:s21], $0xFA0  }
0x7f: {  	[sflag:s21] =	ssyncset.done $0x0  }
0x80: {  	[sflag:s21] =	ssyncadd.s32 $0xFFFFF060  }
0x81: {  	_ =	swait.ge [sflag:s21], $0xFA0  }
0x82: {  	[sflag:s21] =	ssyncset.done $0x0  }
0x83: {  	[sflag:s21] =	ssyncadd.s32 $0xFFFFF060  }
0x84: {  	[tilespmem:s22], [sflag:$0x4] =	stream.indirect.gather [spmem:s5], $0x1, s4, s16, $0xb8;
	[tilespmem:$0x14F00] =	vst v63  }
0x85: {  	_ = 	snop  }
0x86: {  	[tilespmem:s23], [sflag:$0x4] =	stream.indirect.gather [spmem:s6], $0x1, s4, s16, $0xb8;
	[tilespmem:$0x14F00] =	vst v63  }
0x87: {  	_ = 	snop  }
0x88: {  	[tilespmem:s24], [sflag:$0x4] =	stream.indirect.gather [spmem:s7], $0x1, s4, s16, $0xb8;
	[tilespmem:$0x14F00] =	vst v63  }
0x89: {  	_ =	swait.ge [sflag:s25], $0xFA0  }
0x8a: {  	[sflag:s25] =	ssyncset.done $0x0  }
0x8b: {  	[sflag:s25] =	ssyncadd.s32 $0xFFFFF060  }
0x8c: {  	_ =	swait.ge [sflag:s25], $0xFA0  }
0x8d: {  	[sflag:s25] =	ssyncset.done $0x0  }
0x8e: {  	[sflag:s25] =	ssyncadd.s32 $0xFFFFF060  }
0x8f: {  	_ =	swait.ge [sflag:s25], $0xFA0  }
0x90: {  	[sflag:s25] =	ssyncset.done $0x0  }
0x91: {  	[sflag:s25] =	ssyncadd.s32 $0xFFFFF060  }
0x92: {  	[spmem:s1] =	stream.indirect.scatter.add.f32 [tilespmem:s22], [sflag:$0x4], $0x1, s11, s16, $0xb8;
	[tilespmem:$0x14F00] =	vst v63  }
0x93: {  	_ = 	snop  }
0x94: {  	[spmem:s2] =	stream.indirect.scatter.add.f32 [tilespmem:s23], [sflag:$0x4], $0x1, s11, s16, $0xb8;
	[tilespmem:$0x14F00] =	vst v63  }
0x95: {  	_ = 	snop  }
0x96: {  	[spmem:s3] =	stream.indirect.scatter.add.f32 [tilespmem:s24], [sflag:$0x4], $0x1, s11, s16, $0xb8;
	[tilespmem:$0x14F00] =	vst v63  }
0x97: {  	_ =	swait.ge [sflag:s25], $0xFA0  }
0x98: {  	[sflag:s25] =	ssyncset.done $0x0  }
0x99: {  	[sflag:s25] =	ssyncadd.s32 $0xFFFFF060  }
0x9a: {  	_ =	swait.ge [sflag:s25], $0xFA0  }
0x9b: {  	[sflag:s25] =	ssyncset.done $0x0  }
0x9c: {  	[sflag:s25] =	ssyncadd.s32 $0xFFFFF060  }
0x9d: {  	s14 =	simm.s32 $0x7D0;
	_ =	swait.ge [sflag:s25], $0xFA0  }
0x9e: {  	s12 =	simm.s32 $0x3E8;
	s26 =	rddreg [dreg:$0xa];
	[sflag:s25] =	ssyncset.done $0x0  }
.LBB2_2:
0x9f: {  	[sflag:s25] =	ssyncadd.s32 $0xFFFFF060;
	s29 =	rddreg [dreg:$0x9];
	s26 =	sadd.s32 s12, s26  }
0xa0: {  	[tilespmem:s4], [sflag:$0x2] =	stream.linear.gather [hbm4b:s26+s8], $0xFA0, $0x38;
	[tilespmem:$0x14F00] =	vst v63  }
0xa1: {  	s30 =	sadd.s32 s12, s29  }
0xa2: {  	[tilespmem:s11], [sflag:$0x2] =	stream.linear.gather [hbm4b:s30+s8], $0xFA0, $0x38;
	[tilespmem:$0x14F00] =	vst v63  }
0xa3: {  	_ =	swait.ge [sflag:s15], $0xFA0  }
0xa4: {  	[sflag:s15] =	ssyncset.done $0x0  }
0xa5: {  	[sflag:s15] =	ssyncadd.s32 $0xFFFFF060  }
0xa6: {  	_ =	swait.ge [sflag:s15], $0xFA0  }
0xa7: {  	[sflag:s15] =	ssyncset.done $0x0  }
0xa8: {  	[sflag:s15] =	ssyncadd.s32 $0xFFFFF060  }
0xa9: {  	[tilespmem:s17], [sflag:$0x3] =	stream.indirect.gather [spmem:s5], $0x1, s31, s16, $0xb8;
	[tilespmem:$0x14F00] =	vst v63  }
0xaa: {  	_ = 	snop  }
0xab: {  	[tilespmem:s18], [sflag:$0x3] =	stream.indirect.gather [spmem:s6], $0x1, s31, s16, $0xb8;
	[tilespmem:$0x14F00] =	vst v63  }
0xac: {  	_ = 	snop  }
0xad: {  	[tilespmem:s19], [sflag:$0x3] =	stream.indirect.gather [spmem:s7], $0x1, s31, s16, $0xb8;
	[tilespmem:$0x14F00] =	vst v63  }
0xae: {  	_ =	swait.ge [sflag:s20], $0xFA0  }
0xaf: {  	[sflag:s20] =	ssyncset.done $0x0  }
0xb0: {  	[sflag:s20] =	ssyncadd.s32 $0xFFFFF060  }
0xb1: {  	_ =	swait.ge [sflag:s20], $0xFA0  }
0xb2: {  	[sflag:s20] =	ssyncset.done $0x0  }
0xb3: {  	[sflag:s20] =	ssyncadd.s32 $0xFFFFF060  }
0xb4: {  	_ =	swait.ge [sflag:s20], $0xFA0  }
0xb5: {  	[sflag:s20] =	ssyncset.done $0x0  }
0xb6: {  	[sflag:s20] =	ssyncadd.s32 $0xFFFFF060  }
0xb7: {  	[spmem:s1] =	stream.indirect.scatter.add.f32 [tilespmem:s17], [sflag:$0x3], $0x1, s0, s16, $0xb8;
	[tilespmem:$0x14F00] =	vst v63  }
0xb8: {  	_ = 	snop  }
0xb9: {  	[spmem:s2] =	stream.indirect.scatter.add.f32 [tilespmem:s18], [sflag:$0x3], $0x1, s0, s16, $0xb8;
	[tilespmem:$0x14F00] =	vst v63  }
0xba: {  	_ = 	snop  }
0xbb: {  	[spmem:s3] =	stream.indirect.scatter.add.f32 [tilespmem:s19], [sflag:$0x3], $0x1, s0, s16, $0xb8;
	[tilespmem:$0x14F00] =	vst v63  }
0xbc: {  	_ =	swait.ge [sflag:s20], $0xFA0  }
0xbd: {  	[sflag:s20] =	ssyncset.done $0x0  }
0xbe: {  	[sflag:s20] =	ssyncadd.s32 $0xFFFFF060  }
0xbf: {  	_ =	swait.ge [sflag:s20], $0xFA0  }
0xc0: {  	[sflag:s20] =	ssyncset.done $0x0  }
0xc1: {  	s28 =	sadd.s32 $0x1F40, s28;
	s13 =	smov.u32 s14;
	[sflag:s20] =	ssyncadd.s32 $0xFFFFF060  }
0xc2: {  	p1 =	seq.s32 s12, $0x5DC0;
	s12 =	smov.u32 s13;
	_ =	swait.ge [sflag:s20], $0xFA0  }
0xc3: {  	s13 =	sshrl.u32 @!p1 s28, $0x3;
	s26 =	simm.s32 @!p1 $0x9600;
	[sflag:s20] =	ssyncset.done $0x0  }
0xc4: {  	s29 =	sadd.s32 @!p1 s9, s13;
	s30 =	simm.s32 @!p1 $0x0;
	[sflag:s20] =	ssyncadd.s32 $0xFFFFF060  }
0xc5: {  	[tilespmem:s26], [sflag:$0x1] =	stream.linear.gather @!p1 [hbm4b:s29+s30], $0xFA0, $0x38;
	[tilespmem:$0x14F00] =	vst v63  }
0xc6: {  	s13 =	sadd.s32 @!p1 s10, s13;
	s26 =	simm.s32 @!p1 $0xB600  }
0xc7: {  	[tilespmem:s26], [sflag:$0x1] =	stream.linear.gather @!p1 [hbm4b:s13+s30], $0xFA0, $0x38;
	[tilespmem:$0x14F00] =	vst v63  }
0xc8: {  	_ =	swait.ge [sflag:s21], $0xFA0  }
0xc9: {  	[sflag:s21] =	ssyncset.done $0x0  }
0xca: {  	[sflag:s21] =	ssyncadd.s32 $0xFFFFF060  }
0xcb: {  	_ =	swait.ge [sflag:s21], $0xFA0  }
0xcc: {  	[sflag:s21] =	ssyncset.done $0x0  }
0xcd: {  	[sflag:s21] =	ssyncadd.s32 $0xFFFFF060  }
0xce: {  	[tilespmem:s22], [sflag:$0x4] =	stream.indirect.gather [spmem:s5], $0x1, s4, s16, $0xb8;
	[tilespmem:$0x14F00] =	vst v63  }
0xcf: {  	_ = 	snop  }
0xd0: {  	[tilespmem:s23], [sflag:$0x4] =	stream.indirect.gather [spmem:s6], $0x1, s4, s16, $0xb8;
	[tilespmem:$0x14F00] =	vst v63  }
0xd1: {  	_ = 	snop  }
0xd2: {  	[tilespmem:s24], [sflag:$0x4] =	stream.indirect.gather [spmem:s7], $0x1, s4, s16, $0xb8;
	[tilespmem:$0x14F00] =	vst v63  }
0xd3: {  	_ =	swait.ge [sflag:s25], $0xFA0  }
0xd4: {  	[sflag:s25] =	ssyncset.done $0x0  }
0xd5: {  	[sflag:s25] =	ssyncadd.s32 $0xFFFFF060  }
0xd6: {  	_ =	swait.ge [sflag:s25], $0xFA0  }
0xd7: {  	[sflag:s25] =	ssyncset.done $0x0  }
0xd8: {  	[sflag:s25] =	ssyncadd.s32 $0xFFFFF060  }
0xd9: {  	_ =	swait.ge [sflag:s25], $0xFA0  }
0xda: {  	[sflag:s25] =	ssyncset.done $0x0  }
0xdb: {  	[sflag:s25] =	ssyncadd.s32 $0xFFFFF060  }
0xdc: {  	[spmem:s1] =	stream.indirect.scatter.add.f32 [tilespmem:s22], [sflag:$0x4], $0x1, s11, s16, $0xb8;
	[tilespmem:$0x14F00] =	vst v63  }
0xdd: {  	_ = 	snop  }
0xde: {  	[spmem:s2] =	stream.indirect.scatter.add.f32 [tilespmem:s23], [sflag:$0x4], $0x1, s11, s16, $0xb8;
	[tilespmem:$0x14F00] =	vst v63  }
0xdf: {  	_ = 	snop  }
0xe0: {  	[spmem:s3] =	stream.indirect.scatter.add.f32 [tilespmem:s24], [sflag:$0x4], $0x1, s11, s16, $0xb8;
	[tilespmem:$0x14F00] =	vst v63  }
0xe1: {  	_ =	swait.ge [sflag:s25], $0xFA0  }
0xe2: {  	s14 =	sadd.s32 $0x3E8, s14;
	[sflag:s25] =	ssyncset.done $0x0  }
0xe3: {  	p0 =	sne.s32 s14, $0x61A8;
	[sflag:s25] =	ssyncadd.s32 $0xFFFFF060  }
.Ltmp0:
0xe4: {  	_ =	swait.ge [sflag:s25], $0xFA0;
	(pc) =	sbr.rel @p0 .LBB2_2-.Ltmp0, $4  }
0xe5: {  	[sflag:s25] =	ssyncset.done $0x0  }
0xe6: {  	[sflag:s25] =	ssyncadd.s32 $0xFFFFF060  }
0xe7: {  	_ =	swait.ge [sflag:s25], $0xFA0  }
0xe8: {  	s26 =	rddreg [dreg:$0xa];
	[sflag:s25] =	ssyncset.done $0x0  }
0xe9: {  	s13 =	rddreg [dreg:$0x9];
	[sflag:s25] =	ssyncadd.s32 $0xFFFFF060;
	s14 =	sadd.s32 s12, s26  }
0xea: {  	[tilespmem:s4], [sflag:$0x2] =	stream.linear.gather [hbm4b:s14+s8], $0xFA0, $0x38;
	[tilespmem:$0x14F00] =	vst v63  }
0xeb: {  	s13 =	sadd.s32 s12, s13  }
0xec: {  	[tilespmem:s11], [sflag:$0x2] =	stream.linear.gather [hbm4b:s13+s8], $0xFA0, $0x38;
	[tilespmem:$0x14F00] =	vst v63  }
0xed: {  	_ =	swait.ge [sflag:s15], $0xFA0  }
0xee: {  	[sflag:s15] =	ssyncset.done $0x0  }
0xef: {  	[sflag:s15] =	ssyncadd.s32 $0xFFFFF060  }
0xf0: {  	_ =	swait.ge [sflag:s15], $0xFA0  }
0xf1: {  	[sflag:s15] =	ssyncset.done $0x0  }
0xf2: {  	[sflag:s15] =	ssyncadd.s32 $0xFFFFF060  }
0xf3: {  	[tilespmem:s17], [sflag:$0x3] =	stream.indirect.gather [spmem:s5], $0x1, s31, s16, $0xb8;
	[tilespmem:$0x14F00] =	vst v63  }
0xf4: {  	_ = 	snop  }
0xf5: {  	[tilespmem:s18], [sflag:$0x3] =	stream.indirect.gather [spmem:s6], $0x1, s31, s16, $0xb8;
	[tilespmem:$0x14F00] =	vst v63  }
0xf6: {  	_ = 	snop  }
0xf7: {  	[tilespmem:s19], [sflag:$0x3] =	stream.indirect.gather [spmem:s7], $0x1, s31, s16, $0xb8;
	[tilespmem:$0x14F00] =	vst v63  }
0xf8: {  	_ =	swait.ge [sflag:s20], $0xFA0  }
0xf9: {  	[sflag:s20] =	ssyncset.done $0x0  }
0xfa: {  	[sflag:s20] =	ssyncadd.s32 $0xFFFFF060  }
0xfb: {  	_ =	swait.ge [sflag:s20], $0xFA0  }
0xfc: {  	[sflag:s20] =	ssyncset.done $0x0  }
0xfd: {  	[sflag:s20] =	ssyncadd.s32 $0xFFFFF060  }
0xfe: {  	_ =	swait.ge [sflag:s20], $0xFA0  }
0xff: {  	[sflag:s20] =	ssyncset.done $0x0  }
0x100: {  	[sflag:s20] =	ssyncadd.s32 $0xFFFFF060  }
0x101: {  	[spmem:s1] =	stream.indirect.scatter.add.f32 [tilespmem:s17], [sflag:$0x3], $0x1, s0, s16, $0xb8;
	[tilespmem:$0x14F00] =	vst v63  }
0x102: {  	_ = 	snop  }
0x103: {  	[spmem:s2] =	stream.indirect.scatter.add.f32 [tilespmem:s18], [sflag:$0x3], $0x1, s0, s16, $0xb8;
	[tilespmem:$0x14F00] =	vst v63  }
0x104: {  	_ = 	snop  }
0x105: {  	[spmem:s3] =	stream.indirect.scatter.add.f32 [tilespmem:s19], [sflag:$0x3], $0x1, s0, s16, $0xb8;
	[tilespmem:$0x14F00] =	vst v63  }
0x106: {  	_ =	swait.ge [sflag:s20], $0xFA0  }
0x107: {  	[sflag:s20] =	ssyncset.done $0x0  }
0x108: {  	[sflag:s20] =	ssyncadd.s32 $0xFFFFF060  }
0x109: {  	_ =	swait.ge [sflag:s20], $0xFA0  }
0x10a: {  	[sflag:s20] =	ssyncset.done $0x0  }
0x10b: {  	[sflag:s20] =	ssyncadd.s32 $0xFFFFF060  }
0x10c: {  	p0 =	seq.s32 s12, $0x5DC0;
	s13 =	sadd.s32 $0x1F40, s28;
	_ =	swait.ge [sflag:s20], $0xFA0  }
0x10d: {  	s26 =	simm.s32 @!p0 $0x0;
	s12 =	sshrl.u32 @!p0 s13, $0x3;
	[sflag:s20] =	ssyncset.done $0x0  }
0x10e: {  	s13 =	simm.s32 @!p0 $0x9600;
	s14 =	sadd.s32 @!p0 s9, s12;
	[sflag:s20] =	ssyncadd.s32 $0xFFFFF060  }
0x10f: {  	[tilespmem:s13], [sflag:$0x1] =	stream.linear.gather @!p0 [hbm4b:s14+s26], $0xFA0, $0x38;
	[tilespmem:$0x14F00] =	vst v63  }
0x110: {  	s12 =	sadd.s32 @!p0 s10, s12;
	s13 =	simm.s32 @!p0 $0xB600  }
0x111: {  	[tilespmem:s13], [sflag:$0x1] =	stream.linear.gather @!p0 [hbm4b:s12+s26], $0xFA0, $0x38;
	[tilespmem:$0x14F00] =	vst v63  }
0x112: {  	_ =	swait.ge [sflag:s21], $0xFA0  }
0x113: {  	[sflag:s21] =	ssyncset.done $0x0  }
0x114: {  	[sflag:s21] =	ssyncadd.s32 $0xFFFFF060  }
0x115: {  	_ =	swait.ge [sflag:s21], $0xFA0  }
0x116: {  	[sflag:s21] =	ssyncset.done $0x0  }
0x117: {  	[sflag:s21] =	ssyncadd.s32 $0xFFFFF060  }
0x118: {  	[tilespmem:s22], [sflag:$0x4] =	stream.indirect.gather [spmem:s5], $0x1, s4, s16, $0xb8;
	[tilespmem:$0x14F00] =	vst v63  }
0x119: {  	_ = 	snop  }
0x11a: {  	[tilespmem:s23], [sflag:$0x4] =	stream.indirect.gather [spmem:s6], $0x1, s4, s16, $0xb8;
	[tilespmem:$0x14F00] =	vst v63  }
0x11b: {  	_ = 	snop  }
0x11c: {  	[tilespmem:s24], [sflag:$0x4] =	stream.indirect.gather [spmem:s7], $0x1, s4, s16, $0xb8;
	[tilespmem:$0x14F00] =	vst v63  }
0x11d: {  	_ =	swait.ge [sflag:s25], $0xFA0  }
0x11e: {  	[sflag:s25] =	ssyncset.done $0x0  }
0x11f: {  	[sflag:s25] =	ssyncadd.s32 $0xFFFFF060  }
0x120: {  	_ =	swait.ge [sflag:s25], $0xFA0  }
0x121: {  	[sflag:s25] =	ssyncset.done $0x0  }
0x122: {  	[sflag:s25] =	ssyncadd.s32 $0xFFFFF060  }
0x123: {  	_ =	swait.ge [sflag:s25], $0xFA0  }
0x124: {  	[sflag:s25] =	ssyncset.done $0x0  }
0x125: {  	[sflag:s25] =	ssyncadd.s32 $0xFFFFF060  }
0x126: {  	[spmem:s1] =	stream.indirect.scatter.add.f32 [tilespmem:s22], [sflag:$0x4], $0x1, s11, s16, $0xb8;
	[tilespmem:$0x14F00] =	vst v63  }
0x127: {  	_ = 	snop  }
0x128: {  	[spmem:s2] =	stream.indirect.scatter.add.f32 [tilespmem:s23], [sflag:$0x4], $0x1, s11, s16, $0xb8;
	[tilespmem:$0x14F00] =	vst v63  }
0x129: {  	_ = 	snop  }
0x12a: {  	[spmem:s3] =	stream.indirect.scatter.add.f32 [tilespmem:s24], [sflag:$0x4], $0x1, s11, s16, $0xb8;
	[tilespmem:$0x14F00] =	vst v63  }
0x12b: {  	_ =	swait.ge [sflag:s25], $0xFA0  }
0x12c: {  	[sflag:s25] =	ssyncset.done $0x0  }
0x12d: {  	[sflag:s25] =	ssyncadd.s32 $0xFFFFF060  }
0x12e: {  	_ =	swait.ge [sflag:s25], $0xFA0  }
0x12f: {  	[sflag:s25] =	ssyncset.done $0x0  }
0x130: {  	[sflag:s25] =	ssyncadd.s32 $0xFFFFF060  }
0x131: {  	_ =	swait.ge [sflag:s25], $0xFA0  }
0x132: {  	[sflag:s25] =	ssyncset.done $0x0  }
0x133: {  	[sflag:s25] =	ssyncadd.s32 $0xFFFFF060  }
0x134: {  	[bflag:$0x0] =	sbarrier.arrive $0xFFFF  }
0x135: {  	s14 =	simm.s32 $0x5;
	s13 =	simm.s32 $0x13600;
	s26 =	rddreg [dreg:$0xc]  }
0x136: {  	[tilespmem:s13], [sflag:$0x5] =	stream.linear.gather [spmem:s26], $0x1900, $0x38;
	[tilespmem:$0x14F00] =	vst v63  }
0x137: {  	_ =	swait.ge [sflag:s14], $0x1900  }
0x138: {  	[sflag:s14] =	ssyncset.done $0x0  }
0x139: {  	s12 =	rddreg [dreg:$0x11];
	[sflag:s14] =	ssyncadd.s32 $0xFFFFE700  }
0x13a: {  	[hbm4b:s12+s8] =	stream.linear.scatter [tilespmem:s13], [sflag:$0x5], $0x1900, $0x38;
	[tilespmem:$0x14F00] =	vst v63  }
0x13b: {  	_ =	swait.ge [sflag:s14], $0x1900  }
0x13c: {  	[sflag:s14] =	ssyncset.done $0x0  }
0x13d: {  	s28 =	rddreg [dreg:$0xd];
	[sflag:s14] =	ssyncadd.s32 $0xFFFFE700  }
0x13e: {  	[tilespmem:s13], [sflag:$0x5] =	stream.linear.gather [spmem:s28], $0x1900, $0x38;
	[tilespmem:$0x14F00] =	vst v63  }
0x13f: {  	_ =	swait.ge [sflag:s14], $0x1900  }
0x140: {  	[sflag:s14] =	ssyncset.done $0x0  }
0x141: {  	s12 =	rddreg [dreg:$0x18];
	[sflag:s14] =	ssyncadd.s32 $0xFFFFE700  }
0x142: {  	[hbm4b:s12+s8] =	stream.linear.scatter [tilespmem:s13], [sflag:$0x5], $0x1900, $0x38;
	[tilespmem:$0x14F00] =	vst v63  }
0x143: {  	_ =	swait.ge [sflag:s14], $0x1900  }
0x144: {  	[sflag:s14] =	ssyncset.done $0x0  }
0x145: {  	s29 =	rddreg [dreg:$0xe];
	[sflag:s14] =	ssyncadd.s32 $0xFFFFE700  }
0x146: {  	[tilespmem:s13], [sflag:$0x5] =	stream.linear.gather [spmem:s29], $0x1900, $0x38;
	[tilespmem:$0x14F00] =	vst v63  }
0x147: {  	_ =	swait.ge [sflag:s14], $0x1900  }
0x148: {  	[sflag:s14] =	ssyncset.done $0x0  }
0x149: {  	s12 =	rddreg [dreg:$0x19];
	[sflag:s14] =	ssyncadd.s32 $0xFFFFE700  }
0x14a: {  	[hbm4b:s12+s8] =	stream.linear.scatter [tilespmem:s13], [sflag:$0x5], $0x1900, $0x38;
	[tilespmem:$0x14F00] =	vst v63  }
0x14b: {  	_ =	swait.ge [sflag:s14], $0x1900  }
0x14c: {  	s30 =	rddreg [dreg:$0x1c]  }
0x14d: {  	s12 =	rddreg [dreg:$0x1a];
	s30 =	sadd.s32 $0x1, s30  }
0x14e: {  	p0 =	sne.s32 s30, s12  }
.Ltmp1:
0x14f: {  	_ = 	snop;
	(pc) =	sbr.rel @p0 .LBB2_1-.Ltmp1, $3  }
0x150: {  	_ =	sdelay $0x1  }
0x151: {  	[sflag:s14] =	ssyncset.done $0x0  }
0x152: {  	[sflag:s14] =	ssyncadd.s32 $0xFFFFE700  }
0x153: {  	_ =	sfence.sel $0x180000  }
0x154: {  	[bflag:$0x0] =	sbarrier.arrive $0xFFFF  }
0x155: {  	_ =	strace $0x90000050  }
0x156: {  	s0 =	stileid.u32;
	[bflag:$0x2] =	sbarrier.arrive $0xFFFF  }
0x157: {  	p0 =	sne.s32 s0, $0x0;
	s0 =	rddreg [dreg:$0x8]  }
0x158: {  	s0 =	sadd.s32 @!p0 $0x100000, s0  }
0x159: {  	[sflag:s0] =	ssyncadd.tile.s32 @!p0 $0x1;
	_ =	shalt  }
.Lfunc_end2:
_tile_overlayer_lowered:
.L_overlay_start_2:
0x15a: {  	(tag) =	ssettag $0x2  }
0x15b: {  	s0 =	rddreg [dreg:$0x0];
	s2 =	stileid.u32  }
0x15c: {  	s1 =	rddreg [dreg:$0x1];
	p0 =	sne.s32 s2, $0x0  }
0x15d: {  	s3 =	rddreg [dreg:$0x2];
	[bflag:$0x3] =	sbarrier.arrive $0xFFFF;
	s2 =	simm.s32 @!p0 $0x1C05  }
0x15e: {  	[timem:s3], [sflag:s2] =	dma.local @!p0 [hbm:s0], s1  }
0x15f: {  	s0 =	simm.s32 @!p0 $0x5  }
0x160: {  	_ =	swait.ge @!p0 [sflag:s0], s1  }
0x161: {  	s1 =	ssub.s32 @!p0 $0x0, s1;
	[sflag:s0] =	ssyncset.done @!p0 $0x0  }
0x162: {  	[sflag:s0] =	ssyncadd.s32 @!p0 s1  }
0x163: {  	[bflag:$0x3] =	sbarrier.arrive $0xFFFF  }
0x164: {  	_ =	shalt  }

</sc_bundles>
